<compile_context>
chip_gen: v7x
topology: tpu7x:2x2x1
jax: 0.10.2.dev20260603
libtpu: 0.0.44.dev20260713+nightly
codegen_flags: <defaults>
</compile_context>

<pallas_src>
import functools

import jax
import jax.numpy as jnp
from jax import lax
from jax.experimental import pallas as pl
from jax.experimental.pallas import tpu as pltpu
from jax.experimental.pallas import tpu_sc as plsc

_N_PROP = 20000
_N_CLS = 80
_NFLAT = _N_PROP * _N_CLS
_SCORE_THR = 0.05
_IOU_THR = 0.5
_MAX_PER_IMG = 100
_NMS_PRE = 1000
_MAX_RATIO = 4.135166556742356
_OFFSET = 4096.0
_NC = 1024
_NW = 32
_PER_W = _NFLAT // _NW
_ROWS_W = 624
_ROWS_TAIL = _N_PROP - _NW * _ROWS_W
_REG_PAD = 512
_SLAB = 2048
_CBUF = 2048
_BIGIDX = 0x3FFFFFFF
_NEGINF_BITS = -8388608


def _softmax_kernel(x_ref, o_ref):
    x = x_ref[...]
    m = jnp.max(x, axis=1, keepdims=True)
    e = jnp.exp(x - m)
    s = jnp.sum(e, axis=1, keepdims=True)
    o_ref[...] = e[:, :_N_CLS] / s


def _softmax_scores(class_outs):
    blk = 2000
    return pl.pallas_call(
        _softmax_kernel,
        grid=(_N_PROP // blk,),
        in_specs=[pl.BlockSpec((blk, _N_CLS + 1), lambda i: (i, 0))],
        out_specs=pl.BlockSpec((blk, _N_CLS), lambda i: (i, 0)),
        out_shape=jax.ShapeDtypeStruct((_N_PROP, _N_CLS), jnp.float32),
    )(class_outs)


def _sc_mesh():
    return plsc.VectorSubcoreMesh(core_axis_name="c", subcore_axis_name="s")


def _compact1(scores_flat):
    @functools.partial(
        pl.kernel,
        mesh=_sc_mesh(),
        compiler_params=pltpu.CompilerParams(needs_layout_passes=False),
        out_type=[
            jax.ShapeDtypeStruct((_NW, _SLAB), jnp.int32),
            jax.ShapeDtypeStruct((_NW, _SLAB), jnp.int32),
        ],
        scratch_types=[
            pltpu.VMEM((_ROWS_W + _ROWS_TAIL, _N_CLS), jnp.float32),
            pltpu.VMEM((_SLAB,), jnp.int32),
            pltpu.VMEM((_SLAB,), jnp.int32),
        ],
    )
    def k(s_hbm, slab_s_hbm, slab_i_hbm, buf, sbuf, ibuf):
        wid = lax.axis_index("s") * 2 + lax.axis_index("c")
        row0 = pl.multiple_of(wid * _ROWS_W, 8)
        base = row0 * _N_CLS
        pltpu.sync_copy(s_hbm.at[pl.ds(row0, _ROWS_W)],
                        buf.at[pl.ds(0, _ROWS_W)])

        @pl.when(wid == _NW - 1)
        def _():
            pltpu.sync_copy(s_hbm.at[pl.ds(_NW * _ROWS_W, _ROWS_TAIL)],
                            buf.at[pl.ds(_ROWS_W, _ROWS_TAIL)])
        nrows = jnp.where(wid == _NW - 1, _ROWS_W + _ROWS_TAIL, _ROWS_W)
        neg = jnp.full((16,), _NEGINF_BITS, jnp.int32)
        bigi = jnp.full((16,), _BIGIDX, jnp.int32)

        def fill(i, carry):
            sbuf[pl.ds(i * 16, 16)] = neg
            ibuf[pl.ds(i * 16, 16)] = bigi
            return carry

        lax.fori_loop(0, _SLAB // 16, fill, 0)
        iota16 = lax.iota(jnp.int32, 16)

        def step(r, off):
            for cch in range(_N_CLS // 16):
                v = buf[r, pl.ds(cch * 16, 16)]
                mask = v > _SCORE_THR
                c = jnp.cumsum(jnp.where(mask, 1, 0))
                pos = jnp.minimum(off + c - 1, _SLAB - 1)
                plsc.store_scatter(sbuf, [pos], plsc.bitcast(v, jnp.int32),
                                   mask=mask)
                idxv = iota16 + (base + r * _N_CLS + cch * 16)
                plsc.store_scatter(ibuf, [pos], idxv, mask=mask)
                off = off + jnp.max(c)
            return off

        lax.fori_loop(0, nrows, step, jnp.int32(0))
        pltpu.sync_copy(sbuf, slab_s_hbm.at[wid])
        pltpu.sync_copy(ibuf, slab_i_hbm.at[wid])

    return k(scores_flat)


def _thresh_kernel(s_ref, t_ref, off_ref):
    s = s_ref[...]

    def it(_, lohi):
        lo, hi = lohi
        mid = (lo + hi) * 0.5
        cnt = jnp.sum(jnp.where(s > mid, 1.0, 0.0))
        pred = cnt >= float(_NMS_PRE)
        return (jnp.where(pred, mid, lo), jnp.where(pred, hi, mid))

    lo, _ = lax.fori_loop(0, 30, it, (jnp.float32(_SCORE_THR),
                                      jnp.float32(1.0)))
    t_ref[...] = jnp.full((1, 16), lo, jnp.float32)
    cnt_rows = jnp.sum(jnp.where(s > lo, 1.0, 0.0), axis=1, keepdims=True)
    pad_rows = jnp.floor((cnt_rows + 15.0) * (1.0 / 16.0)) * 16.0
    gi = lax.broadcasted_iota(jnp.int32, (_NW + 1, _NW), 0)
    gj = lax.broadcasted_iota(jnp.int32, (_NW + 1, _NW), 1)
    tri = jnp.where(gj < gi, 1.0, 0.0)
    goff = jax.lax.dot_general(tri, pad_rows, (((1,), (0,)), ((), ())),
                               preferred_element_type=jnp.float32,
                             precision=jax.lax.Precision.HIGHEST)
    off_ref[...] = jnp.broadcast_to(goff, (_NW + 1, 16)).astype(jnp.int32)


def _find_threshold(slab_s):
    tlow, offs = pl.pallas_call(
        _thresh_kernel,
        out_shape=[
            jax.ShapeDtypeStruct((1, 16), jnp.float32),
            jax.ShapeDtypeStruct((_NW + 1, 16), jnp.int32),
        ],
    )(slab_s)
    return tlow.reshape(-1), offs


def _compact2(slab_s, slab_i, tlow16, offs):
    @functools.partial(
        pl.kernel,
        mesh=_sc_mesh(),
        compiler_params=pltpu.CompilerParams(needs_layout_passes=False),
        out_type=[
            jax.ShapeDtypeStruct((_CBUF,), jnp.int32),
            jax.ShapeDtypeStruct((_CBUF,), jnp.int32),
        ],
        scratch_types=[
            pltpu.VMEM((_SLAB,), jnp.int32),
            pltpu.VMEM((_SLAB,), jnp.int32),
            pltpu.VMEM((16,), jnp.float32),
            pltpu.VMEM((_SLAB,), jnp.int32),
            pltpu.VMEM((_SLAB,), jnp.int32),
            pltpu.VMEM((16,), jnp.int32),
            pltpu.VMEM((16,), jnp.int32),
        ],
    )
    def k(ss_hbm, si_hbm, tl_hbm, off_hbm, cs_hbm, ci_hbm,
          sbuf, ibuf, tbuf, osbuf, oibuf, goffb, nextb):
        wid = lax.axis_index("s") * 2 + lax.axis_index("c")
        pltpu.sync_copy(ss_hbm.at[wid], sbuf)
        pltpu.sync_copy(si_hbm.at[wid], ibuf)
        pltpu.sync_copy(tl_hbm, tbuf)
        pltpu.sync_copy(off_hbm.at[wid], goffb)
        pltpu.sync_copy(off_hbm.at[wid + 1], nextb)
        tv = tbuf[...]
        goff = jnp.max(goffb[...])
        pad16 = jnp.max(nextb[...]) - goff
        neg = jnp.full((16,), _NEGINF_BITS, jnp.int32)
        bigi = jnp.full((16,), _BIGIDX, jnp.int32)

        def fill(i, carry):
            osbuf[pl.ds(i * 16, 16)] = neg
            oibuf[pl.ds(i * 16, 16)] = bigi
            return carry

        lax.fori_loop(0, _SLAB // 16, fill, 0)

        def step(i, off):
            vi = sbuf[pl.ds(i * 16, 16)]
            iv = ibuf[pl.ds(i * 16, 16)]
            mask = plsc.bitcast(vi, jnp.float32) > tv
            c = jnp.cumsum(jnp.where(mask, 1, 0))
            pos = jnp.minimum(off + c - 1, _SLAB - 1)
            plsc.store_scatter(osbuf, [pos], vi, mask=mask)
            plsc.store_scatter(oibuf, [pos], iv, mask=mask)
            return off + jnp.max(c)

        lax.fori_loop(0, _SLAB // 16, step, jnp.int32(0))

        def emit(kk, carry):
            dst = pl.multiple_of(jnp.minimum(goff + kk * 16, _CBUF - 16), 16)
            pltpu.sync_copy(osbuf.at[pl.ds(kk * 16, 16)],
                            cs_hbm.at[pl.ds(dst, 16)])
            pltpu.sync_copy(oibuf.at[pl.ds(kk * 16, 16)],
                            ci_hbm.at[pl.ds(dst, 16)])
            return carry

        lax.fori_loop(0, pad16 // 16, emit, 0)

    return k(slab_s, slab_i, tlow16, offs)


def _rank_kernel(mp_ref, scol_ref, icol_ref, srow_ref, irow_ref, rank_ref):
    mp = mp_ref[0]
    pid = pl.program_id(0)
    blk = scol_ref.shape[0]
    gcol = pid * blk + lax.broadcasted_iota(jnp.int32, (blk, 1), 0)
    grow = lax.broadcasted_iota(jnp.int32, (1, _CBUF), 1)
    scol = jnp.where(gcol < mp, scol_ref[...], -jnp.inf)
    icol = jnp.where(gcol < mp, icol_ref[...], _BIGIDX)
    srow = jnp.where(grow < mp, srow_ref[...], -jnp.inf)
    irow = jnp.where(grow < mp, irow_ref[...], _BIGIDX)
    cmp = (srow > scol) | ((srow == scol) & (irow < icol))
    rank_ref[...] = jnp.sum(jnp.where(cmp, 1.0, 0.0), axis=1, keepdims=True)


def _select_kernel(rank_ref, feat_ref, o_ref):
    pid = pl.program_id(0)

    @pl.when(pid == 0)
    def _():
        o_ref[...] = jnp.zeros_like(o_ref)

    blk = feat_ref.shape[0]
    rank = rank_ref[...]
    riota = lax.broadcasted_iota(jnp.int32, (_NC, blk), 0).astype(jnp.float32)
    p = jnp.where(riota == rank, 1.0, 0.0)
    o_ref[...] += jax.lax.dot_general(
        p, feat_ref[...], (((1,), (0,)), ((), ())),
        preferred_element_type=jnp.float32,
                             precision=jax.lax.Precision.HIGHEST)


def _top_candidates(cand_s, cand_i, mp16):
    blk = 512
    scol = cand_s.reshape(_CBUF, 1)
    srow = cand_s.reshape(1, _CBUF)
    icol = cand_i.reshape(_CBUF, 1)
    irow = cand_i.reshape(1, _CBUF)
    rank = pl.pallas_call(
        _rank_kernel,
        grid=(_CBUF // blk,),
        in_specs=[
            pl.BlockSpec(memory_space=pltpu.SMEM),
            pl.BlockSpec((blk, 1), lambda i: (i, 0)),
            pl.BlockSpec((blk, 1), lambda i: (i, 0)),
            pl.BlockSpec((1, _CBUF), lambda i: (0, 0)),
            pl.BlockSpec((1, _CBUF), lambda i: (0, 0)),
        ],
        out_specs=pl.BlockSpec((blk, 1), lambda i: (i, 0)),
        out_shape=jax.ShapeDtypeStruct((_CBUF, 1), jnp.float32),
    )(mp16, scol, icol, srow, irow)

    feat = jnp.concatenate(
        [cand_s.reshape(-1, 1), cand_i.astype(jnp.float32).reshape(-1, 1),
         jnp.zeros((_CBUF, 6), jnp.float32)], axis=1)
    out = pl.pallas_call(
        _select_kernel,
        grid=(_CBUF // blk,),
        in_specs=[
            pl.BlockSpec((1, blk), lambda i: (0, i)),
            pl.BlockSpec((blk, 8), lambda i: (i, 0)),
        ],
        out_specs=pl.BlockSpec((_NC, 8), lambda i: (0, 0)),
        out_shape=jax.ShapeDtypeStruct((_NC, 8), jnp.float32),
    )(rank.reshape(1, _CBUF), feat)
    return out[:, 0], out[:, 1]


def _pad_kernel(x_ref, o_ref):
    o_ref[:, 0:_N_CLS * 4] = x_ref[...]
    o_ref[:, _N_CLS * 4:_REG_PAD] = jnp.zeros(
        (x_ref.shape[0], _REG_PAD - _N_CLS * 4), jnp.float32)


def _pad_reg(reg):
    blk = 2000
    return pl.pallas_call(
        _pad_kernel,
        grid=(_N_PROP // blk,),
        in_specs=[pl.BlockSpec((blk, _N_CLS * 4), lambda i: (i, 0))],
        out_specs=pl.BlockSpec((blk, _REG_PAD), lambda i: (i, 0)),
        out_shape=jax.ShapeDtypeStruct((_N_PROP, _REG_PAD), jnp.float32),
    )(reg)


def _gather_cands(regp, box128, idx1024):
    per_w = _NC // _NW

    @functools.partial(
        pl.kernel,
        mesh=_sc_mesh(),
        compiler_params=pltpu.CompilerParams(needs_layout_passes=False),
        out_type=[
            jax.ShapeDtypeStruct((_NC, 4), jnp.float32),
            jax.ShapeDtypeStruct((_NC, 4), jnp.float32),
        ],
        scratch_types=[
            pltpu.VMEM((per_w,), jnp.int32),
            pltpu.VMEM((per_w,), jnp.int32),
            pltpu.VMEM((per_w,), jnp.int32),
            pltpu.VMEM((per_w, _REG_PAD), jnp.float32),
            pltpu.VMEM((per_w, 128), jnp.float32),
            pltpu.VMEM((per_w, 4), jnp.float32),
            pltpu.VMEM((per_w, 4), jnp.float32),
            pltpu.SemaphoreType.DMA,
        ],
    )
    def k(reg_hbm, box_hbm, idx_hbm, od_hbm, or_hbm,
          idxb, propb, browi, dbuf, bbuf, odbuf, orbuf, sem):
        wid = lax.axis_index("s") * 2 + lax.axis_index("c")
        base = wid * per_w
        pltpu.sync_copy(idx_hbm.at[pl.ds(base, per_w)], idxb)
        iota16 = lax.iota(jnp.int32, 16)
        for j in range(per_w // 16):
            iv = idxb[pl.ds(j * 16, 16)]
            pv = iv // _N_CLS
            propb[pl.ds(j * 16, 16)] = pv
            browi[pl.ds(j * 16, 16)] = pv // 32
        pltpu.async_copy(reg_hbm.at[propb], dbuf, sem).wait()
        pltpu.async_copy(box_hbm.at[browi], bbuf, sem).wait()
        for j in range(per_w // 16):
            iv = idxb[pl.ds(j * 16, 16)]
            lrow = j * 16 + iota16
            clsv = iv % _N_CLS
            pv = iv // _N_CLS
            bcol = 4 * (pv % 32)
            for c in range(4):
                cc = jnp.full((16,), c, jnp.int32)
                dv = plsc.load_gather(dbuf, [lrow, 4 * clsv + c])
                plsc.store_scatter(odbuf, [lrow, cc], dv)
                bv = plsc.load_gather(bbuf, [lrow, bcol + c])
                plsc.store_scatter(orbuf, [lrow, cc], bv)
        pltpu.sync_copy(odbuf, od_hbm.at[pl.ds(base, per_w)])
        pltpu.sync_copy(orbuf, or_hbm.at[pl.ds(base, per_w)])

    return k(regp, box128, idx1024)


def _decode_rc(rois, deltas, labels, W, H):
    dx = deltas[0] * 0.1
    dy = deltas[1] * 0.1
    dw = jnp.clip(deltas[2] * 0.2, -_MAX_RATIO, _MAX_RATIO)
    dh = jnp.clip(deltas[3] * 0.2, -_MAX_RATIO, _MAX_RATIO)
    pw = rois[2] - rois[0]
    ph = rois[3] - rois[1]
    px = (rois[0] + rois[2]) * 0.5
    py = (rois[1] + rois[3]) * 0.5
    gw = pw * jnp.exp(dw)
    gh = ph * jnp.exp(dh)
    gx = px + pw * dx
    gy = py + ph * dy
    x1 = jnp.clip(gx - gw * 0.5, 0.0, W)
    y1 = jnp.clip(gy - gh * 0.5, 0.0, H)
    x2 = jnp.clip(gx + gw * 0.5, 0.0, W)
    y2 = jnp.clip(gy + gh * 0.5, 0.0, H)
    off = labels * _OFFSET
    return (x1, y1, x2, y2), (x1 + off, y1 + off, x2 + off, y2 + off)


def _smat_kernel(hw_ref, rois_c, deltas_c, labels_c, rois_r, deltas_r,
                 labels_r, s_ref, boxes_c_ref):
    H = hw_ref[0]
    W = hw_ref[1]
    pid = pl.program_id(0)
    roc = rois_c[...]
    dec = deltas_c[...]
    rc = [roc[:, k:k + 1] for k in range(4)]
    dc = [dec[:, k:k + 1] for k in range(4)]
    (x1c, y1c, x2c, y2c), (ox1c, oy1c, ox2c, oy2c) = _decode_rc(
        rc, dc, labels_c[...], W, H)
    boxes_c_ref[:, 0:1] = x1c
    boxes_c_ref[:, 1:2] = y1c
    boxes_c_ref[:, 2:3] = x2c
    boxes_c_ref[:, 3:4] = y2c
    ror = rois_r[...]
    der = deltas_r[...]
    rr = [ror[k:k + 1, :] for k in range(4)]
    dr = [der[k:k + 1, :] for k in range(4)]
    _, (ox1r, oy1r, ox2r, oy2r) = _decode_rc(rr, dr, labels_r[...], W, H)
    area_c = jnp.maximum(ox2c - ox1c, 0.0) * jnp.maximum(oy2c - oy1c, 0.0)
    area_r = jnp.maximum(ox2r - ox1r, 0.0) * jnp.maximum(oy2r - oy1r, 0.0)
    ix1 = jnp.maximum(ox1c, ox1r)
    iy1 = jnp.maximum(oy1c, oy1r)
    ix2 = jnp.minimum(ox2c, ox2r)
    iy2 = jnp.minimum(oy2c, oy2r)
    inter = jnp.maximum(ix2 - ix1, 0.0) * jnp.maximum(iy2 - iy1, 0.0)
    iou = inter / (area_c + area_r - inter + 1e-6)
    gi = pid * 128 + lax.broadcasted_iota(jnp.int32, (128, _NC), 0)
    gj = lax.broadcasted_iota(jnp.int32, (128, _NC), 1)
    s_ref[...] = jnp.where((iou > _IOU_THR) & (gi < gj), 1.0, 0.0)


def _nms_kernel(s_ref, boxes_c_ref, scores_r_ref, scores_c_ref, labels_c_ref,
                x1o, y1o, x2o, y2o, so, lo):
    boxes_c = boxes_c_ref[...]
    scores_r = scores_r_ref[...]
    scores_c = scores_c_ref[...]
    labels_c = labels_c_ref[...]
    iota_r = lax.broadcasted_iota(jnp.int32, (1, _NC), 1)

    def body(i, keep):
        k_i = jnp.sum(jnp.where(iota_r == i, keep, 0.0))
        row = s_ref[pl.ds(i, 1), :]
        return keep * (1.0 - row * k_i)

    keep = lax.fori_loop(0, _NMS_PRE, body, jnp.ones((1, _NC), jnp.float32))
    valid = (scores_r > _SCORE_THR) & (iota_r < _NMS_PRE)
    keepb = keep * jnp.where(valid, 1.0, 0.0)
    gi = lax.broadcasted_iota(jnp.int32, (_NC, _NC), 0)
    gj = lax.broadcasted_iota(jnp.int32, (_NC, _NC), 1)
    ut = jnp.where(gi <= gj, 1.0, 0.0)
    ident = jnp.where(gi == gj, 1.0, 0.0)
    c1 = jax.lax.dot_general(keepb, ut, (((1,), (0,)), ((), ())),
                             preferred_element_type=jnp.float32,
                             precision=jax.lax.Precision.HIGHEST)
    cn1 = jax.lax.dot_general(1.0 - keepb, ut, (((1,), (0,)), ((), ())),
                              preferred_element_type=jnp.float32,
                             precision=jax.lax.Precision.HIGHEST)
    K = jnp.sum(keepb)
    pos = jnp.where(keepb > 0.0, c1 - 1.0, K + cn1 - 1.0)
    keepb_c = jax.lax.dot_general(ident, keepb, (((1,), (1,)), ((), ())),
                                  preferred_element_type=jnp.float32,
                             precision=jax.lax.Precision.HIGHEST)
    p = jnp.where(
        lax.broadcasted_iota(jnp.int32, (128, _NC), 0).astype(jnp.float32)
        == pos, 1.0, 0.0)

    def sel(col):
        return jax.lax.dot_general(p, col, (((1,), (0,)), ((), ())),
                                   preferred_element_type=jnp.float32,
                             precision=jax.lax.Precision.HIGHEST)

    x1o[...] = sel(boxes_c[:, 0:1])
    y1o[...] = sel(boxes_c[:, 1:2])
    x2o[...] = sel(boxes_c[:, 2:3])
    y2o[...] = sel(boxes_c[:, 3:4])
    so[...] = sel(jnp.where(keepb_c > 0.0, scores_c, 0.0))
    lo[...] = sel(labels_c)


def _nms_pipeline(cand_scores, cand_rois, cand_deltas, cand_labels, H, W):
    hw = jnp.stack([H.astype(jnp.float32), W.astype(jnp.float32)])
    scores_r = cand_scores.reshape(1, _NC)
    scores_c = cand_scores.reshape(_NC, 1)
    labels_f = cand_labels.astype(jnp.float32)
    labels_r = labels_f.reshape(1, _NC)
    labels_c = labels_f.reshape(_NC, 1)
    rois_r = cand_rois.T
    deltas_r = cand_deltas.T

    s_mat, boxes_c = pl.pallas_call(
        _smat_kernel,
        grid=(_NC // 128,),
        in_specs=[
            pl.BlockSpec(memory_space=pltpu.SMEM),
            pl.BlockSpec((128, 4), lambda i: (i, 0)),
            pl.BlockSpec((128, 4), lambda i: (i, 0)),
            pl.BlockSpec((128, 1), lambda i: (i, 0)),
            pl.BlockSpec((4, _NC), lambda i: (0, 0)),
            pl.BlockSpec((4, _NC), lambda i: (0, 0)),
            pl.BlockSpec((1, _NC), lambda i: (0, 0)),
        ],
        out_specs=[
            pl.BlockSpec((128, _NC), lambda i: (i, 0)),
            pl.BlockSpec((128, 4), lambda i: (i, 0)),
        ],
        out_shape=[
            jax.ShapeDtypeStruct((_NC, _NC), jnp.float32),
            jax.ShapeDtypeStruct((_NC, 4), jnp.float32),
        ],
    )(hw, cand_rois, cand_deltas, labels_c, rois_r, deltas_r, labels_r)

    outs = pl.pallas_call(
        _nms_kernel,
        out_shape=[jax.ShapeDtypeStruct((128, 1), jnp.float32)] * 6,
    )(s_mat, boxes_c, scores_r, scores_c, labels_c)
    x1, y1, x2, y2, sc, lb = outs
    det_boxes = jnp.concatenate(
        [x1[:_MAX_PER_IMG], y1[:_MAX_PER_IMG], x2[:_MAX_PER_IMG],
         y2[:_MAX_PER_IMG]], axis=1)
    det_scores = sc[:_MAX_PER_IMG, 0]
    det_labels = jnp.round(lb[:_MAX_PER_IMG, 0]).astype(jnp.int32)
    return det_boxes, det_scores, det_labels


@jax.jit
def _kernel_impl(class_outs, regression_outs, boxes, image_h, image_w):
    H = jnp.asarray(image_h, jnp.float32)
    W = jnp.asarray(image_w, jnp.float32)
    scores = _softmax_scores(class_outs)
    slab_s_raw, slab_i = _compact1(scores)
    slab_s = lax.bitcast_convert_type(slab_s_raw, jnp.float32)
    tlow16, offs = _find_threshold(slab_s)
    cand_s_raw, cand_i = _compact2(slab_s_raw, slab_i, tlow16, offs)
    cand_s = jnp.maximum(
        lax.bitcast_convert_type(cand_s_raw, jnp.float32), -1e30)
    mp_smem = offs[_NW:_NW + 1, 0]
    top_s, top_if = _top_candidates(cand_s, cand_i, mp_smem)
    idx1024 = jnp.clip(jnp.round(top_if).astype(jnp.int32), 0, _NFLAT - 1)
    cand_deltas, cand_rois = _gather_cands(
        _pad_reg(regression_outs), boxes.reshape(_N_PROP * 4 // 128, 128),
        idx1024)
    cand_labels = idx1024 % _N_CLS
    return _nms_pipeline(top_s, cand_rois, cand_deltas, cand_labels, H, W)


def kernel(class_outs, regression_outs, boxes, image_h, image_w):
    return _kernel_impl(class_outs, regression_outs, boxes, image_h, image_w)

# --- scband reference (transcript-rebuilt; emitter-appended) ---
"""Pipeline reference for scband-ro-i2-det-24421184045578 (READ-ONLY COPY).

The authoritative reference and input builder live on the scoring server;
editing this copy changes nothing except your own understanding.
"""

import jax, jax.numpy as jnp
import numpy as np
from jax import lax

N_PROP = 20000
N_CLS = 80
SCORE_THR = 0.05
IOU_THR = 0.5
MAX_PER_IMG = 100
NMS_PRE = 1000
STDS = jnp.array([0.1, 0.1, 0.2, 0.2], jnp.float32)
MAX_RATIO = float(np.log(1000.0 / 16.0))
OFFSET = 4096.0


def setup_inputs(seed: int = 0) -> dict:
    key = jax.random.key(seed)
    k1, k2, k3, k4, k5, k6 = jax.random.split(key, 6)
    class_outs = jax.random.normal(k1, (N_PROP, N_CLS + 1), jnp.float32)
    regression_outs = jax.random.normal(k2, (N_PROP, N_CLS * 4), jnp.float32)
    cx = jax.random.uniform(k3, (N_PROP,)) * 1333.0
    cy = jax.random.uniform(k4, (N_PROP,)) * 800.0
    w = jax.random.uniform(k5, (N_PROP,)) * 256.0 + 16.0
    h = jax.random.uniform(k6, (N_PROP,)) * 256.0 + 16.0
    boxes = jnp.stack([
        jnp.clip(cx - w * 0.5, 0.0, 1333.0),
        jnp.clip(cy - h * 0.5, 0.0, 800.0),
        jnp.clip(cx + w * 0.5, 0.0, 1333.0),
        jnp.clip(cy + h * 0.5, 0.0, 800.0),
    ], axis=1).astype(jnp.float32)
    return {"class_outs": class_outs, "regression_outs": regression_outs,
            "boxes": boxes, "image_h": 800, "image_w": 1333}


def _decode(rois, deltas, H, W):
    Hf = jnp.asarray(H, jnp.float32)
    Wf = jnp.asarray(W, jnp.float32)
    d = deltas.reshape(rois.shape[0], -1, 4) * STDS
    dx = d[..., 0]
    dy = d[..., 1]
    dw = jnp.clip(d[..., 2], -MAX_RATIO, MAX_RATIO)
    dh = jnp.clip(d[..., 3], -MAX_RATIO, MAX_RATIO)
    pw = rois[:, 2] - rois[:, 0]
    ph = rois[:, 3] - rois[:, 1]
    px = (rois[:, 0] + rois[:, 2]) * 0.5
    py = (rois[:, 1] + rois[:, 3]) * 0.5
    gw = pw[:, None] * jnp.exp(dw)
    gh = ph[:, None] * jnp.exp(dh)
    gx = px[:, None] + pw[:, None] * dx
    gy = py[:, None] + ph[:, None] * dy
    x1 = jnp.clip(gx - gw * 0.5, 0.0, Wf)
    y1 = jnp.clip(gy - gh * 0.5, 0.0, Hf)
    x2 = jnp.clip(gx + gw * 0.5, 0.0, Wf)
    y2 = jnp.clip(gy + gh * 0.5, 0.0, Hf)
    return jnp.stack([x1, y1, x2, y2], axis=-1)


def _pairwise_iou(b):
    area = jnp.clip(b[:, 2] - b[:, 0], 0.0) * jnp.clip(b[:, 3] - b[:, 1], 0.0)
    lt = jnp.maximum(b[:, None, :2], b[None, :, :2])
    rb = jnp.minimum(b[:, None, 2:], b[None, :, 2:])
    wh = jnp.clip(rb - lt, 0.0)
    inter = wh[..., 0] * wh[..., 1]
    return inter / (area[:, None] + area[None, :] - inter + 1e-6)


def reference(class_outs, regression_outs, boxes, image_h, image_w):
    scores_all = jax.nn.softmax(class_outs, axis=-1)
    scores = scores_all[:, :-1]  # drop background column
    bboxes = _decode(boxes[:, :4], regression_outs, image_h, image_w)  # [N, C, 4]
    flat_scores = scores.reshape(-1)
    flat_boxes = bboxes.reshape(-1, 4)
    labels = jnp.tile(jnp.arange(N_CLS, dtype=jnp.int32), (boxes.shape[0],))
    valid = flat_scores > SCORE_THR
    masked = jnp.where(valid, flat_scores, -jnp.inf)
    top_scores, idx = lax.top_k(masked, NMS_PRE)
    cand_boxes = flat_boxes[idx]
    cand_labels = labels[idx]
    nms_boxes = cand_boxes + (cand_labels.astype(jnp.float32) * OFFSET)[:, None]
    iou = _pairwise_iou(nms_boxes)
    ar = jnp.arange(NMS_PRE)

    def body(i, keep):
        sup = (iou[i] > IOU_THR) & (ar > i) & keep[i]
        return keep & (~sup)

    keep = lax.fori_loop(0, NMS_PRE, body, jnp.ones((NMS_PRE,), bool))
    keep = keep & (top_scores > SCORE_THR)
    final = jnp.where(keep, top_scores, -jnp.inf)
    det_scores, fi = lax.top_k(final, MAX_PER_IMG)
    det_boxes = cand_boxes[fi]
    det_labels = cand_labels[fi]
    det_scores = jnp.where(det_scores > -1e30, det_scores, 0.0)
    return (det_boxes, det_scores, det_labels)

if __name__ == "__main__":
    import jax
    _d = setup_inputs()
    print(jax.jit(kernel)(*tuple(_d.values())))

</pallas_src>

<mosaic_0001>
#map = affine_map<(d0, d1) -> (0, 0)>
#map1 = affine_map<(d0, d1) -> (0)>
module attributes {stable_mosaic.version = 14 : i64} {
  func.func @k(%arg0: i32, %arg1: i32, %arg2: memref<20000x512xf32, #tpu.memory_space<hbm>>, %arg3: memref<625x128xf32, #tpu.memory_space<hbm>>, %arg4: memref<1024xi32, #tpu.memory_space<hbm>>, %arg5: memref<1024x4xf32, #tpu.memory_space<hbm>>, %arg6: memref<1024x4xf32, #tpu.memory_space<hbm>>, %arg7: memref<32xi32, #tpu.memory_space<vmem>>, %arg8: memref<32xi32, #tpu.memory_space<vmem>>, %arg9: memref<32xi32, #tpu.memory_space<vmem>>, %arg10: memref<32x512xf32, #tpu.memory_space<vmem>>, %arg11: memref<32x128xf32, #tpu.memory_space<vmem>>, %arg12: memref<32x4xf32, #tpu.memory_space<vmem>>, %arg13: memref<32x4xf32, #tpu.memory_space<vmem>>, %arg14: memref<!tpu.dma_semaphore, #tpu.memory_space<semaphore_mem>>) attributes {dimension_semantics = [#tpu.dimension_semantics<core_parallel>, #tpu.dimension_semantics<subcore_parallel>], iteration_bounds = array<i64: 2, 16>, scalar_prefetch = 0 : i64, scratch_operands = 8 : i64, tpu.core_type = #tpu.core_type<sc_vector_subcore>, window_params = [{transform_indices = #map}, {transform_indices = #map}, {transform_indices = #map1}, {transform_indices = #map}, {transform_indices = #map}]} {
    %mul3A = arith.constant 2 : i32
    %mul3A_0 = arith.muli %arg1, %mul3A : i32
    %add3A = arith.addi %mul3A_0, %arg0 : i32
    %mul3A_1 = arith.constant 32 : i32
    %mul3A_2 = arith.muli %add3A, %mul3A_1 : i32
    "tpu.region"() ({
      %run_scoped3A = tpu.sem_alloc : memref<!tpu.dma_semaphore, #tpu.memory_space<semaphore_mem>>
      %dma_start3A_405 = tpu.memref_slice %arg4[%mul3A_2] : memref<1024xi32, #tpu.memory_space<hbm>> -> memref<32xi32, #tpu.memory_space<hbm>>
      %dma_start3A_406 = tpu.memref_slice %arg4[%mul3A_2] : memref<1024xi32, #tpu.memory_space<hbm>> -> memref<32xi32, #tpu.memory_space<hbm>>
      tpu.enqueue_dma source(%dma_start3A_406 : memref<32xi32, #tpu.memory_space<hbm>>) target(%arg7 : memref<32xi32, #tpu.memory_space<vmem>>) target_semaphore(%run_scoped3A : memref<!tpu.dma_semaphore, #tpu.memory_space<semaphore_mem>>)
      %dma_wait3A_407 = tpu.memref_slice %arg4[%mul3A_2] : memref<1024xi32, #tpu.memory_space<hbm>> -> memref<32xi32, #tpu.memory_space<hbm>>
      %dma_wait3A_408 = tpu.memref_slice %arg4[%mul3A_2] : memref<1024xi32, #tpu.memory_space<hbm>> -> memref<32xi32, #tpu.memory_space<hbm>>
      tpu.wait_dma2 semaphore(%run_scoped3A : memref<!tpu.dma_semaphore, #tpu.memory_space<semaphore_mem>>) src(%dma_wait3A_408 : memref<32xi32, #tpu.memory_space<hbm>>) dst(%arg7 : memref<32xi32, #tpu.memory_space<vmem>>)
      tpu.yield
    }) : () -> ()
    %iota3A = tpu.iota {dimensions = array<i32: 0>} : vector<16xi32>
    %get3A = arith.constant 0 : index
    %get3A_3 = tpu.vector_load %arg7[%get3A] {strides = array<i32>} : memref<32xi32, #tpu.memory_space<vmem>>, vector<16xi32>,
    %jit3A = arith.constant 80 : i32
    %div3A = vector.broadcast %jit3A : i32 to vector<16xi32>
    %div3A_4 = arith.divsi %get3A_3, %div3A : vector<16xi32>
    %sign3A = arith.constant 0 : i32
    %sign3A_5 = vector.broadcast %sign3A : i32 to vector<16xi32>
    %sign3A_6 = arith.cmpi sgt, %get3A_3, %sign3A_5 : vector<16xi32>
    %sign3A_7 = arith.extui %sign3A_6 : vector<16xi1> to vector<16xi32>
    %sign3A_8 = arith.constant 0 : i32
    %sign3A_9 = vector.broadcast %sign3A_8 : i32 to vector<16xi32>
    %sign3A_10 = arith.cmpi slt, %get3A_3, %sign3A_9 : vector<16xi32>
    %sign3A_11 = arith.extui %sign3A_10 : vector<16xi1> to vector<16xi32>
    %sign3A_12 = arith.subi %sign3A_7, %sign3A_11 : vector<16xi32>
    %sign3A_13 = arith.constant 0 : i32
    %sign3A_14 = arith.cmpi sgt, %jit3A, %sign3A_13 : i32
    %sign3A_15 = arith.extui %sign3A_14 : i1 to i32
    %sign3A_16 = arith.constant 0 : i32
    %sign3A_17 = arith.cmpi slt, %jit3A, %sign3A_16 : i32
    %sign3A_18 = arith.extui %sign3A_17 : i1 to i32
    %sign3A_19 = arith.subi %sign3A_15, %sign3A_18 : i32
    %ne3A = vector.broadcast %sign3A_19 : i32 to vector<16xi32>
    %ne3A_20 = arith.cmpi ne, %sign3A_12, %ne3A : vector<16xi32>
    %rem3A = vector.broadcast %jit3A : i32 to vector<16xi32>
    %rem3A_21 = arith.remsi %get3A_3, %rem3A : vector<16xi32>
    %ne3A_22 = arith.constant 0 : i32
    %ne3A_23 = vector.broadcast %ne3A_22 : i32 to vector<16xi32>
    %ne3A_24 = arith.cmpi ne, %rem3A_21, %ne3A_23 : vector<16xi32>
    %and3A = arith.andi %ne3A_20, %ne3A_24 : vector<16xi1>
    %sub3A = arith.constant 1 : i32
    %sub3A_25 = vector.broadcast %sub3A : i32 to vector<16xi32>
    %sub3A_26 = arith.subi %div3A_4, %sub3A_25 : vector<16xi32>
    %select_n3A = arith.select %and3A, %sub3A_26, %div3A_4 : vector<16xi1>, vector<16xi32>
    %swap3A = arith.constant 0 : index
    %swap3A_27 = tpu.vector_load %arg8[%swap3A] {strides = array<i32>} : memref<32xi32, #tpu.memory_space<vmem>>, vector<16xi32>,
    tpu.vector_store %arg8[%swap3A], %select_n3A {strides = array<i32>} : memref<32xi32, #tpu.memory_space<vmem>>, vector<16xi32>,
    %jit3A_28 = arith.constant 32 : i32
    %div3A_29 = vector.broadcast %jit3A_28 : i32 to vector<16xi32>
    %div3A_30 = arith.divsi %select_n3A, %div3A_29 : vector<16xi32>
    %sign3A_31 = arith.constant 0 : i32
    %sign3A_32 = vector.broadcast %sign3A_31 : i32 to vector<16xi32>
    %sign3A_33 = arith.cmpi sgt, %select_n3A, %sign3A_32 : vector<16xi32>
    %sign3A_34 = arith.extui %sign3A_33 : vector<16xi1> to vector<16xi32>
    %sign3A_35 = arith.constant 0 : i32
    %sign3A_36 = vector.broadcast %sign3A_35 : i32 to vector<16xi32>
    %sign3A_37 = arith.cmpi slt, %select_n3A, %sign3A_36 : vector<16xi32>
    %sign3A_38 = arith.extui %sign3A_37 : vector<16xi1> to vector<16xi32>
    %sign3A_39 = arith.subi %sign3A_34, %sign3A_38 : vector<16xi32>
    %sign3A_40 = arith.constant 0 : i32
    %sign3A_41 = arith.cmpi sgt, %jit3A_28, %sign3A_40 : i32
    %sign3A_42 = arith.extui %sign3A_41 : i1 to i32
    %sign3A_43 = arith.constant 0 : i32
    %sign3A_44 = arith.cmpi slt, %jit3A_28, %sign3A_43 : i32
    %sign3A_45 = arith.extui %sign3A_44 : i1 to i32
    %sign3A_46 = arith.subi %sign3A_42, %sign3A_45 : i32
    %ne3A_47 = vector.broadcast %sign3A_46 : i32 to vector<16xi32>
    %ne3A_48 = arith.cmpi ne, %sign3A_39, %ne3A_47 : vector<16xi32>
    %rem3A_49 = vector.broadcast %jit3A_28 : i32 to vector<16xi32>
    %rem3A_50 = arith.remsi %select_n3A, %rem3A_49 : vector<16xi32>
    %ne3A_51 = arith.constant 0 : i32
    %ne3A_52 = vector.broadcast %ne3A_51 : i32 to vector<16xi32>
    %ne3A_53 = arith.cmpi ne, %rem3A_50, %ne3A_52 : vector<16xi32>
    %and3A_54 = arith.andi %ne3A_48, %ne3A_53 : vector<16xi1>
    %sub3A_55 = arith.constant 1 : i32
    %sub3A_56 = vector.broadcast %sub3A_55 : i32 to vector<16xi32>
    %sub3A_57 = arith.subi %div3A_30, %sub3A_56 : vector<16xi32>
    %select_n3A_58 = arith.select %and3A_54, %sub3A_57, %div3A_30 : vector<16xi1>, vector<16xi32>
    %swap3A_59 = arith.constant 0 : index
    %swap3A_60 = tpu.vector_load %arg9[%swap3A_59] {strides = array<i32>} : memref<32xi32, #tpu.memory_space<vmem>>, vector<16xi32>,
    tpu.vector_store %arg9[%swap3A_59], %select_n3A_58 {strides = array<i32>} : memref<32xi32, #tpu.memory_space<vmem>>, vector<16xi32>,
    %get3A_61 = arith.constant 16 : index
    %get3A_62 = tpu.vector_load %arg7[%get3A_61] {strides = array<i32>} : memref<32xi32, #tpu.memory_space<vmem>>, vector<16xi32>,
    %jit3A_63 = arith.constant 80 : i32
    %div3A_64 = vector.broadcast %jit3A_63 : i32 to vector<16xi32>
    %div3A_65 = arith.divsi %get3A_62, %div3A_64 : vector<16xi32>
    %sign3A_66 = arith.constant 0 : i32
    %sign3A_67 = vector.broadcast %sign3A_66 : i32 to vector<16xi32>
    %sign3A_68 = arith.cmpi sgt, %get3A_62, %sign3A_67 : vector<16xi32>
    %sign3A_69 = arith.extui %sign3A_68 : vector<16xi1> to vector<16xi32>
    %sign3A_70 = arith.constant 0 : i32
    %sign3A_71 = vector.broadcast %sign3A_70 : i32 to vector<16xi32>
    %sign3A_72 = arith.cmpi slt, %get3A_62, %sign3A_71 : vector<16xi32>
    %sign3A_73 = arith.extui %sign3A_72 : vector<16xi1> to vector<16xi32>
    %sign3A_74 = arith.subi %sign3A_69, %sign3A_73 : vector<16xi32>
    %sign3A_75 = arith.constant 0 : i32
    %sign3A_76 = arith.cmpi sgt, %jit3A_63, %sign3A_75 : i32
    %sign3A_77 = arith.extui %sign3A_76 : i1 to i32
    %sign3A_78 = arith.constant 0 : i32
    %sign3A_79 = arith.cmpi slt, %jit3A_63, %sign3A_78 : i32
    %sign3A_80 = arith.extui %sign3A_79 : i1 to i32
    %sign3A_81 = arith.subi %sign3A_77, %sign3A_80 : i32
    %ne3A_82 = vector.broadcast %sign3A_81 : i32 to vector<16xi32>
    %ne3A_83 = arith.cmpi ne, %sign3A_74, %ne3A_82 : vector<16xi32>
    %rem3A_84 = vector.broadcast %jit3A_63 : i32 to vector<16xi32>
    %rem3A_85 = arith.remsi %get3A_62, %rem3A_84 : vector<16xi32>
    %ne3A_86 = arith.constant 0 : i32
    %ne3A_87 = vector.broadcast %ne3A_86 : i32 to vector<16xi32>
    %ne3A_88 = arith.cmpi ne, %rem3A_85, %ne3A_87 : vector<16xi32>
    %and3A_89 = arith.andi %ne3A_83, %ne3A_88 : vector<16xi1>
    %sub3A_90 = arith.constant 1 : i32
    %sub3A_91 = vector.broadcast %sub3A_90 : i32 to vector<16xi32>
    %sub3A_92 = arith.subi %div3A_65, %sub3A_91 : vector<16xi32>
    %select_n3A_93 = arith.select %and3A_89, %sub3A_92, %div3A_65 : vector<16xi1>, vector<16xi32>
    %swap3A_94 = arith.constant 16 : index
    %swap3A_95 = tpu.vector_load %arg8[%swap3A_94] {strides = array<i32>} : memref<32xi32, #tpu.memory_space<vmem>>, vector<16xi32>,
    tpu.vector_store %arg8[%swap3A_94], %select_n3A_93 {strides = array<i32>} : memref<32xi32, #tpu.memory_space<vmem>>, vector<16xi32>,
    %jit3A_96 = arith.constant 32 : i32
    %div3A_97 = vector.broadcast %jit3A_96 : i32 to vector<16xi32>
    %div3A_98 = arith.divsi %select_n3A_93, %div3A_97 : vector<16xi32>
    %sign3A_99 = arith.constant 0 : i32
    %sign3A_100 = vector.broadcast %sign3A_99 : i32 to vector<16xi32>
    %sign3A_101 = arith.cmpi sgt, %select_n3A_93, %sign3A_100 : vector<16xi32>
    %sign3A_102 = arith.extui %sign3A_101 : vector<16xi1> to vector<16xi32>
    %sign3A_103 = arith.constant 0 : i32
    %sign3A_104 = vector.broadcast %sign3A_103 : i32 to vector<16xi32>
    %sign3A_105 = arith.cmpi slt, %select_n3A_93, %sign3A_104 : vector<16xi32>
    %sign3A_106 = arith.extui %sign3A_105 : vector<16xi1> to vector<16xi32>
    %sign3A_107 = arith.subi %sign3A_102, %sign3A_106 : vector<16xi32>
    %sign3A_108 = arith.constant 0 : i32
    %sign3A_109 = arith.cmpi sgt, %jit3A_96, %sign3A_108 : i32
    %sign3A_110 = arith.extui %sign3A_109 : i1 to i32
    %sign3A_111 = arith.constant 0 : i32
    %sign3A_112 = arith.cmpi slt, %jit3A_96, %sign3A_111 : i32
    %sign3A_113 = arith.extui %sign3A_112 : i1 to i32
    %sign3A_114 = arith.subi %sign3A_110, %sign3A_113 : i32
    %ne3A_115 = vector.broadcast %sign3A_114 : i32 to vector<16xi32>
    %ne3A_116 = arith.cmpi ne, %sign3A_107, %ne3A_115 : vector<16xi32>
    %rem3A_117 = vector.broadcast %jit3A_96 : i32 to vector<16xi32>
    %rem3A_118 = arith.remsi %select_n3A_93, %rem3A_117 : vector<16xi32>
    %ne3A_119 = arith.constant 0 : i32
    %ne3A_120 = vector.broadcast %ne3A_119 : i32 to vector<16xi32>
    %ne3A_121 = arith.cmpi ne, %rem3A_118, %ne3A_120 : vector<16xi32>
    %and3A_122 = arith.andi %ne3A_116, %ne3A_121 : vector<16xi1>
    %sub3A_123 = arith.constant 1 : i32
    %sub3A_124 = vector.broadcast %sub3A_123 : i32 to vector<16xi32>
    %sub3A_125 = arith.subi %div3A_98, %sub3A_124 : vector<16xi32>
    %select_n3A_126 = arith.select %and3A_122, %sub3A_125, %div3A_98 : vector<16xi1>, vector<16xi32>
    %swap3A_127 = arith.constant 16 : index
    %swap3A_128 = tpu.vector_load %arg9[%swap3A_127] {strides = array<i32>} : memref<32xi32, #tpu.memory_space<vmem>>, vector<16xi32>,
    tpu.vector_store %arg9[%swap3A_127], %select_n3A_126 {strides = array<i32>} : memref<32xi32, #tpu.memory_space<vmem>>, vector<16xi32>,
    %dma_start3A = arith.constant 0 : i32
    %dma_start3A_129 = arith.constant 0 : i32
    %dma_start3A_130 = tpu.memref_slice %arg2[%dma_start3A, %dma_start3A_129] : memref<20000x512xf32, #tpu.memory_space<hbm>> -> memref<20000x512xf32, #tpu.memory_space<hbm>>
    tpu.enqueue_indirect_dma source(%dma_start3A_130 : memref<20000x512xf32, #tpu.memory_space<hbm>>) target(%arg10 : memref<32x512xf32, #tpu.memory_space<vmem>>) offsets(%arg8 : memref<32xi32, #tpu.memory_space<vmem>>) semaphore(%arg14 : memref<!tpu.dma_semaphore, #tpu.memory_space<semaphore_mem>>)
    %dma_wait3A = arith.constant 0 : i32
    %dma_wait3A_131 = arith.constant 0 : i32
    %dma_wait3A_132 = tpu.memref_slice %arg2[%dma_wait3A, %dma_wait3A_131] : memref<20000x512xf32, #tpu.memory_space<hbm>> -> memref<20000x512xf32, #tpu.memory_space<hbm>>
    tpu.wait_indirect_dma semaphore(%arg14 : memref<!tpu.dma_semaphore, #tpu.memory_space<semaphore_mem>>) src(%dma_wait3A_132 : memref<20000x512xf32, #tpu.memory_space<hbm>>) dst(%arg10 : memref<32x512xf32, #tpu.memory_space<vmem>>)
    %dma_start3A_133 = arith.constant 0 : i32
    %dma_start3A_134 = arith.constant 0 : i32
    %dma_start3A_135 = tpu.memref_slice %arg3[%dma_start3A_133, %dma_start3A_134] : memref<625x128xf32, #tpu.memory_space<hbm>> -> memref<625x128xf32, #tpu.memory_space<hbm>>
    tpu.enqueue_indirect_dma source(%dma_start3A_135 : memref<625x128xf32, #tpu.memory_space<hbm>>) target(%arg11 : memref<32x128xf32, #tpu.memory_space<vmem>>) offsets(%arg9 : memref<32xi32, #tpu.memory_space<vmem>>) semaphore(%arg14 : memref<!tpu.dma_semaphore, #tpu.memory_space<semaphore_mem>>)
    %dma_wait3A_136 = arith.constant 0 : i32
    %dma_wait3A_137 = arith.constant 0 : i32
    %dma_wait3A_138 = tpu.memref_slice %arg3[%dma_wait3A_136, %dma_wait3A_137] : memref<625x128xf32, #tpu.memory_space<hbm>> -> memref<625x128xf32, #tpu.memory_space<hbm>>
    tpu.wait_indirect_dma semaphore(%arg14 : memref<!tpu.dma_semaphore, #tpu.memory_space<semaphore_mem>>) src(%dma_wait3A_138 : memref<625x128xf32, #tpu.memory_space<hbm>>) dst(%arg11 : memref<32x128xf32, #tpu.memory_space<vmem>>)
    %get3A_139 = arith.constant 0 : index
    %get3A_140 = tpu.vector_load %arg7[%get3A_139] {strides = array<i32>} : memref<32xi32, #tpu.memory_space<vmem>>, vector<16xi32>,
    %add3A_141 = arith.constant 0 : i32
    %add3A_142 = vector.broadcast %add3A_141 : i32 to vector<16xi32>
    %add3A_143 = arith.addi %add3A_142, %iota3A : vector<16xi32>
    %jit3A_144 = arith.constant 80 : i32
    %eq3A = arith.constant 0 : i32
    %eq3A_145 = arith.cmpi eq, %jit3A_144, %eq3A : i32
    %jit3A_146 = arith.constant 1 : i32
    %select_n3A_147 = arith.select %eq3A_145, %jit3A_146, %jit3A_144 : i32
    %rem3A_148 = vector.broadcast %select_n3A_147 : i32 to vector<16xi32>
    %rem3A_149 = arith.remsi %get3A_140, %rem3A_148 : vector<16xi32>
    %ne3A_150 = arith.constant 0 : i32
    %ne3A_151 = vector.broadcast %ne3A_150 : i32 to vector<16xi32>
    %ne3A_152 = arith.cmpi ne, %rem3A_149, %ne3A_151 : vector<16xi32>
    %lt3A = arith.constant 0 : i32
    %lt3A_153 = vector.broadcast %lt3A : i32 to vector<16xi32>
    %lt3A_154 = arith.cmpi slt, %rem3A_149, %lt3A_153 : vector<16xi32>
    %lt3A_155 = arith.constant 0 : i32
    %lt3A_156 = arith.cmpi slt, %select_n3A_147, %lt3A_155 : i32
    %ne3A_157 = vector.broadcast %lt3A_156 : i1 to vector<16xi1>
    %ne3A_158 = vector.broadcast %ne3A_157 : vector<16xi1> to vector<16xi1>
    %ne3A_159 = arith.xori %lt3A_154, %ne3A_158 : vector<16xi1>
    %and3A_160 = arith.andi %ne3A_159, %ne3A_152 : vector<16xi1>
    %add3A_161 = vector.broadcast %select_n3A_147 : i32 to vector<16xi32>
    %add3A_162 = arith.addi %rem3A_149, %add3A_161 : vector<16xi32>
    %select_n3A_163 = arith.select %and3A_160, %add3A_162, %rem3A_149 : vector<16xi1>, vector<16xi32>
    %jit3A_164 = arith.constant 80 : i32
    %div3A_165 = vector.broadcast %jit3A_164 : i32 to vector<16xi32>
    %div3A_166 = arith.divsi %get3A_140, %div3A_165 : vector<16xi32>
    %sign3A_167 = arith.constant 0 : i32
    %sign3A_168 = vector.broadcast %sign3A_167 : i32 to vector<16xi32>
    %sign3A_169 = arith.cmpi sgt, %get3A_140, %sign3A_168 : vector<16xi32>
    %sign3A_170 = arith.extui %sign3A_169 : vector<16xi1> to vector<16xi32>
    %sign3A_171 = arith.constant 0 : i32
    %sign3A_172 = vector.broadcast %sign3A_171 : i32 to vector<16xi32>
    %sign3A_173 = arith.cmpi slt, %get3A_140, %sign3A_172 : vector<16xi32>
    %sign3A_174 = arith.extui %sign3A_173 : vector<16xi1> to vector<16xi32>
    %sign3A_175 = arith.subi %sign3A_170, %sign3A_174 : vector<16xi32>
    %sign3A_176 = arith.constant 0 : i32
    %sign3A_177 = arith.cmpi sgt, %jit3A_164, %sign3A_176 : i32
    %sign3A_178 = arith.extui %sign3A_177 : i1 to i32
    %sign3A_179 = arith.constant 0 : i32
    %sign3A_180 = arith.cmpi slt, %jit3A_164, %sign3A_179 : i32
    %sign3A_181 = arith.extui %sign3A_180 : i1 to i32
    %sign3A_182 = arith.subi %sign3A_178, %sign3A_181 : i32
    %ne3A_183 = vector.broadcast %sign3A_182 : i32 to vector<16xi32>
    %ne3A_184 = arith.cmpi ne, %sign3A_175, %ne3A_183 : vector<16xi32>
    %rem3A_185 = vector.broadcast %jit3A_164 : i32 to vector<16xi32>
    %rem3A_186 = arith.remsi %get3A_140, %rem3A_185 : vector<16xi32>
    %ne3A_187 = arith.constant 0 : i32
    %ne3A_188 = vector.broadcast %ne3A_187 : i32 to vector<16xi32>
    %ne3A_189 = arith.cmpi ne, %rem3A_186, %ne3A_188 : vector<16xi32>
    %and3A_190 = arith.andi %ne3A_184, %ne3A_189 : vector<16xi1>
    %sub3A_191 = arith.constant 1 : i32
    %sub3A_192 = vector.broadcast %sub3A_191 : i32 to vector<16xi32>
    %sub3A_193 = arith.subi %div3A_166, %sub3A_192 : vector<16xi32>
    %select_n3A_194 = arith.select %and3A_190, %sub3A_193, %div3A_166 : vector<16xi1>, vector<16xi32>
    %jit3A_195 = arith.constant 32 : i32
    %eq3A_196 = arith.constant 0 : i32
    %eq3A_197 = arith.cmpi eq, %jit3A_195, %eq3A_196 : i32
    %jit3A_198 = arith.constant 1 : i32
    %select_n3A_199 = arith.select %eq3A_197, %jit3A_198, %jit3A_195 : i32
    %rem3A_200 = vector.broadcast %select_n3A_199 : i32 to vector<16xi32>
    %rem3A_201 = arith.remsi %select_n3A_194, %rem3A_200 : vector<16xi32>
    %ne3A_202 = arith.constant 0 : i32
    %ne3A_203 = vector.broadcast %ne3A_202 : i32 to vector<16xi32>
    %ne3A_204 = arith.cmpi ne, %rem3A_201, %ne3A_203 : vector<16xi32>
    %lt3A_205 = arith.constant 0 : i32
    %lt3A_206 = vector.broadcast %lt3A_205 : i32 to vector<16xi32>
    %lt3A_207 = arith.cmpi slt, %rem3A_201, %lt3A_206 : vector<16xi32>
    %lt3A_208 = arith.constant 0 : i32
    %lt3A_209 = arith.cmpi slt, %select_n3A_199, %lt3A_208 : i32
    %ne3A_210 = vector.broadcast %lt3A_209 : i1 to vector<16xi1>
    %ne3A_211 = vector.broadcast %ne3A_210 : vector<16xi1> to vector<16xi1>
    %ne3A_212 = arith.xori %lt3A_207, %ne3A_211 : vector<16xi1>
    %and3A_213 = arith.andi %ne3A_212, %ne3A_204 : vector<16xi1>
    %add3A_214 = vector.broadcast %select_n3A_199 : i32 to vector<16xi32>
    %add3A_215 = arith.addi %rem3A_201, %add3A_214 : vector<16xi32>
    %select_n3A_216 = arith.select %and3A_213, %add3A_215, %rem3A_201 : vector<16xi1>, vector<16xi32>
    %mul3A_217 = arith.constant 4 : i32
    %mul3A_218 = vector.broadcast %mul3A_217 : i32 to vector<16xi32>
    %mul3A_219 = arith.muli %mul3A_218, %select_n3A_216 : vector<16xi32>
    %broadcast_in_dim3A = arith.constant 0 : i32
    %broadcast_in_dim3A_220 = vector.broadcast %broadcast_in_dim3A : i32 to vector<16xi32>
    %mul3A_221 = arith.constant 4 : i32
    %mul3A_222 = vector.broadcast %mul3A_221 : i32 to vector<16xi32>
    %mul3A_223 = arith.muli %mul3A_222, %select_n3A_163 : vector<16xi32>
    %add3A_224 = arith.constant 0 : i32
    %add3A_225 = vector.broadcast %add3A_224 : i32 to vector<16xi32>
    %add3A_226 = arith.addi %mul3A_223, %add3A_225 : vector<16xi32>
    %gather3A = tpu.vector_load_idx %arg10[%add3A_143, %add3A_226] : memref<32x512xf32, #tpu.memory_space<vmem>>[vector<16xi32>, vector<16xi32>], vector<16xf32>,
    tpu.vector_store_idx %arg12[%add3A_143, %broadcast_in_dim3A_220], %gather3A : memref<32x4xf32, #tpu.memory_space<vmem>>[vector<16xi32>, vector<16xi32>], vector<16xf32>,
    %add3A_227 = arith.constant 0 : i32
    %add3A_228 = vector.broadcast %add3A_227 : i32 to vector<16xi32>
    %add3A_229 = arith.addi %mul3A_219, %add3A_228 : vector<16xi32>
    %gather3A_230 = tpu.vector_load_idx %arg11[%add3A_143, %add3A_229] : memref<32x128xf32, #tpu.memory_space<vmem>>[vector<16xi32>, vector<16xi32>], vector<16xf32>,
    tpu.vector_store_idx %arg13[%add3A_143, %broadcast_in_dim3A_220], %gather3A_230 : memref<32x4xf32, #tpu.memory_space<vmem>>[vector<16xi32>, vector<16xi32>], vector<16xf32>,
    %broadcast_in_dim3A_231 = arith.constant 1 : i32
    %broadcast_in_dim3A_232 = vector.broadcast %broadcast_in_dim3A_231 : i32 to vector<16xi32>
    %mul3A_233 = arith.constant 4 : i32
    %mul3A_234 = vector.broadcast %mul3A_233 : i32 to vector<16xi32>
    %mul3A_235 = arith.muli %mul3A_234, %select_n3A_163 : vector<16xi32>
    %add3A_236 = arith.constant 1 : i32
    %add3A_237 = vector.broadcast %add3A_236 : i32 to vector<16xi32>
    %add3A_238 = arith.addi %mul3A_235, %add3A_237 : vector<16xi32>
    %gather3A_239 = tpu.vector_load_idx %arg10[%add3A_143, %add3A_238] : memref<32x512xf32, #tpu.memory_space<vmem>>[vector<16xi32>, vector<16xi32>], vector<16xf32>,
    tpu.vector_store_idx %arg12[%add3A_143, %broadcast_in_dim3A_232], %gather3A_239 : memref<32x4xf32, #tpu.memory_space<vmem>>[vector<16xi32>, vector<16xi32>], vector<16xf32>,
    %add3A_240 = arith.constant 1 : i32
    %add3A_241 = vector.broadcast %add3A_240 : i32 to vector<16xi32>
    %add3A_242 = arith.addi %mul3A_219, %add3A_241 : vector<16xi32>
    %gather3A_243 = tpu.vector_load_idx %arg11[%add3A_143, %add3A_242] : memref<32x128xf32, #tpu.memory_space<vmem>>[vector<16xi32>, vector<16xi32>], vector<16xf32>,
    tpu.vector_store_idx %arg13[%add3A_143, %broadcast_in_dim3A_232], %gather3A_243 : memref<32x4xf32, #tpu.memory_space<vmem>>[vector<16xi32>, vector<16xi32>], vector<16xf32>,
    %broadcast_in_dim3A_244 = arith.constant 2 : i32
    %broadcast_in_dim3A_245 = vector.broadcast %broadcast_in_dim3A_244 : i32 to vector<16xi32>
    %mul3A_246 = arith.constant 4 : i32
    %mul3A_247 = vector.broadcast %mul3A_246 : i32 to vector<16xi32>
    %mul3A_248 = arith.muli %mul3A_247, %select_n3A_163 : vector<16xi32>
    %add3A_249 = arith.constant 2 : i32
    %add3A_250 = vector.broadcast %add3A_249 : i32 to vector<16xi32>
    %add3A_251 = arith.addi %mul3A_248, %add3A_250 : vector<16xi32>
    %gather3A_252 = tpu.vector_load_idx %arg10[%add3A_143, %add3A_251] : memref<32x512xf32, #tpu.memory_space<vmem>>[vector<16xi32>, vector<16xi32>], vector<16xf32>,
    tpu.vector_store_idx %arg12[%add3A_143, %broadcast_in_dim3A_245], %gather3A_252 : memref<32x4xf32, #tpu.memory_space<vmem>>[vector<16xi32>, vector<16xi32>], vector<16xf32>,
    %add3A_253 = arith.constant 2 : i32
    %add3A_254 = vector.broadcast %add3A_253 : i32 to vector<16xi32>
    %add3A_255 = arith.addi %mul3A_219, %add3A_254 : vector<16xi32>
    %gather3A_256 = tpu.vector_load_idx %arg11[%add3A_143, %add3A_255] : memref<32x128xf32, #tpu.memory_space<vmem>>[vector<16xi32>, vector<16xi32>], vector<16xf32>,
    tpu.vector_store_idx %arg13[%add3A_143, %broadcast_in_dim3A_245], %gather3A_256 : memref<32x4xf32, #tpu.memory_space<vmem>>[vector<16xi32>, vector<16xi32>], vector<16xf32>,
    %broadcast_in_dim3A_257 = arith.constant 3 : i32
    %broadcast_in_dim3A_258 = vector.broadcast %broadcast_in_dim3A_257 : i32 to vector<16xi32>
    %mul3A_259 = arith.constant 4 : i32
    %mul3A_260 = vector.broadcast %mul3A_259 : i32 to vector<16xi32>
    %mul3A_261 = arith.muli %mul3A_260, %select_n3A_163 : vector<16xi32>
    %add3A_262 = arith.constant 3 : i32
    %add3A_263 = vector.broadcast %add3A_262 : i32 to vector<16xi32>
    %add3A_264 = arith.addi %mul3A_261, %add3A_263 : vector<16xi32>
    %gather3A_265 = tpu.vector_load_idx %arg10[%add3A_143, %add3A_264] : memref<32x512xf32, #tpu.memory_space<vmem>>[vector<16xi32>, vector<16xi32>], vector<16xf32>,
    tpu.vector_store_idx %arg12[%add3A_143, %broadcast_in_dim3A_258], %gather3A_265 : memref<32x4xf32, #tpu.memory_space<vmem>>[vector<16xi32>, vector<16xi32>], vector<16xf32>,
    %add3A_266 = arith.constant 3 : i32
    %add3A_267 = vector.broadcast %add3A_266 : i32 to vector<16xi32>
    %add3A_268 = arith.addi %mul3A_219, %add3A_267 : vector<16xi32>
    %gather3A_269 = tpu.vector_load_idx %arg11[%add3A_143, %add3A_268] : memref<32x128xf32, #tpu.memory_space<vmem>>[vector<16xi32>, vector<16xi32>], vector<16xf32>,
    tpu.vector_store_idx %arg13[%add3A_143, %broadcast_in_dim3A_258], %gather3A_269 : memref<32x4xf32, #tpu.memory_space<vmem>>[vector<16xi32>, vector<16xi32>], vector<16xf32>,
    %get3A_270 = arith.constant 16 : index
    %get3A_271 = tpu.vector_load %arg7[%get3A_270] {strides = array<i32>} : memref<32xi32, #tpu.memory_space<vmem>>, vector<16xi32>,
    %add3A_272 = arith.constant 16 : i32
    %add3A_273 = vector.broadcast %add3A_272 : i32 to vector<16xi32>
    %add3A_274 = arith.addi %add3A_273, %iota3A : vector<16xi32>
    %jit3A_275 = arith.constant 80 : i32
    %eq3A_276 = arith.constant 0 : i32
    %eq3A_277 = arith.cmpi eq, %jit3A_275, %eq3A_276 : i32
    %jit3A_278 = arith.constant 1 : i32
    %select_n3A_279 = arith.select %eq3A_277, %jit3A_278, %jit3A_275 : i32
    %rem3A_280 = vector.broadcast %select_n3A_279 : i32 to vector<16xi32>
    %rem3A_281 = arith.remsi %get3A_271, %rem3A_280 : vector<16xi32>
    %ne3A_282 = arith.constant 0 : i32
    %ne3A_283 = vector.broadcast %ne3A_282 : i32 to vector<16xi32>
    %ne3A_284 = arith.cmpi ne, %rem3A_281, %ne3A_283 : vector<16xi32>
    %lt3A_285 = arith.constant 0 : i32
    %lt3A_286 = vector.broadcast %lt3A_285 : i32 to vector<16xi32>
    %lt3A_287 = arith.cmpi slt, %rem3A_281, %lt3A_286 : vector<16xi32>
    %lt3A_288 = arith.constant 0 : i32
    %lt3A_289 = arith.cmpi slt, %select_n3A_279, %lt3A_288 : i32
    %ne3A_290 = vector.broadcast %lt3A_289 : i1 to vector<16xi1>
    %ne3A_291 = vector.broadcast %ne3A_290 : vector<16xi1> to vector<16xi1>
    %ne3A_292 = arith.xori %lt3A_287, %ne3A_291 : vector<16xi1>
    %and3A_293 = arith.andi %ne3A_292, %ne3A_284 : vector<16xi1>
    %add3A_294 = vector.broadcast %select_n3A_279 : i32 to vector<16xi32>
    %add3A_295 = arith.addi %rem3A_281, %add3A_294 : vector<16xi32>
    %select_n3A_296 = arith.select %and3A_293, %add3A_295, %rem3A_281 : vector<16xi1>, vector<16xi32>
    %jit3A_297 = arith.constant 80 : i32
    %div3A_298 = vector.broadcast %jit3A_297 : i32 to vector<16xi32>
    %div3A_299 = arith.divsi %get3A_271, %div3A_298 : vector<16xi32>
    %sign3A_300 = arith.constant 0 : i32
    %sign3A_301 = vector.broadcast %sign3A_300 : i32 to vector<16xi32>
    %sign3A_302 = arith.cmpi sgt, %get3A_271, %sign3A_301 : vector<16xi32>
    %sign3A_303 = arith.extui %sign3A_302 : vector<16xi1> to vector<16xi32>
    %sign3A_304 = arith.constant 0 : i32
    %sign3A_305 = vector.broadcast %sign3A_304 : i32 to vector<16xi32>
    %sign3A_306 = arith.cmpi slt, %get3A_271, %sign3A_305 : vector<16xi32>
    %sign3A_307 = arith.extui %sign3A_306 : vector<16xi1> to vector<16xi32>
    %sign3A_308 = arith.subi %sign3A_303, %sign3A_307 : vector<16xi32>
    %sign3A_309 = arith.constant 0 : i32
    %sign3A_310 = arith.cmpi sgt, %jit3A_297, %sign3A_309 : i32
    %sign3A_311 = arith.extui %sign3A_310 : i1 to i32
    %sign3A_312 = arith.constant 0 : i32
    %sign3A_313 = arith.cmpi slt, %jit3A_297, %sign3A_312 : i32
    %sign3A_314 = arith.extui %sign3A_313 : i1 to i32
    %sign3A_315 = arith.subi %sign3A_311, %sign3A_314 : i32
    %ne3A_316 = vector.broadcast %sign3A_315 : i32 to vector<16xi32>
    %ne3A_317 = arith.cmpi ne, %sign3A_308, %ne3A_316 : vector<16xi32>
    %rem3A_318 = vector.broadcast %jit3A_297 : i32 to vector<16xi32>
    %rem3A_319 = arith.remsi %get3A_271, %rem3A_318 : vector<16xi32>
    %ne3A_320 = arith.constant 0 : i32
    %ne3A_321 = vector.broadcast %ne3A_320 : i32 to vector<16xi32>
    %ne3A_322 = arith.cmpi ne, %rem3A_319, %ne3A_321 : vector<16xi32>
    %and3A_323 = arith.andi %ne3A_317, %ne3A_322 : vector<16xi1>
    %sub3A_324 = arith.constant 1 : i32
    %sub3A_325 = vector.broadcast %sub3A_324 : i32 to vector<16xi32>
    %sub3A_326 = arith.subi %div3A_299, %sub3A_325 : vector<16xi32>
    %select_n3A_327 = arith.select %and3A_323, %sub3A_326, %div3A_299 : vector<16xi1>, vector<16xi32>
    %jit3A_328 = arith.constant 32 : i32
    %eq3A_329 = arith.constant 0 : i32
    %eq3A_330 = arith.cmpi eq, %jit3A_328, %eq3A_329 : i32
    %jit3A_331 = arith.constant 1 : i32
    %select_n3A_332 = arith.select %eq3A_330, %jit3A_331, %jit3A_328 : i32
    %rem3A_333 = vector.broadcast %select_n3A_332 : i32 to vector<16xi32>
    %rem3A_334 = arith.remsi %select_n3A_327, %rem3A_333 : vector<16xi32>
    %ne3A_335 = arith.constant 0 : i32
    %ne3A_336 = vector.broadcast %ne3A_335 : i32 to vector<16xi32>
    %ne3A_337 = arith.cmpi ne, %rem3A_334, %ne3A_336 : vector<16xi32>
    %lt3A_338 = arith.constant 0 : i32
    %lt3A_339 = vector.broadcast %lt3A_338 : i32 to vector<16xi32>
    %lt3A_340 = arith.cmpi slt, %rem3A_334, %lt3A_339 : vector<16xi32>
    %lt3A_341 = arith.constant 0 : i32
    %lt3A_342 = arith.cmpi slt, %select_n3A_332, %lt3A_341 : i32
    %ne3A_343 = vector.broadcast %lt3A_342 : i1 to vector<16xi1>
    %ne3A_344 = vector.broadcast %ne3A_343 : vector<16xi1> to vector<16xi1>
    %ne3A_345 = arith.xori %lt3A_340, %ne3A_344 : vector<16xi1>
    %and3A_346 = arith.andi %ne3A_345, %ne3A_337 : vector<16xi1>
    %add3A_347 = vector.broadcast %select_n3A_332 : i32 to vector<16xi32>
    %add3A_348 = arith.addi %rem3A_334, %add3A_347 : vector<16xi32>
    %select_n3A_349 = arith.select %and3A_346, %add3A_348, %rem3A_334 : vector<16xi1>, vector<16xi32>
    %mul3A_350 = arith.constant 4 : i32
    %mul3A_351 = vector.broadcast %mul3A_350 : i32 to vector<16xi32>
    %mul3A_352 = arith.muli %mul3A_351, %select_n3A_349 : vector<16xi32>
    %broadcast_in_dim3A_353 = arith.constant 0 : i32
    %broadcast_in_dim3A_354 = vector.broadcast %broadcast_in_dim3A_353 : i32 to vector<16xi32>
    %mul3A_355 = arith.constant 4 : i32
    %mul3A_356 = vector.broadcast %mul3A_355 : i32 to vector<16xi32>
    %mul3A_357 = arith.muli %mul3A_356, %select_n3A_296 : vector<16xi32>
    %add3A_358 = arith.constant 0 : i32
    %add3A_359 = vector.broadcast %add3A_358 : i32 to vector<16xi32>
    %add3A_360 = arith.addi %mul3A_357, %add3A_359 : vector<16xi32>
    %gather3A_361 = tpu.vector_load_idx %arg10[%add3A_274, %add3A_360] : memref<32x512xf32, #tpu.memory_space<vmem>>[vector<16xi32>, vector<16xi32>], vector<16xf32>,
    tpu.vector_store_idx %arg12[%add3A_274, %broadcast_in_dim3A_354], %gather3A_361 : memref<32x4xf32, #tpu.memory_space<vmem>>[vector<16xi32>, vector<16xi32>], vector<16xf32>,
    %add3A_362 = arith.constant 0 : i32
    %add3A_363 = vector.broadcast %add3A_362 : i32 to vector<16xi32>
    %add3A_364 = arith.addi %mul3A_352, %add3A_363 : vector<16xi32>
    %gather3A_365 = tpu.vector_load_idx %arg11[%add3A_274, %add3A_364] : memref<32x128xf32, #tpu.memory_space<vmem>>[vector<16xi32>, vector<16xi32>], vector<16xf32>,
    tpu.vector_store_idx %arg13[%add3A_274, %broadcast_in_dim3A_354], %gather3A_365 : memref<32x4xf32, #tpu.memory_space<vmem>>[vector<16xi32>, vector<16xi32>], vector<16xf32>,
    %broadcast_in_dim3A_366 = arith.constant 1 : i32
    %broadcast_in_dim3A_367 = vector.broadcast %broadcast_in_dim3A_366 : i32 to vector<16xi32>
    %mul3A_368 = arith.constant 4 : i32
    %mul3A_369 = vector.broadcast %mul3A_368 : i32 to vector<16xi32>
    %mul3A_370 = arith.muli %mul3A_369, %select_n3A_296 : vector<16xi32>
    %add3A_371 = arith.constant 1 : i32
    %add3A_372 = vector.broadcast %add3A_371 : i32 to vector<16xi32>
    %add3A_373 = arith.addi %mul3A_370, %add3A_372 : vector<16xi32>
    %gather3A_374 = tpu.vector_load_idx %arg10[%add3A_274, %add3A_373] : memref<32x512xf32, #tpu.memory_space<vmem>>[vector<16xi32>, vector<16xi32>], vector<16xf32>,
    tpu.vector_store_idx %arg12[%add3A_274, %broadcast_in_dim3A_367], %gather3A_374 : memref<32x4xf32, #tpu.memory_space<vmem>>[vector<16xi32>, vector<16xi32>], vector<16xf32>,
    %add3A_375 = arith.constant 1 : i32
    %add3A_376 = vector.broadcast %add3A_375 : i32 to vector<16xi32>
    %add3A_377 = arith.addi %mul3A_352, %add3A_376 : vector<16xi32>
    %gather3A_378 = tpu.vector_load_idx %arg11[%add3A_274, %add3A_377] : memref<32x128xf32, #tpu.memory_space<vmem>>[vector<16xi32>, vector<16xi32>], vector<16xf32>,
    tpu.vector_store_idx %arg13[%add3A_274, %broadcast_in_dim3A_367], %gather3A_378 : memref<32x4xf32, #tpu.memory_space<vmem>>[vector<16xi32>, vector<16xi32>], vector<16xf32>,
    %broadcast_in_dim3A_379 = arith.constant 2 : i32
    %broadcast_in_dim3A_380 = vector.broadcast %broadcast_in_dim3A_379 : i32 to vector<16xi32>
    %mul3A_381 = arith.constant 4 : i32
    %mul3A_382 = vector.broadcast %mul3A_381 : i32 to vector<16xi32>
    %mul3A_383 = arith.muli %mul3A_382, %select_n3A_296 : vector<16xi32>
    %add3A_384 = arith.constant 2 : i32
    %add3A_385 = vector.broadcast %add3A_384 : i32 to vector<16xi32>
    %add3A_386 = arith.addi %mul3A_383, %add3A_385 : vector<16xi32>
    %gather3A_387 = tpu.vector_load_idx %arg10[%add3A_274, %add3A_386] : memref<32x512xf32, #tpu.memory_space<vmem>>[vector<16xi32>, vector<16xi32>], vector<16xf32>,
    tpu.vector_store_idx %arg12[%add3A_274, %broadcast_in_dim3A_380], %gather3A_387 : memref<32x4xf32, #tpu.memory_space<vmem>>[vector<16xi32>, vector<16xi32>], vector<16xf32>,
    %add3A_388 = arith.constant 2 : i32
    %add3A_389 = vector.broadcast %add3A_388 : i32 to vector<16xi32>
    %add3A_390 = arith.addi %mul3A_352, %add3A_389 : vector<16xi32>
    %gather3A_391 = tpu.vector_load_idx %arg11[%add3A_274, %add3A_390] : memref<32x128xf32, #tpu.memory_space<vmem>>[vector<16xi32>, vector<16xi32>], vector<16xf32>,
    tpu.vector_store_idx %arg13[%add3A_274, %broadcast_in_dim3A_380], %gather3A_391 : memref<32x4xf32, #tpu.memory_space<vmem>>[vector<16xi32>, vector<16xi32>], vector<16xf32>,
    %broadcast_in_dim3A_392 = arith.constant 3 : i32
    %broadcast_in_dim3A_393 = vector.broadcast %broadcast_in_dim3A_392 : i32 to vector<16xi32>
    %mul3A_394 = arith.constant 4 : i32
    %mul3A_395 = vector.broadcast %mul3A_394 : i32 to vector<16xi32>
    %mul3A_396 = arith.muli %mul3A_395, %select_n3A_296 : vector<16xi32>
    %add3A_397 = arith.constant 3 : i32
    %add3A_398 = vector.broadcast %add3A_397 : i32 to vector<16xi32>
    %add3A_399 = arith.addi %mul3A_396, %add3A_398 : vector<16xi32>
    %gather3A_400 = tpu.vector_load_idx %arg10[%add3A_274, %add3A_399] : memref<32x512xf32, #tpu.memory_space<vmem>>[vector<16xi32>, vector<16xi32>], vector<16xf32>,
    tpu.vector_store_idx %arg12[%add3A_274, %broadcast_in_dim3A_393], %gather3A_400 : memref<32x4xf32, #tpu.memory_space<vmem>>[vector<16xi32>, vector<16xi32>], vector<16xf32>,
    %add3A_401 = arith.constant 3 : i32
    %add3A_402 = vector.broadcast %add3A_401 : i32 to vector<16xi32>
    %add3A_403 = arith.addi %mul3A_352, %add3A_402 : vector<16xi32>
    %gather3A_404 = tpu.vector_load_idx %arg11[%add3A_274, %add3A_403] : memref<32x128xf32, #tpu.memory_space<vmem>>[vector<16xi32>, vector<16xi32>], vector<16xf32>,
    tpu.vector_store_idx %arg13[%add3A_274, %broadcast_in_dim3A_393], %gather3A_404 : memref<32x4xf32, #tpu.memory_space<vmem>>[vector<16xi32>, vector<16xi32>], vector<16xf32>,
    "tpu.region"() ({
      %run_scoped3A = tpu.sem_alloc : memref<!tpu.dma_semaphore, #tpu.memory_space<semaphore_mem>>
      %dma_start3A_405 = arith.constant 0 : i32
      %dma_start3A_406 = tpu.memref_slice %arg5[%mul3A_2, %dma_start3A_405] : memref<1024x4xf32, #tpu.memory_space<hbm>> -> memref<32x4xf32, #tpu.memory_space<hbm>>
      %dma_start3A_407 = arith.constant 0 : i32
      %dma_start3A_408 = tpu.memref_slice %arg5[%mul3A_2, %dma_start3A_407] : memref<1024x4xf32, #tpu.memory_space<hbm>> -> memref<32x4xf32, #tpu.memory_space<hbm>>
      tpu.enqueue_dma source(%arg12 : memref<32x4xf32, #tpu.memory_space<vmem>>) target(%dma_start3A_408 : memref<32x4xf32, #tpu.memory_space<hbm>>) target_semaphore(%run_scoped3A : memref<!tpu.dma_semaphore, #tpu.memory_space<semaphore_mem>>)
      %dma_wait3A_409 = arith.constant 0 : i32
      %dma_wait3A_410 = tpu.memref_slice %arg5[%mul3A_2, %dma_wait3A_409] : memref<1024x4xf32, #tpu.memory_space<hbm>> -> memref<32x4xf32, #tpu.memory_space<hbm>>
      %dma_wait3A_411 = arith.constant 0 : i32
      %dma_wait3A_412 = tpu.memref_slice %arg5[%mul3A_2, %dma_wait3A_411] : memref<1024x4xf32, #tpu.memory_space<hbm>> -> memref<32x4xf32, #tpu.memory_space<hbm>>
      tpu.wait_dma2 semaphore(%run_scoped3A : memref<!tpu.dma_semaphore, #tpu.memory_space<semaphore_mem>>) src(%arg12 : memref<32x4xf32, #tpu.memory_space<vmem>>) dst(%dma_wait3A_412 : memref<32x4xf32, #tpu.memory_space<hbm>>)
      tpu.yield
    }) : () -> ()
    "tpu.region"() ({
      %run_scoped3A = tpu.sem_alloc : memref<!tpu.dma_semaphore, #tpu.memory_space<semaphore_mem>>
      %dma_start3A_405 = arith.constant 0 : i32
      %dma_start3A_406 = tpu.memref_slice %arg6[%mul3A_2, %dma_start3A_405] : memref<1024x4xf32, #tpu.memory_space<hbm>> -> memref<32x4xf32, #tpu.memory_space<hbm>>
      %dma_start3A_407 = arith.constant 0 : i32
      %dma_start3A_408 = tpu.memref_slice %arg6[%mul3A_2, %dma_start3A_407] : memref<1024x4xf32, #tpu.memory_space<hbm>> -> memref<32x4xf32, #tpu.memory_space<hbm>>
      tpu.enqueue_dma source(%arg13 : memref<32x4xf32, #tpu.memory_space<vmem>>) target(%dma_start3A_408 : memref<32x4xf32, #tpu.memory_space<hbm>>) target_semaphore(%run_scoped3A : memref<!tpu.dma_semaphore, #tpu.memory_space<semaphore_mem>>)
      %dma_wait3A_409 = arith.constant 0 : i32
      %dma_wait3A_410 = tpu.memref_slice %arg6[%mul3A_2, %dma_wait3A_409] : memref<1024x4xf32, #tpu.memory_space<hbm>> -> memref<32x4xf32, #tpu.memory_space<hbm>>
      %dma_wait3A_411 = arith.constant 0 : i32
      %dma_wait3A_412 = tpu.memref_slice %arg6[%mul3A_2, %dma_wait3A_411] : memref<1024x4xf32, #tpu.memory_space<hbm>> -> memref<32x4xf32, #tpu.memory_space<hbm>>
      tpu.wait_dma2 semaphore(%run_scoped3A : memref<!tpu.dma_semaphore, #tpu.memory_space<semaphore_mem>>) src(%arg13 : memref<32x4xf32, #tpu.memory_space<vmem>>) dst(%dma_wait3A_412 : memref<32x4xf32, #tpu.memory_space<hbm>>)
      tpu.yield
    }) : () -> ()
    return
  }
}

#map = affine_map<(d0, d1) -> (0, 0)>
module attributes {stable_mosaic.version = 14 : i64} {
  func.func @k(%arg0: i32, %arg1: i32, %arg2: memref<20000x80xf32, #tpu.memory_space<hbm>>, %arg3: memref<32x2048xi32, #tpu.memory_space<hbm>>, %arg4: memref<32x2048xi32, #tpu.memory_space<hbm>>, %arg5: memref<656x80xf32, #tpu.memory_space<vmem>>, %arg6: memref<2048xi32, #tpu.memory_space<vmem>>, %arg7: memref<2048xi32, #tpu.memory_space<vmem>>) attributes {dimension_semantics = [#tpu.dimension_semantics<core_parallel>, #tpu.dimension_semantics<subcore_parallel>], iteration_bounds = array<i64: 2, 16>, scalar_prefetch = 0 : i64, scratch_operands = 3 : i64, tpu.core_type = #tpu.core_type<sc_vector_subcore>, window_params = [{transform_indices = #map}, {transform_indices = #map}, {transform_indices = #map}]} {
    %mul3A = arith.constant 2 : i32
    %mul3A_0 = arith.muli %arg1, %mul3A : i32
    %add3A = arith.addi %mul3A_0, %arg0 : i32
    %mul3A_1 = arith.constant 624 : i32
    %mul3A_2 = arith.muli %add3A, %mul3A_1 : i32
    %multiple_of3A = tpu.assume_multiple %mul3A_2, 8 : i32
    %mul3A_3 = arith.constant 80 : i32
    %mul3A_4 = arith.muli %multiple_of3A, %mul3A_3 : i32
    "tpu.region"() ({
      %run_scoped3A = tpu.sem_alloc : memref<!tpu.dma_semaphore, #tpu.memory_space<semaphore_mem>>
      %dma_start3A = arith.constant 0 : i32
      %dma_start3A_29 = arith.constant 0 : i32
      %dma_start3A_30 = tpu.memref_slice %arg5[%dma_start3A, %dma_start3A_29] : memref<656x80xf32, #tpu.memory_space<vmem>> -> memref<624x80xf32, #tpu.memory_space<vmem>>
      %dma_start3A_31 = arith.constant 0 : i32
      %dma_start3A_32 = tpu.memref_slice %arg2[%multiple_of3A, %dma_start3A_31] : memref<20000x80xf32, #tpu.memory_space<hbm>> -> memref<624x80xf32, #tpu.memory_space<hbm>>
      %dma_start3A_33 = arith.constant 0 : i32
      %dma_start3A_34 = arith.constant 0 : i32
      %dma_start3A_35 = tpu.memref_slice %arg5[%dma_start3A_33, %dma_start3A_34] : memref<656x80xf32, #tpu.memory_space<vmem>> -> memref<624x80xf32, #tpu.memory_space<vmem>>
      %dma_start3A_36 = arith.constant 0 : i32
      %dma_start3A_37 = tpu.memref_slice %arg2[%multiple_of3A, %dma_start3A_36] : memref<20000x80xf32, #tpu.memory_space<hbm>> -> memref<624x80xf32, #tpu.memory_space<hbm>>
      tpu.enqueue_dma source(%dma_start3A_37 : memref<624x80xf32, #tpu.memory_space<hbm>>) target(%dma_start3A_35 : memref<624x80xf32, #tpu.memory_space<vmem>>) target_semaphore(%run_scoped3A : memref<!tpu.dma_semaphore, #tpu.memory_space<semaphore_mem>>)
      %dma_wait3A = arith.constant 0 : i32
      %dma_wait3A_38 = arith.constant 0 : i32
      %dma_wait3A_39 = tpu.memref_slice %arg5[%dma_wait3A, %dma_wait3A_38] : memref<656x80xf32, #tpu.memory_space<vmem>> -> memref<624x80xf32, #tpu.memory_space<vmem>>
      %dma_wait3A_40 = arith.constant 0 : i32
      %dma_wait3A_41 = tpu.memref_slice %arg2[%multiple_of3A, %dma_wait3A_40] : memref<20000x80xf32, #tpu.memory_space<hbm>> -> memref<624x80xf32, #tpu.memory_space<hbm>>
      %dma_wait3A_42 = arith.constant 0 : i32
      %dma_wait3A_43 = arith.constant 0 : i32
      %dma_wait3A_44 = tpu.memref_slice %arg5[%dma_wait3A_42, %dma_wait3A_43] : memref<656x80xf32, #tpu.memory_space<vmem>> -> memref<624x80xf32, #tpu.memory_space<vmem>>
      %dma_wait3A_45 = arith.constant 0 : i32
      %dma_wait3A_46 = tpu.memref_slice %arg2[%multiple_of3A, %dma_wait3A_45] : memref<20000x80xf32, #tpu.memory_space<hbm>> -> memref<624x80xf32, #tpu.memory_space<hbm>>
      tpu.wait_dma2 semaphore(%run_scoped3A : memref<!tpu.dma_semaphore, #tpu.memory_space<semaphore_mem>>) src(%dma_wait3A_46 : memref<624x80xf32, #tpu.memory_space<hbm>>) dst(%dma_wait3A_44 : memref<624x80xf32, #tpu.memory_space<vmem>>)
      tpu.yield
    }) : () -> ()
    %eq3A = arith.constant 31 : i32
    %eq3A_5 = arith.cmpi eq, %add3A, %eq3A : i32
    %convert_element_type3A = arith.extui %eq3A_5 : i1 to i32
    %cond3A = arith.constant 0 : i32
    %cond3A_6 = arith.cmpi ne, %convert_element_type3A, %cond3A : i32
    scf.if %cond3A_6 {
      "tpu.region"() ({
        %run_scoped3A = tpu.sem_alloc : memref<!tpu.dma_semaphore, #tpu.memory_space<semaphore_mem>>
        %dma_start3A = arith.constant 624 : i32
        %dma_start3A_29 = arith.constant 0 : i32
        %dma_start3A_30 = tpu.memref_slice %arg5[%dma_start3A, %dma_start3A_29] : memref<656x80xf32, #tpu.memory_space<vmem>> -> memref<32x80xf32, #tpu.memory_space<vmem>>
        %dma_start3A_31 = arith.constant 19968 : i32
        %dma_start3A_32 = arith.constant 0 : i32
        %dma_start3A_33 = tpu.memref_slice %arg2[%dma_start3A_31, %dma_start3A_32] : memref<20000x80xf32, #tpu.memory_space<hbm>> -> memref<32x80xf32, #tpu.memory_space<hbm>>
        %dma_start3A_34 = arith.constant 624 : i32
        %dma_start3A_35 = arith.constant 0 : i32
        %dma_start3A_36 = tpu.memref_slice %arg5[%dma_start3A_34, %dma_start3A_35] : memref<656x80xf32, #tpu.memory_space<vmem>> -> memref<32x80xf32, #tpu.memory_space<vmem>>
        %dma_start3A_37 = arith.constant 19968 : i32
        %dma_start3A_38 = arith.constant 0 : i32
        %dma_start3A_39 = tpu.memref_slice %arg2[%dma_start3A_37, %dma_start3A_38] : memref<20000x80xf32, #tpu.memory_space<hbm>> -> memref<32x80xf32, #tpu.memory_space<hbm>>
        tpu.enqueue_dma source(%dma_start3A_39 : memref<32x80xf32, #tpu.memory_space<hbm>>) target(%dma_start3A_36 : memref<32x80xf32, #tpu.memory_space<vmem>>) target_semaphore(%run_scoped3A : memref<!tpu.dma_semaphore, #tpu.memory_space<semaphore_mem>>)
        %dma_wait3A = arith.constant 624 : i32
        %dma_wait3A_40 = arith.constant 0 : i32
        %dma_wait3A_41 = tpu.memref_slice %arg5[%dma_wait3A, %dma_wait3A_40] : memref<656x80xf32, #tpu.memory_space<vmem>> -> memref<32x80xf32, #tpu.memory_space<vmem>>
        %dma_wait3A_42 = arith.constant 19968 : i32
        %dma_wait3A_43 = arith.constant 0 : i32
        %dma_wait3A_44 = tpu.memref_slice %arg2[%dma_wait3A_42, %dma_wait3A_43] : memref<20000x80xf32, #tpu.memory_space<hbm>> -> memref<32x80xf32, #tpu.memory_space<hbm>>
        %dma_wait3A_45 = arith.constant 624 : i32
        %dma_wait3A_46 = arith.constant 0 : i32
        %dma_wait3A_47 = tpu.memref_slice %arg5[%dma_wait3A_45, %dma_wait3A_46] : memref<656x80xf32, #tpu.memory_space<vmem>> -> memref<32x80xf32, #tpu.memory_space<vmem>>
        %dma_wait3A_48 = arith.constant 19968 : i32
        %dma_wait3A_49 = arith.constant 0 : i32
        %dma_wait3A_50 = tpu.memref_slice %arg2[%dma_wait3A_48, %dma_wait3A_49] : memref<20000x80xf32, #tpu.memory_space<hbm>> -> memref<32x80xf32, #tpu.memory_space<hbm>>
        tpu.wait_dma2 semaphore(%run_scoped3A : memref<!tpu.dma_semaphore, #tpu.memory_space<semaphore_mem>>) src(%dma_wait3A_50 : memref<32x80xf32, #tpu.memory_space<hbm>>) dst(%dma_wait3A_47 : memref<32x80xf32, #tpu.memory_space<vmem>>)
        tpu.yield
      }) : () -> ()
    } else {
    }
    %eq3A_7 = arith.constant 31 : i32
    %eq3A_8 = arith.cmpi eq, %add3A, %eq3A_7 : i32
    %jit3A = arith.constant 656 : i32
    %jit3A_9 = arith.constant 624 : i32
    %select_n3A = arith.select %eq3A_8, %jit3A, %jit3A_9 : i32
    %broadcast_in_dim3A = arith.constant -8388608 : i32
    %broadcast_in_dim3A_10 = vector.broadcast %broadcast_in_dim3A : i32 to vector<16xi32>
    %broadcast_in_dim3A_11 = arith.constant 1073741823 : i32
    %broadcast_in_dim3A_12 = vector.broadcast %broadcast_in_dim3A_11 : i32 to vector<16xi32>
    %scan3A = arith.constant 0 : i32
    %scan3A_13 = arith.constant 0 : i32
    %scan3A_14 = arith.constant 128 : i32
    %scan3A_15 = arith.addi %scan3A_13, %scan3A_14 : i32
    %scan3A_16 = arith.constant 1 : i32
    scf.for %scan3A_29 = %scan3A_13 to %scan3A_15 step %scan3A_16  : i32 {
      %mul3A_30 = arith.constant 16 : i32
      %mul3A_31 = arith.muli %scan3A_29, %mul3A_30 : i32
      %swap3A = arith.index_cast %mul3A_31 : i32 to index
      %swap3A_32 = tpu.vector_load %arg6[%swap3A] {strides = array<i32>} : memref<2048xi32, #tpu.memory_space<vmem>>, vector<16xi32>,
      tpu.vector_store %arg6[%swap3A], %broadcast_in_dim3A_10 {strides = array<i32>} : memref<2048xi32, #tpu.memory_space<vmem>>, vector<16xi32>,
      %mul3A_33 = arith.constant 16 : i32
      %mul3A_34 = arith.muli %scan3A_29, %mul3A_33 : i32
      %swap3A_35 = arith.index_cast %mul3A_34 : i32 to index
      %swap3A_36 = tpu.vector_load %arg7[%swap3A_35] {strides = array<i32>} : memref<2048xi32, #tpu.memory_space<vmem>>, vector<16xi32>,
      tpu.vector_store %arg7[%swap3A_35], %broadcast_in_dim3A_12 {strides = array<i32>} : memref<2048xi32, #tpu.memory_space<vmem>>, vector<16xi32>,
    }
    %scan3A_17 = arith.constant 128 : i32
    %iota3A = tpu.iota {dimensions = array<i32: 0>} : vector<16xi32>
    %while3A = arith.constant 0 : i32
    %while3A_18 = arith.constant 0 : i32
    %while3A_19 = arith.subi %select_n3A, %while3A : i32
    %while3A_20 = arith.addi %while3A, %while3A_19 : i32
    %while3A_21 = arith.constant 1 : i32
    %while3A_22 = arith.divsi %while3A_19, %while3A_21 : i32
    %while3A_23 = arith.muli %while3A_22, %while3A_21 : i32
    %while3A_24 = arith.addi %while3A, %while3A_23 : i32
    %while3A_25 = arith.constant 1 : i32
    %while3A_26 = scf.for %while3A_29 = %while3A to %while3A_24 step %while3A_25 iter_args(%while3A_30 = %while3A_18) -> (i32)  : i32 {
      %get3A = arith.index_cast %while3A_29 : i32 to index
      %get3A_31 = arith.constant 0 : index
      %get3A_32 = tpu.vector_load %arg5[%get3A, %get3A_31] {strides = array<i32>} : memref<656x80xf32, #tpu.memory_space<vmem>>, vector<16xf32>,
      %gt3A = arith.constant 5.000000e-02 : f32
      %gt3A_33 = vector.broadcast %gt3A : f32 to vector<16xf32>
      %gt3A_34 = arith.cmpf ogt, %get3A_32, %gt3A_33 : vector<16xf32>
      %jit3A_35 = arith.constant 1 : i32
      %jit3A_36 = arith.constant 0 : i32
      %broadcast_in_dim3A_37 = vector.broadcast %jit3A_35 : i32 to vector<16xi32>
      %broadcast_in_dim3A_38 = vector.broadcast %jit3A_36 : i32 to vector<16xi32>
      %select_n3A_39 = arith.select %gt3A_34, %broadcast_in_dim3A_37, %broadcast_in_dim3A_38 : vector<16xi1>, vector<16xi32>
      %cumsum3A = arith.constant true
      %cumsum3A_40 = vector.broadcast %cumsum3A : i1 to vector<16xi1>
      %cumsum3A_41 = tpu.scan <sum>, %select_n3A_39 masked %cumsum3A_40 : vector<16xi32>, vector<16xi1> -> vector<16xi32>
      %add3A_42 = vector.broadcast %while3A_30 : i32 to vector<16xi32>
      %add3A_43 = arith.addi %add3A_42, %cumsum3A_41 : vector<16xi32>
      %sub3A = arith.constant 1 : i32
      %sub3A_44 = vector.broadcast %sub3A : i32 to vector<16xi32>
      %sub3A_45 = arith.subi %add3A_43, %sub3A_44 : vector<16xi32>
      %min3A = arith.constant 2047 : i32
      %min3A_46 = vector.broadcast %min3A : i32 to vector<16xi32>
      %min3A_47 = arith.minsi %sub3A_45, %min3A_46 : vector<16xi32>
      %bitcast3A = vector.bitcast %get3A_32 : vector<16xf32> to vector<16xi32>
      tpu.vector_store_idx %arg6[%min3A_47], %bitcast3A masked %gt3A_34 : memref<2048xi32, #tpu.memory_space<vmem>>[vector<16xi32>], vector<16xi32>, vector<16xi1>
      %mul3A_48 = arith.constant 80 : i32
      %mul3A_49 = arith.muli %while3A_29, %mul3A_48 : i32
      %add3A_50 = arith.addi %mul3A_4, %mul3A_49 : i32
      %add3A_51 = arith.constant 0 : i32
      %add3A_52 = arith.addi %add3A_50, %add3A_51 : i32
      %add3A_53 = vector.broadcast %add3A_52 : i32 to vector<16xi32>
      %add3A_54 = arith.addi %iota3A, %add3A_53 : vector<16xi32>
      tpu.vector_store_idx %arg7[%min3A_47], %add3A_54 masked %gt3A_34 : memref<2048xi32, #tpu.memory_space<vmem>>[vector<16xi32>], vector<16xi32>, vector<16xi1>
      %reduce_max3A = arith.constant true
      %reduce_max3A_55 = vector.broadcast %reduce_max3A : i1 to vector<16xi1>
      %reduce_max3A_56 = arith.constant -2147483648 : i32
      %reduce_max3A_57 = vector.broadcast %reduce_max3A_56 : i32 to vector<16xi32>
      %reduce_max3A_58 = arith.xori %cumsum3A_41, %reduce_max3A_57 : vector<16xi32>
      %reduce_max3A_59 = tpu.scan <max>, %reduce_max3A_58 masked %reduce_max3A_55 : vector<16xi32>, vector<16xi1> -> vector<16xi32>
      %reduce_max3A_60 = arith.xori %reduce_max3A_59, %reduce_max3A_57 : vector<16xi32>
      %reduce_max3A_61 = vector.extract %reduce_max3A_60[15] : i32 from vector<16xi32>
      %add3A_62 = arith.addi %while3A_30, %reduce_max3A_61 : i32
      %get3A_63 = arith.index_cast %while3A_29 : i32 to index
      %get3A_64 = arith.constant 16 : index
      %get3A_65 = tpu.vector_load %arg5[%get3A_63, %get3A_64] {strides = array<i32>} : memref<656x80xf32, #tpu.memory_space<vmem>>, vector<16xf32>,
      %gt3A_66 = arith.constant 5.000000e-02 : f32
      %gt3A_67 = vector.broadcast %gt3A_66 : f32 to vector<16xf32>
      %gt3A_68 = arith.cmpf ogt, %get3A_65, %gt3A_67 : vector<16xf32>
      %jit3A_69 = arith.constant 1 : i32
      %jit3A_70 = arith.constant 0 : i32
      %broadcast_in_dim3A_71 = vector.broadcast %jit3A_69 : i32 to vector<16xi32>
      %broadcast_in_dim3A_72 = vector.broadcast %jit3A_70 : i32 to vector<16xi32>
      %select_n3A_73 = arith.select %gt3A_68, %broadcast_in_dim3A_71, %broadcast_in_dim3A_72 : vector<16xi1>, vector<16xi32>
      %cumsum3A_74 = arith.constant true
      %cumsum3A_75 = vector.broadcast %cumsum3A_74 : i1 to vector<16xi1>
      %cumsum3A_76 = tpu.scan <sum>, %select_n3A_73 masked %cumsum3A_75 : vector<16xi32>, vector<16xi1> -> vector<16xi32>
      %add3A_77 = vector.broadcast %add3A_62 : i32 to vector<16xi32>
      %add3A_78 = arith.addi %add3A_77, %cumsum3A_76 : vector<16xi32>
      %sub3A_79 = arith.constant 1 : i32
      %sub3A_80 = vector.broadcast %sub3A_79 : i32 to vector<16xi32>
      %sub3A_81 = arith.subi %add3A_78, %sub3A_80 : vector<16xi32>
      %min3A_82 = arith.constant 2047 : i32
      %min3A_83 = vector.broadcast %min3A_82 : i32 to vector<16xi32>
      %min3A_84 = arith.minsi %sub3A_81, %min3A_83 : vector<16xi32>
      %bitcast3A_85 = vector.bitcast %get3A_65 : vector<16xf32> to vector<16xi32>
      tpu.vector_store_idx %arg6[%min3A_84], %bitcast3A_85 masked %gt3A_68 : memref<2048xi32, #tpu.memory_space<vmem>>[vector<16xi32>], vector<16xi32>, vector<16xi1>
      %mul3A_86 = arith.constant 80 : i32
      %mul3A_87 = arith.muli %while3A_29, %mul3A_86 : i32
      %add3A_88 = arith.addi %mul3A_4, %mul3A_87 : i32
      %add3A_89 = arith.constant 16 : i32
      %add3A_90 = arith.addi %add3A_88, %add3A_89 : i32
      %add3A_91 = vector.broadcast %add3A_90 : i32 to vector<16xi32>
      %add3A_92 = arith.addi %iota3A, %add3A_91 : vector<16xi32>
      tpu.vector_store_idx %arg7[%min3A_84], %add3A_92 masked %gt3A_68 : memref<2048xi32, #tpu.memory_space<vmem>>[vector<16xi32>], vector<16xi32>, vector<16xi1>
      %reduce_max3A_93 = arith.constant true
      %reduce_max3A_94 = vector.broadcast %reduce_max3A_93 : i1 to vector<16xi1>
      %reduce_max3A_95 = arith.constant -2147483648 : i32
      %reduce_max3A_96 = vector.broadcast %reduce_max3A_95 : i32 to vector<16xi32>
      %reduce_max3A_97 = arith.xori %cumsum3A_76, %reduce_max3A_96 : vector<16xi32>
      %reduce_max3A_98 = tpu.scan <max>, %reduce_max3A_97 masked %reduce_max3A_94 : vector<16xi32>, vector<16xi1> -> vector<16xi32>
      %reduce_max3A_99 = arith.xori %reduce_max3A_98, %reduce_max3A_96 : vector<16xi32>
      %reduce_max3A_100 = vector.extract %reduce_max3A_99[15] : i32 from vector<16xi32>
      %add3A_101 = arith.addi %add3A_62, %reduce_max3A_100 : i32
      %get3A_102 = arith.index_cast %while3A_29 : i32 to index
      %get3A_103 = arith.constant 32 : index
      %get3A_104 = tpu.vector_load %arg5[%get3A_102, %get3A_103] {strides = array<i32>} : memref<656x80xf32, #tpu.memory_space<vmem>>, vector<16xf32>,
      %gt3A_105 = arith.constant 5.000000e-02 : f32
      %gt3A_106 = vector.broadcast %gt3A_105 : f32 to vector<16xf32>
      %gt3A_107 = arith.cmpf ogt, %get3A_104, %gt3A_106 : vector<16xf32>
      %jit3A_108 = arith.constant 1 : i32
      %jit3A_109 = arith.constant 0 : i32
      %broadcast_in_dim3A_110 = vector.broadcast %jit3A_108 : i32 to vector<16xi32>
      %broadcast_in_dim3A_111 = vector.broadcast %jit3A_109 : i32 to vector<16xi32>
      %select_n3A_112 = arith.select %gt3A_107, %broadcast_in_dim3A_110, %broadcast_in_dim3A_111 : vector<16xi1>, vector<16xi32>
      %cumsum3A_113 = arith.constant true
      %cumsum3A_114 = vector.broadcast %cumsum3A_113 : i1 to vector<16xi1>
      %cumsum3A_115 = tpu.scan <sum>, %select_n3A_112 masked %cumsum3A_114 : vector<16xi32>, vector<16xi1> -> vector<16xi32>
      %add3A_116 = vector.broadcast %add3A_101 : i32 to vector<16xi32>
      %add3A_117 = arith.addi %add3A_116, %cumsum3A_115 : vector<16xi32>
      %sub3A_118 = arith.constant 1 : i32
      %sub3A_119 = vector.broadcast %sub3A_118 : i32 to vector<16xi32>
      %sub3A_120 = arith.subi %add3A_117, %sub3A_119 : vector<16xi32>
      %min3A_121 = arith.constant 2047 : i32
      %min3A_122 = vector.broadcast %min3A_121 : i32 to vector<16xi32>
      %min3A_123 = arith.minsi %sub3A_120, %min3A_122 : vector<16xi32>
      %bitcast3A_124 = vector.bitcast %get3A_104 : vector<16xf32> to vector<16xi32>
      tpu.vector_store_idx %arg6[%min3A_123], %bitcast3A_124 masked %gt3A_107 : memref<2048xi32, #tpu.memory_space<vmem>>[vector<16xi32>], vector<16xi32>, vector<16xi1>
      %mul3A_125 = arith.constant 80 : i32
      %mul3A_126 = arith.muli %while3A_29, %mul3A_125 : i32
      %add3A_127 = arith.addi %mul3A_4, %mul3A_126 : i32
      %add3A_128 = arith.constant 32 : i32
      %add3A_129 = arith.addi %add3A_127, %add3A_128 : i32
      %add3A_130 = vector.broadcast %add3A_129 : i32 to vector<16xi32>
      %add3A_131 = arith.addi %iota3A, %add3A_130 : vector<16xi32>
      tpu.vector_store_idx %arg7[%min3A_123], %add3A_131 masked %gt3A_107 : memref<2048xi32, #tpu.memory_space<vmem>>[vector<16xi32>], vector<16xi32>, vector<16xi1>
      %reduce_max3A_132 = arith.constant true
      %reduce_max3A_133 = vector.broadcast %reduce_max3A_132 : i1 to vector<16xi1>
      %reduce_max3A_134 = arith.constant -2147483648 : i32
      %reduce_max3A_135 = vector.broadcast %reduce_max3A_134 : i32 to vector<16xi32>
      %reduce_max3A_136 = arith.xori %cumsum3A_115, %reduce_max3A_135 : vector<16xi32>
      %reduce_max3A_137 = tpu.scan <max>, %reduce_max3A_136 masked %reduce_max3A_133 : vector<16xi32>, vector<16xi1> -> vector<16xi32>
      %reduce_max3A_138 = arith.xori %reduce_max3A_137, %reduce_max3A_135 : vector<16xi32>
      %reduce_max3A_139 = vector.extract %reduce_max3A_138[15] : i32 from vector<16xi32>
      %add3A_140 = arith.addi %add3A_101, %reduce_max3A_139 : i32
      %get3A_141 = arith.index_cast %while3A_29 : i32 to index
      %get3A_142 = arith.constant 48 : index
      %get3A_143 = tpu.vector_load %arg5[%get3A_141, %get3A_142] {strides = array<i32>} : memref<656x80xf32, #tpu.memory_space<vmem>>, vector<16xf32>,
      %gt3A_144 = arith.constant 5.000000e-02 : f32
      %gt3A_145 = vector.broadcast %gt3A_144 : f32 to vector<16xf32>
      %gt3A_146 = arith.cmpf ogt, %get3A_143, %gt3A_145 : vector<16xf32>
      %jit3A_147 = arith.constant 1 : i32
      %jit3A_148 = arith.constant 0 : i32
      %broadcast_in_dim3A_149 = vector.broadcast %jit3A_147 : i32 to vector<16xi32>
      %broadcast_in_dim3A_150 = vector.broadcast %jit3A_148 : i32 to vector<16xi32>
      %select_n3A_151 = arith.select %gt3A_146, %broadcast_in_dim3A_149, %broadcast_in_dim3A_150 : vector<16xi1>, vector<16xi32>
      %cumsum3A_152 = arith.constant true
      %cumsum3A_153 = vector.broadcast %cumsum3A_152 : i1 to vector<16xi1>
      %cumsum3A_154 = tpu.scan <sum>, %select_n3A_151 masked %cumsum3A_153 : vector<16xi32>, vector<16xi1> -> vector<16xi32>
      %add3A_155 = vector.broadcast %add3A_140 : i32 to vector<16xi32>
      %add3A_156 = arith.addi %add3A_155, %cumsum3A_154 : vector<16xi32>
      %sub3A_157 = arith.constant 1 : i32
      %sub3A_158 = vector.broadcast %sub3A_157 : i32 to vector<16xi32>
      %sub3A_159 = arith.subi %add3A_156, %sub3A_158 : vector<16xi32>
      %min3A_160 = arith.constant 2047 : i32
      %min3A_161 = vector.broadcast %min3A_160 : i32 to vector<16xi32>
      %min3A_162 = arith.minsi %sub3A_159, %min3A_161 : vector<16xi32>
      %bitcast3A_163 = vector.bitcast %get3A_143 : vector<16xf32> to vector<16xi32>
      tpu.vector_store_idx %arg6[%min3A_162], %bitcast3A_163 masked %gt3A_146 : memref<2048xi32, #tpu.memory_space<vmem>>[vector<16xi32>], vector<16xi32>, vector<16xi1>
      %mul3A_164 = arith.constant 80 : i32
      %mul3A_165 = arith.muli %while3A_29, %mul3A_164 : i32
      %add3A_166 = arith.addi %mul3A_4, %mul3A_165 : i32
      %add3A_167 = arith.constant 48 : i32
      %add3A_168 = arith.addi %add3A_166, %add3A_167 : i32
      %add3A_169 = vector.broadcast %add3A_168 : i32 to vector<16xi32>
      %add3A_170 = arith.addi %iota3A, %add3A_169 : vector<16xi32>
      tpu.vector_store_idx %arg7[%min3A_162], %add3A_170 masked %gt3A_146 : memref<2048xi32, #tpu.memory_space<vmem>>[vector<16xi32>], vector<16xi32>, vector<16xi1>
      %reduce_max3A_171 = arith.constant true
      %reduce_max3A_172 = vector.broadcast %reduce_max3A_171 : i1 to vector<16xi1>
      %reduce_max3A_173 = arith.constant -2147483648 : i32
      %reduce_max3A_174 = vector.broadcast %reduce_max3A_173 : i32 to vector<16xi32>
      %reduce_max3A_175 = arith.xori %cumsum3A_154, %reduce_max3A_174 : vector<16xi32>
      %reduce_max3A_176 = tpu.scan <max>, %reduce_max3A_175 masked %reduce_max3A_172 : vector<16xi32>, vector<16xi1> -> vector<16xi32>
      %reduce_max3A_177 = arith.xori %reduce_max3A_176, %reduce_max3A_174 : vector<16xi32>
      %reduce_max3A_178 = vector.extract %reduce_max3A_177[15] : i32 from vector<16xi32>
      %add3A_179 = arith.addi %add3A_140, %reduce_max3A_178 : i32
      %get3A_180 = arith.index_cast %while3A_29 : i32 to index
      %get3A_181 = arith.constant 64 : index
      %get3A_182 = tpu.vector_load %arg5[%get3A_180, %get3A_181] {strides = array<i32>} : memref<656x80xf32, #tpu.memory_space<vmem>>, vector<16xf32>,
      %gt3A_183 = arith.constant 5.000000e-02 : f32
      %gt3A_184 = vector.broadcast %gt3A_183 : f32 to vector<16xf32>
      %gt3A_185 = arith.cmpf ogt, %get3A_182, %gt3A_184 : vector<16xf32>
      %jit3A_186 = arith.constant 1 : i32
      %jit3A_187 = arith.constant 0 : i32
      %broadcast_in_dim3A_188 = vector.broadcast %jit3A_186 : i32 to vector<16xi32>
      %broadcast_in_dim3A_189 = vector.broadcast %jit3A_187 : i32 to vector<16xi32>
      %select_n3A_190 = arith.select %gt3A_185, %broadcast_in_dim3A_188, %broadcast_in_dim3A_189 : vector<16xi1>, vector<16xi32>
      %cumsum3A_191 = arith.constant true
      %cumsum3A_192 = vector.broadcast %cumsum3A_191 : i1 to vector<16xi1>
      %cumsum3A_193 = tpu.scan <sum>, %select_n3A_190 masked %cumsum3A_192 : vector<16xi32>, vector<16xi1> -> vector<16xi32>
      %add3A_194 = vector.broadcast %add3A_179 : i32 to vector<16xi32>
      %add3A_195 = arith.addi %add3A_194, %cumsum3A_193 : vector<16xi32>
      %sub3A_196 = arith.constant 1 : i32
      %sub3A_197 = vector.broadcast %sub3A_196 : i32 to vector<16xi32>
      %sub3A_198 = arith.subi %add3A_195, %sub3A_197 : vector<16xi32>
      %min3A_199 = arith.constant 2047 : i32
      %min3A_200 = vector.broadcast %min3A_199 : i32 to vector<16xi32>
      %min3A_201 = arith.minsi %sub3A_198, %min3A_200 : vector<16xi32>
      %bitcast3A_202 = vector.bitcast %get3A_182 : vector<16xf32> to vector<16xi32>
      tpu.vector_store_idx %arg6[%min3A_201], %bitcast3A_202 masked %gt3A_185 : memref<2048xi32, #tpu.memory_space<vmem>>[vector<16xi32>], vector<16xi32>, vector<16xi1>
      %mul3A_203 = arith.constant 80 : i32
      %mul3A_204 = arith.muli %while3A_29, %mul3A_203 : i32
      %add3A_205 = arith.addi %mul3A_4, %mul3A_204 : i32
      %add3A_206 = arith.constant 64 : i32
      %add3A_207 = arith.addi %add3A_205, %add3A_206 : i32
      %add3A_208 = vector.broadcast %add3A_207 : i32 to vector<16xi32>
      %add3A_209 = arith.addi %iota3A, %add3A_208 : vector<16xi32>
      tpu.vector_store_idx %arg7[%min3A_201], %add3A_209 masked %gt3A_185 : memref<2048xi32, #tpu.memory_space<vmem>>[vector<16xi32>], vector<16xi32>, vector<16xi1>
      %reduce_max3A_210 = arith.constant true
      %reduce_max3A_211 = vector.broadcast %reduce_max3A_210 : i1 to vector<16xi1>
      %reduce_max3A_212 = arith.constant -2147483648 : i32
      %reduce_max3A_213 = vector.broadcast %reduce_max3A_212 : i32 to vector<16xi32>
      %reduce_max3A_214 = arith.xori %cumsum3A_193, %reduce_max3A_213 : vector<16xi32>
      %reduce_max3A_215 = tpu.scan <max>, %reduce_max3A_214 masked %reduce_max3A_211 : vector<16xi32>, vector<16xi1> -> vector<16xi32>
      %reduce_max3A_216 = arith.xori %reduce_max3A_215, %reduce_max3A_213 : vector<16xi32>
      %reduce_max3A_217 = vector.extract %reduce_max3A_216[15] : i32 from vector<16xi32>
      %add3A_218 = arith.addi %add3A_179, %reduce_max3A_217 : i32
      scf.yield %add3A_218 : i32
    }
    %while3A_27 = arith.constant 1 : i32
    %while3A_28 = scf.for %while3A_29 = %while3A_24 to %while3A_20 step %while3A_27 iter_args(%while3A_30 = %while3A_26) -> (i32)  : i32 {
      %get3A = arith.index_cast %while3A_29 : i32 to index
      %get3A_31 = arith.constant 0 : index
      %get3A_32 = tpu.vector_load %arg5[%get3A, %get3A_31] {strides = array<i32>} : memref<656x80xf32, #tpu.memory_space<vmem>>, vector<16xf32>,
      %gt3A = arith.constant 5.000000e-02 : f32
      %gt3A_33 = vector.broadcast %gt3A : f32 to vector<16xf32>
      %gt3A_34 = arith.cmpf ogt, %get3A_32, %gt3A_33 : vector<16xf32>
      %jit3A_35 = arith.constant 1 : i32
      %jit3A_36 = arith.constant 0 : i32
      %broadcast_in_dim3A_37 = vector.broadcast %jit3A_35 : i32 to vector<16xi32>
      %broadcast_in_dim3A_38 = vector.broadcast %jit3A_36 : i32 to vector<16xi32>
      %select_n3A_39 = arith.select %gt3A_34, %broadcast_in_dim3A_37, %broadcast_in_dim3A_38 : vector<16xi1>, vector<16xi32>
      %cumsum3A = arith.constant true
      %cumsum3A_40 = vector.broadcast %cumsum3A : i1 to vector<16xi1>
      %cumsum3A_41 = tpu.scan <sum>, %select_n3A_39 masked %cumsum3A_40 : vector<16xi32>, vector<16xi1> -> vector<16xi32>
      %add3A_42 = vector.broadcast %while3A_30 : i32 to vector<16xi32>
      %add3A_43 = arith.addi %add3A_42, %cumsum3A_41 : vector<16xi32>
      %sub3A = arith.constant 1 : i32
      %sub3A_44 = vector.broadcast %sub3A : i32 to vector<16xi32>
      %sub3A_45 = arith.subi %add3A_43, %sub3A_44 : vector<16xi32>
      %min3A = arith.constant 2047 : i32
      %min3A_46 = vector.broadcast %min3A : i32 to vector<16xi32>
      %min3A_47 = arith.minsi %sub3A_45, %min3A_46 : vector<16xi32>
      %bitcast3A = vector.bitcast %get3A_32 : vector<16xf32> to vector<16xi32>
      tpu.vector_store_idx %arg6[%min3A_47], %bitcast3A masked %gt3A_34 : memref<2048xi32, #tpu.memory_space<vmem>>[vector<16xi32>], vector<16xi32>, vector<16xi1>
      %mul3A_48 = arith.constant 80 : i32
      %mul3A_49 = arith.muli %while3A_29, %mul3A_48 : i32
      %add3A_50 = arith.addi %mul3A_4, %mul3A_49 : i32
      %add3A_51 = arith.constant 0 : i32
      %add3A_52 = arith.addi %add3A_50, %add3A_51 : i32
      %add3A_53 = vector.broadcast %add3A_52 : i32 to vector<16xi32>
      %add3A_54 = arith.addi %iota3A, %add3A_53 : vector<16xi32>
      tpu.vector_store_idx %arg7[%min3A_47], %add3A_54 masked %gt3A_34 : memref<2048xi32, #tpu.memory_space<vmem>>[vector<16xi32>], vector<16xi32>, vector<16xi1>
      %reduce_max3A = arith.constant true
      %reduce_max3A_55 = vector.broadcast %reduce_max3A : i1 to vector<16xi1>
      %reduce_max3A_56 = arith.constant -2147483648 : i32
      %reduce_max3A_57 = vector.broadcast %reduce_max3A_56 : i32 to vector<16xi32>
      %reduce_max3A_58 = arith.xori %cumsum3A_41, %reduce_max3A_57 : vector<16xi32>
      %reduce_max3A_59 = tpu.scan <max>, %reduce_max3A_58 masked %reduce_max3A_55 : vector<16xi32>, vector<16xi1> -> vector<16xi32>
      %reduce_max3A_60 = arith.xori %reduce_max3A_59, %reduce_max3A_57 : vector<16xi32>
      %reduce_max3A_61 = vector.extract %reduce_max3A_60[15] : i32 from vector<16xi32>
      %add3A_62 = arith.addi %while3A_30, %reduce_max3A_61 : i32
      %get3A_63 = arith.index_cast %while3A_29 : i32 to index
      %get3A_64 = arith.constant 16 : index
      %get3A_65 = tpu.vector_load %arg5[%get3A_63, %get3A_64] {strides = array<i32>} : memref<656x80xf32, #tpu.memory_space<vmem>>, vector<16xf32>,
      %gt3A_66 = arith.constant 5.000000e-02 : f32
      %gt3A_67 = vector.broadcast %gt3A_66 : f32 to vector<16xf32>
      %gt3A_68 = arith.cmpf ogt, %get3A_65, %gt3A_67 : vector<16xf32>
      %jit3A_69 = arith.constant 1 : i32
      %jit3A_70 = arith.constant 0 : i32
      %broadcast_in_dim3A_71 = vector.broadcast %jit3A_69 : i32 to vector<16xi32>
      %broadcast_in_dim3A_72 = vector.broadcast %jit3A_70 : i32 to vector<16xi32>
      %select_n3A_73 = arith.select %gt3A_68, %broadcast_in_dim3A_71, %broadcast_in_dim3A_72 : vector<16xi1>, vector<16xi32>
      %cumsum3A_74 = arith.constant true
      %cumsum3A_75 = vector.broadcast %cumsum3A_74 : i1 to vector<16xi1>
      %cumsum3A_76 = tpu.scan <sum>, %select_n3A_73 masked %cumsum3A_75 : vector<16xi32>, vector<16xi1> -> vector<16xi32>
      %add3A_77 = vector.broadcast %add3A_62 : i32 to vector<16xi32>
      %add3A_78 = arith.addi %add3A_77, %cumsum3A_76 : vector<16xi32>
      %sub3A_79 = arith.constant 1 : i32
      %sub3A_80 = vector.broadcast %sub3A_79 : i32 to vector<16xi32>
      %sub3A_81 = arith.subi %add3A_78, %sub3A_80 : vector<16xi32>
      %min3A_82 = arith.constant 2047 : i32
      %min3A_83 = vector.broadcast %min3A_82 : i32 to vector<16xi32>
      %min3A_84 = arith.minsi %sub3A_81, %min3A_83 : vector<16xi32>
      %bitcast3A_85 = vector.bitcast %get3A_65 : vector<16xf32> to vector<16xi32>
      tpu.vector_store_idx %arg6[%min3A_84], %bitcast3A_85 masked %gt3A_68 : memref<2048xi32, #tpu.memory_space<vmem>>[vector<16xi32>], vector<16xi32>, vector<16xi1>
      %mul3A_86 = arith.constant 80 : i32
      %mul3A_87 = arith.muli %while3A_29, %mul3A_86 : i32
      %add3A_88 = arith.addi %mul3A_4, %mul3A_87 : i32
      %add3A_89 = arith.constant 16 : i32
      %add3A_90 = arith.addi %add3A_88, %add3A_89 : i32
      %add3A_91 = vector.broadcast %add3A_90 : i32 to vector<16xi32>
      %add3A_92 = arith.addi %iota3A, %add3A_91 : vector<16xi32>
      tpu.vector_store_idx %arg7[%min3A_84], %add3A_92 masked %gt3A_68 : memref<2048xi32, #tpu.memory_space<vmem>>[vector<16xi32>], vector<16xi32>, vector<16xi1>
      %reduce_max3A_93 = arith.constant true
      %reduce_max3A_94 = vector.broadcast %reduce_max3A_93 : i1 to vector<16xi1>
      %reduce_max3A_95 = arith.constant -2147483648 : i32
      %reduce_max3A_96 = vector.broadcast %reduce_max3A_95 : i32 to vector<16xi32>
      %reduce_max3A_97 = arith.xori %cumsum3A_76, %reduce_max3A_96 : vector<16xi32>
      %reduce_max3A_98 = tpu.scan <max>, %reduce_max3A_97 masked %reduce_max3A_94 : vector<16xi32>, vector<16xi1> -> vector<16xi32>
      %reduce_max3A_99 = arith.xori %reduce_max3A_98, %reduce_max3A_96 : vector<16xi32>
      %reduce_max3A_100 = vector.extract %reduce_max3A_99[15] : i32 from vector<16xi32>
      %add3A_101 = arith.addi %add3A_62, %reduce_max3A_100 : i32
      %get3A_102 = arith.index_cast %while3A_29 : i32 to index
      %get3A_103 = arith.constant 32 : index
      %get3A_104 = tpu.vector_load %arg5[%get3A_102, %get3A_103] {strides = array<i32>} : memref<656x80xf32, #tpu.memory_space<vmem>>, vector<16xf32>,
      %gt3A_105 = arith.constant 5.000000e-02 : f32
      %gt3A_106 = vector.broadcast %gt3A_105 : f32 to vector<16xf32>
      %gt3A_107 = arith.cmpf ogt, %get3A_104, %gt3A_106 : vector<16xf32>
      %jit3A_108 = arith.constant 1 : i32
      %jit3A_109 = arith.constant 0 : i32
      %broadcast_in_dim3A_110 = vector.broadcast %jit3A_108 : i32 to vector<16xi32>
      %broadcast_in_dim3A_111 = vector.broadcast %jit3A_109 : i32 to vector<16xi32>
      %select_n3A_112 = arith.select %gt3A_107, %broadcast_in_dim3A_110, %broadcast_in_dim3A_111 : vector<16xi1>, vector<16xi32>
      %cumsum3A_113 = arith.constant true
      %cumsum3A_114 = vector.broadcast %cumsum3A_113 : i1 to vector<16xi1>
      %cumsum3A_115 = tpu.scan <sum>, %select_n3A_112 masked %cumsum3A_114 : vector<16xi32>, vector<16xi1> -> vector<16xi32>
      %add3A_116 = vector.broadcast %add3A_101 : i32 to vector<16xi32>
      %add3A_117 = arith.addi %add3A_116, %cumsum3A_115 : vector<16xi32>
      %sub3A_118 = arith.constant 1 : i32
      %sub3A_119 = vector.broadcast %sub3A_118 : i32 to vector<16xi32>
      %sub3A_120 = arith.subi %add3A_117, %sub3A_119 : vector<16xi32>
      %min3A_121 = arith.constant 2047 : i32
      %min3A_122 = vector.broadcast %min3A_121 : i32 to vector<16xi32>
      %min3A_123 = arith.minsi %sub3A_120, %min3A_122 : vector<16xi32>
      %bitcast3A_124 = vector.bitcast %get3A_104 : vector<16xf32> to vector<16xi32>
      tpu.vector_store_idx %arg6[%min3A_123], %bitcast3A_124 masked %gt3A_107 : memref<2048xi32, #tpu.memory_space<vmem>>[vector<16xi32>], vector<16xi32>, vector<16xi1>
      %mul3A_125 = arith.constant 80 : i32
      %mul3A_126 = arith.muli %while3A_29, %mul3A_125 : i32
      %add3A_127 = arith.addi %mul3A_4, %mul3A_126 : i32
      %add3A_128 = arith.constant 32 : i32
      %add3A_129 = arith.addi %add3A_127, %add3A_128 : i32
      %add3A_130 = vector.broadcast %add3A_129 : i32 to vector<16xi32>
      %add3A_131 = arith.addi %iota3A, %add3A_130 : vector<16xi32>
      tpu.vector_store_idx %arg7[%min3A_123], %add3A_131 masked %gt3A_107 : memref<2048xi32, #tpu.memory_space<vmem>>[vector<16xi32>], vector<16xi32>, vector<16xi1>
      %reduce_max3A_132 = arith.constant true
      %reduce_max3A_133 = vector.broadcast %reduce_max3A_132 : i1 to vector<16xi1>
      %reduce_max3A_134 = arith.constant -2147483648 : i32
      %reduce_max3A_135 = vector.broadcast %reduce_max3A_134 : i32 to vector<16xi32>
      %reduce_max3A_136 = arith.xori %cumsum3A_115, %reduce_max3A_135 : vector<16xi32>
      %reduce_max3A_137 = tpu.scan <max>, %reduce_max3A_136 masked %reduce_max3A_133 : vector<16xi32>, vector<16xi1> -> vector<16xi32>
      %reduce_max3A_138 = arith.xori %reduce_max3A_137, %reduce_max3A_135 : vector<16xi32>
      %reduce_max3A_139 = vector.extract %reduce_max3A_138[15] : i32 from vector<16xi32>
      %add3A_140 = arith.addi %add3A_101, %reduce_max3A_139 : i32
      %get3A_141 = arith.index_cast %while3A_29 : i32 to index
      %get3A_142 = arith.constant 48 : index
      %get3A_143 = tpu.vector_load %arg5[%get3A_141, %get3A_142] {strides = array<i32>} : memref<656x80xf32, #tpu.memory_space<vmem>>, vector<16xf32>,
      %gt3A_144 = arith.constant 5.000000e-02 : f32
      %gt3A_145 = vector.broadcast %gt3A_144 : f32 to vector<16xf32>
      %gt3A_146 = arith.cmpf ogt, %get3A_143, %gt3A_145 : vector<16xf32>
      %jit3A_147 = arith.constant 1 : i32
      %jit3A_148 = arith.constant 0 : i32
      %broadcast_in_dim3A_149 = vector.broadcast %jit3A_147 : i32 to vector<16xi32>
      %broadcast_in_dim3A_150 = vector.broadcast %jit3A_148 : i32 to vector<16xi32>
      %select_n3A_151 = arith.select %gt3A_146, %broadcast_in_dim3A_149, %broadcast_in_dim3A_150 : vector<16xi1>, vector<16xi32>
      %cumsum3A_152 = arith.constant true
      %cumsum3A_153 = vector.broadcast %cumsum3A_152 : i1 to vector<16xi1>
      %cumsum3A_154 = tpu.scan <sum>, %select_n3A_151 masked %cumsum3A_153 : vector<16xi32>, vector<16xi1> -> vector<16xi32>
      %add3A_155 = vector.broadcast %add3A_140 : i32 to vector<16xi32>
      %add3A_156 = arith.addi %add3A_155, %cumsum3A_154 : vector<16xi32>
      %sub3A_157 = arith.constant 1 : i32
      %sub3A_158 = vector.broadcast %sub3A_157 : i32 to vector<16xi32>
      %sub3A_159 = arith.subi %add3A_156, %sub3A_158 : vector<16xi32>
      %min3A_160 = arith.constant 2047 : i32
      %min3A_161 = vector.broadcast %min3A_160 : i32 to vector<16xi32>
      %min3A_162 = arith.minsi %sub3A_159, %min3A_161 : vector<16xi32>
      %bitcast3A_163 = vector.bitcast %get3A_143 : vector<16xf32> to vector<16xi32>
      tpu.vector_store_idx %arg6[%min3A_162], %bitcast3A_163 masked %gt3A_146 : memref<2048xi32, #tpu.memory_space<vmem>>[vector<16xi32>], vector<16xi32>, vector<16xi1>
      %mul3A_164 = arith.constant 80 : i32
      %mul3A_165 = arith.muli %while3A_29, %mul3A_164 : i32
      %add3A_166 = arith.addi %mul3A_4, %mul3A_165 : i32
      %add3A_167 = arith.constant 48 : i32
      %add3A_168 = arith.addi %add3A_166, %add3A_167 : i32
      %add3A_169 = vector.broadcast %add3A_168 : i32 to vector<16xi32>
      %add3A_170 = arith.addi %iota3A, %add3A_169 : vector<16xi32>
      tpu.vector_store_idx %arg7[%min3A_162], %add3A_170 masked %gt3A_146 : memref<2048xi32, #tpu.memory_space<vmem>>[vector<16xi32>], vector<16xi32>, vector<16xi1>
      %reduce_max3A_171 = arith.constant true
      %reduce_max3A_172 = vector.broadcast %reduce_max3A_171 : i1 to vector<16xi1>
      %reduce_max3A_173 = arith.constant -2147483648 : i32
      %reduce_max3A_174 = vector.broadcast %reduce_max3A_173 : i32 to vector<16xi32>
      %reduce_max3A_175 = arith.xori %cumsum3A_154, %reduce_max3A_174 : vector<16xi32>
      %reduce_max3A_176 = tpu.scan <max>, %reduce_max3A_175 masked %reduce_max3A_172 : vector<16xi32>, vector<16xi1> -> vector<16xi32>
      %reduce_max3A_177 = arith.xori %reduce_max3A_176, %reduce_max3A_174 : vector<16xi32>
      %reduce_max3A_178 = vector.extract %reduce_max3A_177[15] : i32 from vector<16xi32>
      %add3A_179 = arith.addi %add3A_140, %reduce_max3A_178 : i32
      %get3A_180 = arith.index_cast %while3A_29 : i32 to index
      %get3A_181 = arith.constant 64 : index
      %get3A_182 = tpu.vector_load %arg5[%get3A_180, %get3A_181] {strides = array<i32>} : memref<656x80xf32, #tpu.memory_space<vmem>>, vector<16xf32>,
      %gt3A_183 = arith.constant 5.000000e-02 : f32
      %gt3A_184 = vector.broadcast %gt3A_183 : f32 to vector<16xf32>
      %gt3A_185 = arith.cmpf ogt, %get3A_182, %gt3A_184 : vector<16xf32>
      %jit3A_186 = arith.constant 1 : i32
      %jit3A_187 = arith.constant 0 : i32
      %broadcast_in_dim3A_188 = vector.broadcast %jit3A_186 : i32 to vector<16xi32>
      %broadcast_in_dim3A_189 = vector.broadcast %jit3A_187 : i32 to vector<16xi32>
      %select_n3A_190 = arith.select %gt3A_185, %broadcast_in_dim3A_188, %broadcast_in_dim3A_189 : vector<16xi1>, vector<16xi32>
      %cumsum3A_191 = arith.constant true
      %cumsum3A_192 = vector.broadcast %cumsum3A_191 : i1 to vector<16xi1>
      %cumsum3A_193 = tpu.scan <sum>, %select_n3A_190 masked %cumsum3A_192 : vector<16xi32>, vector<16xi1> -> vector<16xi32>
      %add3A_194 = vector.broadcast %add3A_179 : i32 to vector<16xi32>
      %add3A_195 = arith.addi %add3A_194, %cumsum3A_193 : vector<16xi32>
      %sub3A_196 = arith.constant 1 : i32
      %sub3A_197 = vector.broadcast %sub3A_196 : i32 to vector<16xi32>
      %sub3A_198 = arith.subi %add3A_195, %sub3A_197 : vector<16xi32>
      %min3A_199 = arith.constant 2047 : i32
      %min3A_200 = vector.broadcast %min3A_199 : i32 to vector<16xi32>
      %min3A_201 = arith.minsi %sub3A_198, %min3A_200 : vector<16xi32>
      %bitcast3A_202 = vector.bitcast %get3A_182 : vector<16xf32> to vector<16xi32>
      tpu.vector_store_idx %arg6[%min3A_201], %bitcast3A_202 masked %gt3A_185 : memref<2048xi32, #tpu.memory_space<vmem>>[vector<16xi32>], vector<16xi32>, vector<16xi1>
      %mul3A_203 = arith.constant 80 : i32
      %mul3A_204 = arith.muli %while3A_29, %mul3A_203 : i32
      %add3A_205 = arith.addi %mul3A_4, %mul3A_204 : i32
      %add3A_206 = arith.constant 64 : i32
      %add3A_207 = arith.addi %add3A_205, %add3A_206 : i32
      %add3A_208 = vector.broadcast %add3A_207 : i32 to vector<16xi32>
      %add3A_209 = arith.addi %iota3A, %add3A_208 : vector<16xi32>
      tpu.vector_store_idx %arg7[%min3A_201], %add3A_209 masked %gt3A_185 : memref<2048xi32, #tpu.memory_space<vmem>>[vector<16xi32>], vector<16xi32>, vector<16xi1>
      %reduce_max3A_210 = arith.constant true
      %reduce_max3A_211 = vector.broadcast %reduce_max3A_210 : i1 to vector<16xi1>
      %reduce_max3A_212 = arith.constant -2147483648 : i32
      %reduce_max3A_213 = vector.broadcast %reduce_max3A_212 : i32 to vector<16xi32>
      %reduce_max3A_214 = arith.xori %cumsum3A_193, %reduce_max3A_213 : vector<16xi32>
      %reduce_max3A_215 = tpu.scan <max>, %reduce_max3A_214 masked %reduce_max3A_211 : vector<16xi32>, vector<16xi1> -> vector<16xi32>
      %reduce_max3A_216 = arith.xori %reduce_max3A_215, %reduce_max3A_213 : vector<16xi32>
      %reduce_max3A_217 = vector.extract %reduce_max3A_216[15] : i32 from vector<16xi32>
      %add3A_218 = arith.addi %add3A_179, %reduce_max3A_217 : i32
      scf.yield %add3A_218 : i32
    }
    "tpu.region"() ({
      %run_scoped3A = tpu.sem_alloc : memref<!tpu.dma_semaphore, #tpu.memory_space<semaphore_mem>>
      %dma_start3A = arith.constant 0 : i32
      %dma_start3A_29 = tpu.memref_slice %arg3[%add3A, %dma_start3A] : memref<32x2048xi32, #tpu.memory_space<hbm>> -> memref<1x2048xi32, #tpu.memory_space<hbm>>
      %dma_start3A_30 = tpu.memref_squeeze %dma_start3A_29 : memref<1x2048xi32, #tpu.memory_space<hbm>> -> memref<2048xi32, #tpu.memory_space<hbm>>
      %dma_start3A_31 = arith.constant 0 : i32
      %dma_start3A_32 = tpu.memref_slice %arg3[%add3A, %dma_start3A_31] : memref<32x2048xi32, #tpu.memory_space<hbm>> -> memref<1x2048xi32, #tpu.memory_space<hbm>>
      %dma_start3A_33 = tpu.memref_squeeze %dma_start3A_32 : memref<1x2048xi32, #tpu.memory_space<hbm>> -> memref<2048xi32, #tpu.memory_space<hbm>>
      tpu.enqueue_dma source(%arg6 : memref<2048xi32, #tpu.memory_space<vmem>>) target(%dma_start3A_33 : memref<2048xi32, #tpu.memory_space<hbm>>) target_semaphore(%run_scoped3A : memref<!tpu.dma_semaphore, #tpu.memory_space<semaphore_mem>>)
      %dma_wait3A = arith.constant 0 : i32
      %dma_wait3A_34 = tpu.memref_slice %arg3[%add3A, %dma_wait3A] : memref<32x2048xi32, #tpu.memory_space<hbm>> -> memref<1x2048xi32, #tpu.memory_space<hbm>>
      %dma_wait3A_35 = tpu.memref_squeeze %dma_wait3A_34 : memref<1x2048xi32, #tpu.memory_space<hbm>> -> memref<2048xi32, #tpu.memory_space<hbm>>
      %dma_wait3A_36 = arith.constant 0 : i32
      %dma_wait3A_37 = tpu.memref_slice %arg3[%add3A, %dma_wait3A_36] : memref<32x2048xi32, #tpu.memory_space<hbm>> -> memref<1x2048xi32, #tpu.memory_space<hbm>>
      %dma_wait3A_38 = tpu.memref_squeeze %dma_wait3A_37 : memref<1x2048xi32, #tpu.memory_space<hbm>> -> memref<2048xi32, #tpu.memory_space<hbm>>
      tpu.wait_dma2 semaphore(%run_scoped3A : memref<!tpu.dma_semaphore, #tpu.memory_space<semaphore_mem>>) src(%arg6 : memref<2048xi32, #tpu.memory_space<vmem>>) dst(%dma_wait3A_38 : memref<2048xi32, #tpu.memory_space<hbm>>)
      tpu.yield
    }) : () -> ()
    "tpu.region"() ({
      %run_scoped3A = tpu.sem_alloc : memref<!tpu.dma_semaphore, #tpu.memory_space<semaphore_mem>>
      %dma_start3A = arith.constant 0 : i32
      %dma_start3A_29 = tpu.memref_slice %arg4[%add3A, %dma_start3A] : memref<32x2048xi32, #tpu.memory_space<hbm>> -> memref<1x2048xi32, #tpu.memory_space<hbm>>
      %dma_start3A_30 = tpu.memref_squeeze %dma_start3A_29 : memref<1x2048xi32, #tpu.memory_space<hbm>> -> memref<2048xi32, #tpu.memory_space<hbm>>
      %dma_start3A_31 = arith.constant 0 : i32
      %dma_start3A_32 = tpu.memref_slice %arg4[%add3A, %dma_start3A_31] : memref<32x2048xi32, #tpu.memory_space<hbm>> -> memref<1x2048xi32, #tpu.memory_space<hbm>>
      %dma_start3A_33 = tpu.memref_squeeze %dma_start3A_32 : memref<1x2048xi32, #tpu.memory_space<hbm>> -> memref<2048xi32, #tpu.memory_space<hbm>>
      tpu.enqueue_dma source(%arg7 : memref<2048xi32, #tpu.memory_space<vmem>>) target(%dma_start3A_33 : memref<2048xi32, #tpu.memory_space<hbm>>) target_semaphore(%run_scoped3A : memref<!tpu.dma_semaphore, #tpu.memory_space<semaphore_mem>>)
      %dma_wait3A = arith.constant 0 : i32
      %dma_wait3A_34 = tpu.memref_slice %arg4[%add3A, %dma_wait3A] : memref<32x2048xi32, #tpu.memory_space<hbm>> -> memref<1x2048xi32, #tpu.memory_space<hbm>>
      %dma_wait3A_35 = tpu.memref_squeeze %dma_wait3A_34 : memref<1x2048xi32, #tpu.memory_space<hbm>> -> memref<2048xi32, #tpu.memory_space<hbm>>
      %dma_wait3A_36 = arith.constant 0 : i32
      %dma_wait3A_37 = tpu.memref_slice %arg4[%add3A, %dma_wait3A_36] : memref<32x2048xi32, #tpu.memory_space<hbm>> -> memref<1x2048xi32, #tpu.memory_space<hbm>>
      %dma_wait3A_38 = tpu.memref_squeeze %dma_wait3A_37 : memref<1x2048xi32, #tpu.memory_space<hbm>> -> memref<2048xi32, #tpu.memory_space<hbm>>
      tpu.wait_dma2 semaphore(%run_scoped3A : memref<!tpu.dma_semaphore, #tpu.memory_space<semaphore_mem>>) src(%arg7 : memref<2048xi32, #tpu.memory_space<vmem>>) dst(%dma_wait3A_38 : memref<2048xi32, #tpu.memory_space<hbm>>)
      tpu.yield
    }) : () -> ()
    return
  }
}

#map = affine_map<(d0, d1) -> (0, 0)>
#map1 = affine_map<(d0, d1) -> (0)>
module attributes {stable_mosaic.version = 14 : i64} {
  func.func @k(%arg0: i32, %arg1: i32, %arg2: memref<32x2048xi32, #tpu.memory_space<hbm>>, %arg3: memref<32x2048xi32, #tpu.memory_space<hbm>>, %arg4: memref<16xf32, #tpu.memory_space<hbm>>, %arg5: memref<33x16xi32, #tpu.memory_space<hbm>>, %arg6: memref<2048xi32, #tpu.memory_space<hbm>>, %arg7: memref<2048xi32, #tpu.memory_space<hbm>>, %arg8: memref<2048xi32, #tpu.memory_space<vmem>>, %arg9: memref<2048xi32, #tpu.memory_space<vmem>>, %arg10: memref<16xf32, #tpu.memory_space<vmem>>, %arg11: memref<2048xi32, #tpu.memory_space<vmem>>, %arg12: memref<2048xi32, #tpu.memory_space<vmem>>, %arg13: memref<16xi32, #tpu.memory_space<vmem>>, %arg14: memref<16xi32, #tpu.memory_space<vmem>>) attributes {dimension_semantics = [#tpu.dimension_semantics<core_parallel>, #tpu.dimension_semantics<subcore_parallel>], iteration_bounds = array<i64: 2, 16>, scalar_prefetch = 0 : i64, scratch_operands = 7 : i64, tpu.core_type = #tpu.core_type<sc_vector_subcore>, window_params = [{transform_indices = #map}, {transform_indices = #map}, {transform_indices = #map1}, {transform_indices = #map}, {transform_indices = #map1}, {transform_indices = #map1}]} {
    %mul3A = arith.constant 2 : i32
    %mul3A_0 = arith.muli %arg1, %mul3A : i32
    %add3A = arith.addi %mul3A_0, %arg0 : i32
    "tpu.region"() ({
      %run_scoped3A = tpu.sem_alloc : memref<!tpu.dma_semaphore, #tpu.memory_space<semaphore_mem>>
      %dma_start3A = arith.constant 0 : i32
      %dma_start3A_64 = tpu.memref_slice %arg2[%add3A, %dma_start3A] : memref<32x2048xi32, #tpu.memory_space<hbm>> -> memref<1x2048xi32, #tpu.memory_space<hbm>>
      %dma_start3A_65 = tpu.memref_squeeze %dma_start3A_64 : memref<1x2048xi32, #tpu.memory_space<hbm>> -> memref<2048xi32, #tpu.memory_space<hbm>>
      %dma_start3A_66 = arith.constant 0 : i32
      %dma_start3A_67 = tpu.memref_slice %arg2[%add3A, %dma_start3A_66] : memref<32x2048xi32, #tpu.memory_space<hbm>> -> memref<1x2048xi32, #tpu.memory_space<hbm>>
      %dma_start3A_68 = tpu.memref_squeeze %dma_start3A_67 : memref<1x2048xi32, #tpu.memory_space<hbm>> -> memref<2048xi32, #tpu.memory_space<hbm>>
      tpu.enqueue_dma source(%dma_start3A_68 : memref<2048xi32, #tpu.memory_space<hbm>>) target(%arg8 : memref<2048xi32, #tpu.memory_space<vmem>>) target_semaphore(%run_scoped3A : memref<!tpu.dma_semaphore, #tpu.memory_space<semaphore_mem>>)
      %dma_wait3A = arith.constant 0 : i32
      %dma_wait3A_69 = tpu.memref_slice %arg2[%add3A, %dma_wait3A] : memref<32x2048xi32, #tpu.memory_space<hbm>> -> memref<1x2048xi32, #tpu.memory_space<hbm>>
      %dma_wait3A_70 = tpu.memref_squeeze %dma_wait3A_69 : memref<1x2048xi32, #tpu.memory_space<hbm>> -> memref<2048xi32, #tpu.memory_space<hbm>>
      %dma_wait3A_71 = arith.constant 0 : i32
      %dma_wait3A_72 = tpu.memref_slice %arg2[%add3A, %dma_wait3A_71] : memref<32x2048xi32, #tpu.memory_space<hbm>> -> memref<1x2048xi32, #tpu.memory_space<hbm>>
      %dma_wait3A_73 = tpu.memref_squeeze %dma_wait3A_72 : memref<1x2048xi32, #tpu.memory_space<hbm>> -> memref<2048xi32, #tpu.memory_space<hbm>>
      tpu.wait_dma2 semaphore(%run_scoped3A : memref<!tpu.dma_semaphore, #tpu.memory_space<semaphore_mem>>) src(%dma_wait3A_73 : memref<2048xi32, #tpu.memory_space<hbm>>) dst(%arg8 : memref<2048xi32, #tpu.memory_space<vmem>>)
      tpu.yield
    }) : () -> ()
    "tpu.region"() ({
      %run_scoped3A = tpu.sem_alloc : memref<!tpu.dma_semaphore, #tpu.memory_space<semaphore_mem>>
      %dma_start3A = arith.constant 0 : i32
      %dma_start3A_64 = tpu.memref_slice %arg3[%add3A, %dma_start3A] : memref<32x2048xi32, #tpu.memory_space<hbm>> -> memref<1x2048xi32, #tpu.memory_space<hbm>>
      %dma_start3A_65 = tpu.memref_squeeze %dma_start3A_64 : memref<1x2048xi32, #tpu.memory_space<hbm>> -> memref<2048xi32, #tpu.memory_space<hbm>>
      %dma_start3A_66 = arith.constant 0 : i32
      %dma_start3A_67 = tpu.memref_slice %arg3[%add3A, %dma_start3A_66] : memref<32x2048xi32, #tpu.memory_space<hbm>> -> memref<1x2048xi32, #tpu.memory_space<hbm>>
      %dma_start3A_68 = tpu.memref_squeeze %dma_start3A_67 : memref<1x2048xi32, #tpu.memory_space<hbm>> -> memref<2048xi32, #tpu.memory_space<hbm>>
      tpu.enqueue_dma source(%dma_start3A_68 : memref<2048xi32, #tpu.memory_space<hbm>>) target(%arg9 : memref<2048xi32, #tpu.memory_space<vmem>>) target_semaphore(%run_scoped3A : memref<!tpu.dma_semaphore, #tpu.memory_space<semaphore_mem>>)
      %dma_wait3A = arith.constant 0 : i32
      %dma_wait3A_69 = tpu.memref_slice %arg3[%add3A, %dma_wait3A] : memref<32x2048xi32, #tpu.memory_space<hbm>> -> memref<1x2048xi32, #tpu.memory_space<hbm>>
      %dma_wait3A_70 = tpu.memref_squeeze %dma_wait3A_69 : memref<1x2048xi32, #tpu.memory_space<hbm>> -> memref<2048xi32, #tpu.memory_space<hbm>>
      %dma_wait3A_71 = arith.constant 0 : i32
      %dma_wait3A_72 = tpu.memref_slice %arg3[%add3A, %dma_wait3A_71] : memref<32x2048xi32, #tpu.memory_space<hbm>> -> memref<1x2048xi32, #tpu.memory_space<hbm>>
      %dma_wait3A_73 = tpu.memref_squeeze %dma_wait3A_72 : memref<1x2048xi32, #tpu.memory_space<hbm>> -> memref<2048xi32, #tpu.memory_space<hbm>>
      tpu.wait_dma2 semaphore(%run_scoped3A : memref<!tpu.dma_semaphore, #tpu.memory_space<semaphore_mem>>) src(%dma_wait3A_73 : memref<2048xi32, #tpu.memory_space<hbm>>) dst(%arg9 : memref<2048xi32, #tpu.memory_space<vmem>>)
      tpu.yield
    }) : () -> ()
    "tpu.region"() ({
      %run_scoped3A = tpu.sem_alloc : memref<!tpu.dma_semaphore, #tpu.memory_space<semaphore_mem>>
      tpu.enqueue_dma source(%arg4 : memref<16xf32, #tpu.memory_space<hbm>>) target(%arg10 : memref<16xf32, #tpu.memory_space<vmem>>) target_semaphore(%run_scoped3A : memref<!tpu.dma_semaphore, #tpu.memory_space<semaphore_mem>>)
      tpu.wait_dma2 semaphore(%run_scoped3A : memref<!tpu.dma_semaphore, #tpu.memory_space<semaphore_mem>>) src(%arg4 : memref<16xf32, #tpu.memory_space<hbm>>) dst(%arg10 : memref<16xf32, #tpu.memory_space<vmem>>)
      tpu.yield
    }) : () -> ()
    "tpu.region"() ({
      %run_scoped3A = tpu.sem_alloc : memref<!tpu.dma_semaphore, #tpu.memory_space<semaphore_mem>>
      %dma_start3A = arith.constant 0 : i32
      %dma_start3A_64 = tpu.memref_slice %arg5[%add3A, %dma_start3A] : memref<33x16xi32, #tpu.memory_space<hbm>> -> memref<1x16xi32, #tpu.memory_space<hbm>>
      %dma_start3A_65 = tpu.memref_squeeze %dma_start3A_64 : memref<1x16xi32, #tpu.memory_space<hbm>> -> memref<16xi32, #tpu.memory_space<hbm>>
      %dma_start3A_66 = arith.constant 0 : i32
      %dma_start3A_67 = tpu.memref_slice %arg5[%add3A, %dma_start3A_66] : memref<33x16xi32, #tpu.memory_space<hbm>> -> memref<1x16xi32, #tpu.memory_space<hbm>>
      %dma_start3A_68 = tpu.memref_squeeze %dma_start3A_67 : memref<1x16xi32, #tpu.memory_space<hbm>> -> memref<16xi32, #tpu.memory_space<hbm>>
      tpu.enqueue_dma source(%dma_start3A_68 : memref<16xi32, #tpu.memory_space<hbm>>) target(%arg13 : memref<16xi32, #tpu.memory_space<vmem>>) target_semaphore(%run_scoped3A : memref<!tpu.dma_semaphore, #tpu.memory_space<semaphore_mem>>)
      %dma_wait3A = arith.constant 0 : i32
      %dma_wait3A_69 = tpu.memref_slice %arg5[%add3A, %dma_wait3A] : memref<33x16xi32, #tpu.memory_space<hbm>> -> memref<1x16xi32, #tpu.memory_space<hbm>>
      %dma_wait3A_70 = tpu.memref_squeeze %dma_wait3A_69 : memref<1x16xi32, #tpu.memory_space<hbm>> -> memref<16xi32, #tpu.memory_space<hbm>>
      %dma_wait3A_71 = arith.constant 0 : i32
      %dma_wait3A_72 = tpu.memref_slice %arg5[%add3A, %dma_wait3A_71] : memref<33x16xi32, #tpu.memory_space<hbm>> -> memref<1x16xi32, #tpu.memory_space<hbm>>
      %dma_wait3A_73 = tpu.memref_squeeze %dma_wait3A_72 : memref<1x16xi32, #tpu.memory_space<hbm>> -> memref<16xi32, #tpu.memory_space<hbm>>
      tpu.wait_dma2 semaphore(%run_scoped3A : memref<!tpu.dma_semaphore, #tpu.memory_space<semaphore_mem>>) src(%dma_wait3A_73 : memref<16xi32, #tpu.memory_space<hbm>>) dst(%arg13 : memref<16xi32, #tpu.memory_space<vmem>>)
      tpu.yield
    }) : () -> ()
    %add3A_1 = arith.constant 1 : i32
    %add3A_2 = arith.addi %add3A, %add3A_1 : i32
    "tpu.region"() ({
      %run_scoped3A = tpu.sem_alloc : memref<!tpu.dma_semaphore, #tpu.memory_space<semaphore_mem>>
      %dma_start3A = arith.constant 0 : i32
      %dma_start3A_64 = tpu.memref_slice %arg5[%add3A_2, %dma_start3A] : memref<33x16xi32, #tpu.memory_space<hbm>> -> memref<1x16xi32, #tpu.memory_space<hbm>>
      %dma_start3A_65 = tpu.memref_squeeze %dma_start3A_64 : memref<1x16xi32, #tpu.memory_space<hbm>> -> memref<16xi32, #tpu.memory_space<hbm>>
      %dma_start3A_66 = arith.constant 0 : i32
      %dma_start3A_67 = tpu.memref_slice %arg5[%add3A_2, %dma_start3A_66] : memref<33x16xi32, #tpu.memory_space<hbm>> -> memref<1x16xi32, #tpu.memory_space<hbm>>
      %dma_start3A_68 = tpu.memref_squeeze %dma_start3A_67 : memref<1x16xi32, #tpu.memory_space<hbm>> -> memref<16xi32, #tpu.memory_space<hbm>>
      tpu.enqueue_dma source(%dma_start3A_68 : memref<16xi32, #tpu.memory_space<hbm>>) target(%arg14 : memref<16xi32, #tpu.memory_space<vmem>>) target_semaphore(%run_scoped3A : memref<!tpu.dma_semaphore, #tpu.memory_space<semaphore_mem>>)
      %dma_wait3A = arith.constant 0 : i32
      %dma_wait3A_69 = tpu.memref_slice %arg5[%add3A_2, %dma_wait3A] : memref<33x16xi32, #tpu.memory_space<hbm>> -> memref<1x16xi32, #tpu.memory_space<hbm>>
      %dma_wait3A_70 = tpu.memref_squeeze %dma_wait3A_69 : memref<1x16xi32, #tpu.memory_space<hbm>> -> memref<16xi32, #tpu.memory_space<hbm>>
      %dma_wait3A_71 = arith.constant 0 : i32
      %dma_wait3A_72 = tpu.memref_slice %arg5[%add3A_2, %dma_wait3A_71] : memref<33x16xi32, #tpu.memory_space<hbm>> -> memref<1x16xi32, #tpu.memory_space<hbm>>
      %dma_wait3A_73 = tpu.memref_squeeze %dma_wait3A_72 : memref<1x16xi32, #tpu.memory_space<hbm>> -> memref<16xi32, #tpu.memory_space<hbm>>
      tpu.wait_dma2 semaphore(%run_scoped3A : memref<!tpu.dma_semaphore, #tpu.memory_space<semaphore_mem>>) src(%dma_wait3A_73 : memref<16xi32, #tpu.memory_space<hbm>>) dst(%arg14 : memref<16xi32, #tpu.memory_space<vmem>>)
      tpu.yield
    }) : () -> ()
    %get3A = arith.constant 0 : index
    %get3A_3 = tpu.vector_load %arg10[%get3A] {strides = array<i32>} : memref<16xf32, #tpu.memory_space<vmem>>, vector<16xf32>,
    %get3A_4 = arith.constant 0 : index
    %get3A_5 = tpu.vector_load %arg13[%get3A_4] {strides = array<i32>} : memref<16xi32, #tpu.memory_space<vmem>>, vector<16xi32>,
    %reduce_max3A = arith.constant true
    %reduce_max3A_6 = vector.broadcast %reduce_max3A : i1 to vector<16xi1>
    %reduce_max3A_7 = arith.constant -2147483648 : i32
    %reduce_max3A_8 = vector.broadcast %reduce_max3A_7 : i32 to vector<16xi32>
    %reduce_max3A_9 = arith.xori %get3A_5, %reduce_max3A_8 : vector<16xi32>
    %reduce_max3A_10 = tpu.scan <max>, %reduce_max3A_9 masked %reduce_max3A_6 : vector<16xi32>, vector<16xi1> -> vector<16xi32>
    %reduce_max3A_11 = arith.xori %reduce_max3A_10, %reduce_max3A_8 : vector<16xi32>
    %reduce_max3A_12 = vector.extract %reduce_max3A_11[15] : i32 from vector<16xi32>
    %get3A_13 = arith.constant 0 : index
    %get3A_14 = tpu.vector_load %arg14[%get3A_13] {strides = array<i32>} : memref<16xi32, #tpu.memory_space<vmem>>, vector<16xi32>,
    %reduce_max3A_15 = arith.constant true
    %reduce_max3A_16 = vector.broadcast %reduce_max3A_15 : i1 to vector<16xi1>
    %reduce_max3A_17 = arith.constant -2147483648 : i32
    %reduce_max3A_18 = vector.broadcast %reduce_max3A_17 : i32 to vector<16xi32>
    %reduce_max3A_19 = arith.xori %get3A_14, %reduce_max3A_18 : vector<16xi32>
    %reduce_max3A_20 = tpu.scan <max>, %reduce_max3A_19 masked %reduce_max3A_16 : vector<16xi32>, vector<16xi1> -> vector<16xi32>
    %reduce_max3A_21 = arith.xori %reduce_max3A_20, %reduce_max3A_18 : vector<16xi32>
    %reduce_max3A_22 = vector.extract %reduce_max3A_21[15] : i32 from vector<16xi32>
    %sub3A = arith.subi %reduce_max3A_22, %reduce_max3A_12 : i32
    %broadcast_in_dim3A = arith.constant -8388608 : i32
    %broadcast_in_dim3A_23 = vector.broadcast %broadcast_in_dim3A : i32 to vector<16xi32>
    %broadcast_in_dim3A_24 = arith.constant 1073741823 : i32
    %broadcast_in_dim3A_25 = vector.broadcast %broadcast_in_dim3A_24 : i32 to vector<16xi32>
    %scan3A = arith.constant 0 : i32
    %scan3A_26 = arith.constant 0 : i32
    %scan3A_27 = arith.constant 128 : i32
    %scan3A_28 = arith.addi %scan3A_26, %scan3A_27 : i32
    %scan3A_29 = arith.constant 1 : i32
    scf.for %scan3A_64 = %scan3A_26 to %scan3A_28 step %scan3A_29  : i32 {
      %mul3A_65 = arith.constant 16 : i32
      %mul3A_66 = arith.muli %scan3A_64, %mul3A_65 : i32
      %swap3A = arith.index_cast %mul3A_66 : i32 to index
      %swap3A_67 = tpu.vector_load %arg11[%swap3A] {strides = array<i32>} : memref<2048xi32, #tpu.memory_space<vmem>>, vector<16xi32>,
      tpu.vector_store %arg11[%swap3A], %broadcast_in_dim3A_23 {strides = array<i32>} : memref<2048xi32, #tpu.memory_space<vmem>>, vector<16xi32>,
      %mul3A_68 = arith.constant 16 : i32
      %mul3A_69 = arith.muli %scan3A_64, %mul3A_68 : i32
      %swap3A_70 = arith.index_cast %mul3A_69 : i32 to index
      %swap3A_71 = tpu.vector_load %arg12[%swap3A_70] {strides = array<i32>} : memref<2048xi32, #tpu.memory_space<vmem>>, vector<16xi32>,
      tpu.vector_store %arg12[%swap3A_70], %broadcast_in_dim3A_25 {strides = array<i32>} : memref<2048xi32, #tpu.memory_space<vmem>>, vector<16xi32>,
    }
    %scan3A_30 = arith.constant 128 : i32
    %scan3A_31 = arith.constant 0 : i32
    %scan3A_32 = arith.constant 0 : i32
    %scan3A_33 = arith.constant 128 : i32
    %scan3A_34 = arith.addi %scan3A_32, %scan3A_33 : i32
    %scan3A_35 = arith.constant 1 : i32
    %scan3A_36 = scf.for %scan3A_64 = %scan3A_32 to %scan3A_34 step %scan3A_35 iter_args(%scan3A_65 = %scan3A_31) -> (i32)  : i32 {
      %mul3A_66 = arith.constant 16 : i32
      %mul3A_67 = arith.muli %scan3A_64, %mul3A_66 : i32
      %get3A_68 = arith.index_cast %mul3A_67 : i32 to index
      %get3A_69 = tpu.vector_load %arg8[%get3A_68] {strides = array<i32>} : memref<2048xi32, #tpu.memory_space<vmem>>, vector<16xi32>,
      %mul3A_70 = arith.constant 16 : i32
      %mul3A_71 = arith.muli %scan3A_64, %mul3A_70 : i32
      %get3A_72 = arith.index_cast %mul3A_71 : i32 to index
      %get3A_73 = tpu.vector_load %arg9[%get3A_72] {strides = array<i32>} : memref<2048xi32, #tpu.memory_space<vmem>>, vector<16xi32>,
      %bitcast3A = vector.bitcast %get3A_69 : vector<16xi32> to vector<16xf32>
      %gt3A = arith.cmpf ogt, %bitcast3A, %get3A_3 : vector<16xf32>
      %jit3A_74 = arith.constant 1 : i32
      %jit3A_75 = arith.constant 0 : i32
      %broadcast_in_dim3A_76 = vector.broadcast %jit3A_74 : i32 to vector<16xi32>
      %broadcast_in_dim3A_77 = vector.broadcast %jit3A_75 : i32 to vector<16xi32>
      %select_n3A_78 = arith.select %gt3A, %broadcast_in_dim3A_76, %broadcast_in_dim3A_77 : vector<16xi1>, vector<16xi32>
      %cumsum3A = arith.constant true
      %cumsum3A_79 = vector.broadcast %cumsum3A : i1 to vector<16xi1>
      %cumsum3A_80 = tpu.scan <sum>, %select_n3A_78 masked %cumsum3A_79 : vector<16xi32>, vector<16xi1> -> vector<16xi32>
      %add3A_81 = vector.broadcast %scan3A_65 : i32 to vector<16xi32>
      %add3A_82 = arith.addi %add3A_81, %cumsum3A_80 : vector<16xi32>
      %sub3A_83 = arith.constant 1 : i32
      %sub3A_84 = vector.broadcast %sub3A_83 : i32 to vector<16xi32>
      %sub3A_85 = arith.subi %add3A_82, %sub3A_84 : vector<16xi32>
      %min3A = arith.constant 2047 : i32
      %min3A_86 = vector.broadcast %min3A : i32 to vector<16xi32>
      %min3A_87 = arith.minsi %sub3A_85, %min3A_86 : vector<16xi32>
      tpu.vector_store_idx %arg11[%min3A_87], %get3A_69 masked %gt3A : memref<2048xi32, #tpu.memory_space<vmem>>[vector<16xi32>], vector<16xi32>, vector<16xi1>
      tpu.vector_store_idx %arg12[%min3A_87], %get3A_73 masked %gt3A : memref<2048xi32, #tpu.memory_space<vmem>>[vector<16xi32>], vector<16xi32>, vector<16xi1>
      %reduce_max3A_88 = arith.constant true
      %reduce_max3A_89 = vector.broadcast %reduce_max3A_88 : i1 to vector<16xi1>
      %reduce_max3A_90 = arith.constant -2147483648 : i32
      %reduce_max3A_91 = vector.broadcast %reduce_max3A_90 : i32 to vector<16xi32>
      %reduce_max3A_92 = arith.xori %cumsum3A_80, %reduce_max3A_91 : vector<16xi32>
      %reduce_max3A_93 = tpu.scan <max>, %reduce_max3A_92 masked %reduce_max3A_89 : vector<16xi32>, vector<16xi1> -> vector<16xi32>
      %reduce_max3A_94 = arith.xori %reduce_max3A_93, %reduce_max3A_91 : vector<16xi32>
      %reduce_max3A_95 = vector.extract %reduce_max3A_94[15] : i32 from vector<16xi32>
      %add3A_96 = arith.addi %scan3A_65, %reduce_max3A_95 : i32
      scf.yield %add3A_96 : i32
    }
    %scan3A_37 = arith.constant 128 : i32
    %jit3A = arith.constant 16 : i32
    %div3A = arith.divsi %sub3A, %jit3A : i32
    %sign3A = arith.constant 0 : i32
    %sign3A_38 = arith.cmpi sgt, %sub3A, %sign3A : i32
    %sign3A_39 = arith.extui %sign3A_38 : i1 to i32
    %sign3A_40 = arith.constant 0 : i32
    %sign3A_41 = arith.cmpi slt, %sub3A, %sign3A_40 : i32
    %sign3A_42 = arith.extui %sign3A_41 : i1 to i32
    %sign3A_43 = arith.subi %sign3A_39, %sign3A_42 : i32
    %sign3A_44 = arith.constant 0 : i32
    %sign3A_45 = arith.cmpi sgt, %jit3A, %sign3A_44 : i32
    %sign3A_46 = arith.extui %sign3A_45 : i1 to i32
    %sign3A_47 = arith.constant 0 : i32
    %sign3A_48 = arith.cmpi slt, %jit3A, %sign3A_47 : i32
    %sign3A_49 = arith.extui %sign3A_48 : i1 to i32
    %sign3A_50 = arith.subi %sign3A_46, %sign3A_49 : i32
    %ne3A = arith.cmpi ne, %sign3A_43, %sign3A_50 : i32
    %rem3A = arith.remsi %sub3A, %jit3A : i32
    %ne3A_51 = arith.constant 0 : i32
    %ne3A_52 = arith.cmpi ne, %rem3A, %ne3A_51 : i32
    %and3A = arith.andi %ne3A, %ne3A_52 : i1
    %sub3A_53 = arith.constant 1 : i32
    %sub3A_54 = arith.subi %div3A, %sub3A_53 : i32
    %select_n3A = arith.select %and3A, %sub3A_54, %div3A : i32
    %while3A = arith.constant 0 : i32
    %while3A_55 = arith.constant 0 : i32
    %while3A_56 = arith.subi %select_n3A, %while3A_55 : i32
    %while3A_57 = arith.addi %while3A_55, %while3A_56 : i32
    %while3A_58 = arith.constant 1 : i32
    %while3A_59 = arith.divsi %while3A_56, %while3A_58 : i32
    %while3A_60 = arith.muli %while3A_59, %while3A_58 : i32
    %while3A_61 = arith.addi %while3A_55, %while3A_60 : i32
    %while3A_62 = arith.constant 1 : i32
    scf.for %while3A_64 = %while3A_55 to %while3A_61 step %while3A_62  : i32 {
      %mul3A_65 = arith.constant 16 : i32
      %mul3A_66 = arith.muli %while3A_64, %mul3A_65 : i32
      %add3A_67 = arith.addi %reduce_max3A_12, %mul3A_66 : i32
      %min3A = arith.constant 2032 : i32
      %min3A_68 = arith.minsi %add3A_67, %min3A : i32
      %multiple_of3A = tpu.assume_multiple %min3A_68, 16 : i32
      %mul3A_69 = arith.constant 16 : i32
      %mul3A_70 = arith.muli %while3A_64, %mul3A_69 : i32
      "tpu.region"() ({
        %run_scoped3A = tpu.sem_alloc : memref<!tpu.dma_semaphore, #tpu.memory_space<semaphore_mem>>
        %dma_start3A = tpu.memref_slice %arg11[%mul3A_70] : memref<2048xi32, #tpu.memory_space<vmem>> -> memref<16xi32, #tpu.memory_space<vmem>>
        %dma_start3A_73 = tpu.memref_slice %arg6[%multiple_of3A] : memref<2048xi32, #tpu.memory_space<hbm>> -> memref<16xi32, #tpu.memory_space<hbm>>
        %dma_start3A_74 = tpu.memref_slice %arg6[%multiple_of3A] : memref<2048xi32, #tpu.memory_space<hbm>> -> memref<16xi32, #tpu.memory_space<hbm>>
        %dma_start3A_75 = tpu.memref_slice %arg11[%mul3A_70] : memref<2048xi32, #tpu.memory_space<vmem>> -> memref<16xi32, #tpu.memory_space<vmem>>
        tpu.enqueue_dma source(%dma_start3A_75 : memref<16xi32, #tpu.memory_space<vmem>>) target(%dma_start3A_74 : memref<16xi32, #tpu.memory_space<hbm>>) target_semaphore(%run_scoped3A : memref<!tpu.dma_semaphore, #tpu.memory_space<semaphore_mem>>)
        %dma_wait3A = tpu.memref_slice %arg11[%mul3A_70] : memref<2048xi32, #tpu.memory_space<vmem>> -> memref<16xi32, #tpu.memory_space<vmem>>
        %dma_wait3A_76 = tpu.memref_slice %arg6[%multiple_of3A] : memref<2048xi32, #tpu.memory_space<hbm>> -> memref<16xi32, #tpu.memory_space<hbm>>
        %dma_wait3A_77 = tpu.memref_slice %arg6[%multiple_of3A] : memref<2048xi32, #tpu.memory_space<hbm>> -> memref<16xi32, #tpu.memory_space<hbm>>
        %dma_wait3A_78 = tpu.memref_slice %arg11[%mul3A_70] : memref<2048xi32, #tpu.memory_space<vmem>> -> memref<16xi32, #tpu.memory_space<vmem>>
        tpu.wait_dma2 semaphore(%run_scoped3A : memref<!tpu.dma_semaphore, #tpu.memory_space<semaphore_mem>>) src(%dma_wait3A_78 : memref<16xi32, #tpu.memory_space<vmem>>) dst(%dma_wait3A_77 : memref<16xi32, #tpu.memory_space<hbm>>)
        tpu.yield
      }) : () -> ()
      %mul3A_71 = arith.constant 16 : i32
      %mul3A_72 = arith.muli %while3A_64, %mul3A_71 : i32
      "tpu.region"() ({
        %run_scoped3A = tpu.sem_alloc : memref<!tpu.dma_semaphore, #tpu.memory_space<semaphore_mem>>
        %dma_start3A = tpu.memref_slice %arg12[%mul3A_72] : memref<2048xi32, #tpu.memory_space<vmem>> -> memref<16xi32, #tpu.memory_space<vmem>>
        %dma_start3A_73 = tpu.memref_slice %arg7[%multiple_of3A] : memref<2048xi32, #tpu.memory_space<hbm>> -> memref<16xi32, #tpu.memory_space<hbm>>
        %dma_start3A_74 = tpu.memref_slice %arg7[%multiple_of3A] : memref<2048xi32, #tpu.memory_space<hbm>> -> memref<16xi32, #tpu.memory_space<hbm>>
        %dma_start3A_75 = tpu.memref_slice %arg12[%mul3A_72] : memref<2048xi32, #tpu.memory_space<vmem>> -> memref<16xi32, #tpu.memory_space<vmem>>
        tpu.enqueue_dma source(%dma_start3A_75 : memref<16xi32, #tpu.memory_space<vmem>>) target(%dma_start3A_74 : memref<16xi32, #tpu.memory_space<hbm>>) target_semaphore(%run_scoped3A : memref<!tpu.dma_semaphore, #tpu.memory_space<semaphore_mem>>)
        %dma_wait3A = tpu.memref_slice %arg12[%mul3A_72] : memref<2048xi32, #tpu.memory_space<vmem>> -> memref<16xi32, #tpu.memory_space<vmem>>
        %dma_wait3A_76 = tpu.memref_slice %arg7[%multiple_of3A] : memref<2048xi32, #tpu.memory_space<hbm>> -> memref<16xi32, #tpu.memory_space<hbm>>
        %dma_wait3A_77 = tpu.memref_slice %arg7[%multiple_of3A] : memref<2048xi32, #tpu.memory_space<hbm>> -> memref<16xi32, #tpu.memory_space<hbm>>
        %dma_wait3A_78 = tpu.memref_slice %arg12[%mul3A_72] : memref<2048xi32, #tpu.memory_space<vmem>> -> memref<16xi32, #tpu.memory_space<vmem>>
        tpu.wait_dma2 semaphore(%run_scoped3A : memref<!tpu.dma_semaphore, #tpu.memory_space<semaphore_mem>>) src(%dma_wait3A_78 : memref<16xi32, #tpu.memory_space<vmem>>) dst(%dma_wait3A_77 : memref<16xi32, #tpu.memory_space<hbm>>)
        tpu.yield
      }) : () -> ()
    }
    %while3A_63 = arith.constant 1 : i32
    scf.for %while3A_64 = %while3A_61 to %while3A_57 step %while3A_63  : i32 {
      %mul3A_65 = arith.constant 16 : i32
      %mul3A_66 = arith.muli %while3A_64, %mul3A_65 : i32
      %add3A_67 = arith.addi %reduce_max3A_12, %mul3A_66 : i32
      %min3A = arith.constant 2032 : i32
      %min3A_68 = arith.minsi %add3A_67, %min3A : i32
      %multiple_of3A = tpu.assume_multiple %min3A_68, 16 : i32
      %mul3A_69 = arith.constant 16 : i32
      %mul3A_70 = arith.muli %while3A_64, %mul3A_69 : i32
      "tpu.region"() ({
        %run_scoped3A = tpu.sem_alloc : memref<!tpu.dma_semaphore, #tpu.memory_space<semaphore_mem>>
        %dma_start3A = tpu.memref_slice %arg11[%mul3A_70] : memref<2048xi32, #tpu.memory_space<vmem>> -> memref<16xi32, #tpu.memory_space<vmem>>
        %dma_start3A_73 = tpu.memref_slice %arg6[%multiple_of3A] : memref<2048xi32, #tpu.memory_space<hbm>> -> memref<16xi32, #tpu.memory_space<hbm>>
        %dma_start3A_74 = tpu.memref_slice %arg6[%multiple_of3A] : memref<2048xi32, #tpu.memory_space<hbm>> -> memref<16xi32, #tpu.memory_space<hbm>>
        %dma_start3A_75 = tpu.memref_slice %arg11[%mul3A_70] : memref<2048xi32, #tpu.memory_space<vmem>> -> memref<16xi32, #tpu.memory_space<vmem>>
        tpu.enqueue_dma source(%dma_start3A_75 : memref<16xi32, #tpu.memory_space<vmem>>) target(%dma_start3A_74 : memref<16xi32, #tpu.memory_space<hbm>>) target_semaphore(%run_scoped3A : memref<!tpu.dma_semaphore, #tpu.memory_space<semaphore_mem>>)
        %dma_wait3A = tpu.memref_slice %arg11[%mul3A_70] : memref<2048xi32, #tpu.memory_space<vmem>> -> memref<16xi32, #tpu.memory_space<vmem>>
        %dma_wait3A_76 = tpu.memref_slice %arg6[%multiple_of3A] : memref<2048xi32, #tpu.memory_space<hbm>> -> memref<16xi32, #tpu.memory_space<hbm>>
        %dma_wait3A_77 = tpu.memref_slice %arg6[%multiple_of3A] : memref<2048xi32, #tpu.memory_space<hbm>> -> memref<16xi32, #tpu.memory_space<hbm>>
        %dma_wait3A_78 = tpu.memref_slice %arg11[%mul3A_70] : memref<2048xi32, #tpu.memory_space<vmem>> -> memref<16xi32, #tpu.memory_space<vmem>>
        tpu.wait_dma2 semaphore(%run_scoped3A : memref<!tpu.dma_semaphore, #tpu.memory_space<semaphore_mem>>) src(%dma_wait3A_78 : memref<16xi32, #tpu.memory_space<vmem>>) dst(%dma_wait3A_77 : memref<16xi32, #tpu.memory_space<hbm>>)
        tpu.yield
      }) : () -> ()
      %mul3A_71 = arith.constant 16 : i32
      %mul3A_72 = arith.muli %while3A_64, %mul3A_71 : i32
      "tpu.region"() ({
        %run_scoped3A = tpu.sem_alloc : memref<!tpu.dma_semaphore, #tpu.memory_space<semaphore_mem>>
        %dma_start3A = tpu.memref_slice %arg12[%mul3A_72] : memref<2048xi32, #tpu.memory_space<vmem>> -> memref<16xi32, #tpu.memory_space<vmem>>
        %dma_start3A_73 = tpu.memref_slice %arg7[%multiple_of3A] : memref<2048xi32, #tpu.memory_space<hbm>> -> memref<16xi32, #tpu.memory_space<hbm>>
        %dma_start3A_74 = tpu.memref_slice %arg7[%multiple_of3A] : memref<2048xi32, #tpu.memory_space<hbm>> -> memref<16xi32, #tpu.memory_space<hbm>>
        %dma_start3A_75 = tpu.memref_slice %arg12[%mul3A_72] : memref<2048xi32, #tpu.memory_space<vmem>> -> memref<16xi32, #tpu.memory_space<vmem>>
        tpu.enqueue_dma source(%dma_start3A_75 : memref<16xi32, #tpu.memory_space<vmem>>) target(%dma_start3A_74 : memref<16xi32, #tpu.memory_space<hbm>>) target_semaphore(%run_scoped3A : memref<!tpu.dma_semaphore, #tpu.memory_space<semaphore_mem>>)
        %dma_wait3A = tpu.memref_slice %arg12[%mul3A_72] : memref<2048xi32, #tpu.memory_space<vmem>> -> memref<16xi32, #tpu.memory_space<vmem>>
        %dma_wait3A_76 = tpu.memref_slice %arg7[%multiple_of3A] : memref<2048xi32, #tpu.memory_space<hbm>> -> memref<16xi32, #tpu.memory_space<hbm>>
        %dma_wait3A_77 = tpu.memref_slice %arg7[%multiple_of3A] : memref<2048xi32, #tpu.memory_space<hbm>> -> memref<16xi32, #tpu.memory_space<hbm>>
        %dma_wait3A_78 = tpu.memref_slice %arg12[%mul3A_72] : memref<2048xi32, #tpu.memory_space<vmem>> -> memref<16xi32, #tpu.memory_space<vmem>>
        tpu.wait_dma2 semaphore(%run_scoped3A : memref<!tpu.dma_semaphore, #tpu.memory_space<semaphore_mem>>) src(%dma_wait3A_78 : memref<16xi32, #tpu.memory_space<vmem>>) dst(%dma_wait3A_77 : memref<16xi32, #tpu.memory_space<hbm>>)
        tpu.yield
      }) : () -> ()
    }
    return
  }
}

module attributes {stable_mosaic.version = 14 : i64} {
  func.func @_softmax_kernel(%arg0: i32, %arg1: memref<2000x81xf32, #tpu.memory_space<vmem>>, %arg2: memref<2000x80xf32, #tpu.memory_space<vmem>>) attributes {dimension_semantics = [#tpu.dimension_semantics<arbitrary>], iteration_bounds = array<i64: 10>, scalar_prefetch = 0 : i64, scratch_operands = 0 : i64, tpu.core_type = #tpu.core_type<tc>, window_params = [{transform_indices = @transform_0, window_bounds = array<i64: 2000, 81>}, {transform_indices = @transform_1, window_bounds = array<i64: 2000, 80>}]} {
    %get3A = arith.constant 0 : index
    %get3A_0 = arith.constant 0 : index
    %get3A_1 = vector.load %arg1[%get3A, %get3A_0] : memref<2000x81xf32, #tpu.memory_space<vmem>>, vector<2000x81xf32>
    %reduce_max3A = arith.constant dense<0xFF800000> : vector<2000xf32>
    %reduce_max3A_2 = vector.multi_reduction <maximumf>, %get3A_1, %reduce_max3A [1] : vector<2000x81xf32> to vector<2000xf32>
    %broadcast_in_dim3A = vector.shape_cast %reduce_max3A_2 : vector<2000xf32> to vector<2000x1xf32>
    %sub3A = vector.broadcast %broadcast_in_dim3A : vector<2000x1xf32> to vector<2000x81xf32>
    %sub3A_3 = arith.subf %get3A_1, %sub3A : vector<2000x81xf32>
    %exp3A = math.exp %sub3A_3 : vector<2000x81xf32>
    %reduce_sum3A = arith.constant dense<0.000000e+00> : vector<2000xf32>
    %reduce_sum3A_4 = vector.multi_reduction <add>, %exp3A, %reduce_sum3A [1] : vector<2000x81xf32> to vector<2000xf32>
    %broadcast_in_dim3A_5 = vector.shape_cast %reduce_sum3A_4 : vector<2000xf32> to vector<2000x1xf32>
    %slice3A = vector.extract_strided_slice %exp3A {offsets = [0, 0], sizes = [2000, 80], strides = [1, 1]} : vector<2000x81xf32> to vector<2000x80xf32>
    %div3A = vector.broadcast %broadcast_in_dim3A_5 : vector<2000x1xf32> to vector<2000x80xf32>
    %div3A_6 = arith.divf %slice3A, %div3A : vector<2000x80xf32>
    %swap3A = arith.constant 0 : index
    %swap3A_7 = arith.constant 0 : index
    %swap3A_8 = vector.load %arg2[%swap3A, %swap3A_7] : memref<2000x80xf32, #tpu.memory_space<vmem>>, vector<2000x80xf32>
    tpu.vector_store %arg2[%swap3A, %swap3A_7], %div3A_6 {strides = array<i32>} : memref<2000x80xf32, #tpu.memory_space<vmem>>, vector<2000x80xf32>,
    return
  }
  func.func @transform_0(%arg0: i32) -> (i32, i32) {
    %c0_i32 = arith.constant 0 : i32
    %c0_i32_0 = arith.constant 0 : i32
    return %arg0, %c0_i32 : i32, i32
  }
  func.func @transform_1(%arg0: i32) -> (i32, i32) {
    %c0_i32 = arith.constant 0 : i32
    %c0_i32_0 = arith.constant 0 : i32
    return %arg0, %c0_i32 : i32, i32
  }
}

module attributes {stable_mosaic.version = 14 : i64} {
  func.func @_thresh_kernel(%arg0: memref<32x2048xf32, #tpu.memory_space<vmem>>, %arg1: memref<1x16xf32, #tpu.memory_space<vmem>>, %arg2: memref<33x16xi32, #tpu.memory_space<vmem>>) attributes {dimension_semantics = [], scalar_prefetch = 0 : i64, scratch_operands = 0 : i64, tpu.core_type = #tpu.core_type<tc>} {
    %get3A = arith.constant 0 : index
    %get3A_0 = arith.constant 0 : index
    %get3A_1 = vector.load %arg0[%get3A, %get3A_0] : memref<32x2048xf32, #tpu.memory_space<vmem>>, vector<32x2048xf32>
    %scan3A = arith.constant 5.000000e-02 : f32
    %scan3A_2 = arith.constant 1.000000e+00 : f32
    %scan3A_3 = arith.constant 0 : i32
    %scan3A_4 = arith.constant 30 : i32
    %scan3A_5 = arith.addi %scan3A_3, %scan3A_4 : i32
    %scan3A_6 = arith.constant 1 : i32
    %scan3A_7:2 = scf.for %scan3A_35 = %scan3A_3 to %scan3A_5 step %scan3A_6 iter_args(%scan3A_36 = %scan3A, %scan3A_37 = %scan3A_2) -> (f32, f32)  : i32 {
      %add3A_38 = arith.addf %scan3A_36, %scan3A_37 : f32
      %mul3A_39 = arith.constant 5.000000e-01 : f32
      %mul3A_40 = arith.mulf %add3A_38, %mul3A_39 : f32
      %gt3A_41 = vector.broadcast %mul3A_40 : f32 to vector<32x2048xf32>
      %gt3A_42 = arith.cmpf ogt, %get3A_1, %gt3A_41 : vector<32x2048xf32>
      %jit3A_43 = arith.constant 1.000000e+00 : f32
      %jit3A_44 = arith.constant 0.000000e+00 : f32
      %broadcast_in_dim3A_45 = vector.broadcast %jit3A_43 : f32 to vector<32x2048xf32>
      %broadcast_in_dim3A_46 = vector.broadcast %jit3A_44 : f32 to vector<32x2048xf32>
      %select_n3A_47 = arith.select %gt3A_42, %broadcast_in_dim3A_45, %broadcast_in_dim3A_46 : vector<32x2048xi1>, vector<32x2048xf32>
      %reduce_sum3A_48 = vector.shape_cast %select_n3A_47 : vector<32x2048xf32> to vector<1x32x2048xf32>
      %reduce_sum3A_49 = arith.constant dense<0.000000e+00> : vector<1xf32>
      %reduce_sum3A_50 = vector.multi_reduction <add>, %reduce_sum3A_48, %reduce_sum3A_49 [1, 2] : vector<1x32x2048xf32> to vector<1xf32>
      %reduce_sum3A_51 = vector.shape_cast %reduce_sum3A_50 : vector<1xf32> to vector<1x1x1xf32>
      %reduce_sum3A_52 = vector.extract %reduce_sum3A_51[0, 0, 0] : f32 from vector<1x1x1xf32>
      %ge3A = arith.constant 1.000000e+03 : f32
      %ge3A_53 = arith.cmpf oge, %reduce_sum3A_52, %ge3A : f32
      %select_n3A_54 = arith.select %ge3A_53, %mul3A_40, %scan3A_36 : f32
      %select_n3A_55 = arith.select %ge3A_53, %scan3A_37, %mul3A_40 : f32
      scf.yield %select_n3A_54, %select_n3A_55 : f32, f32
    }
    %broadcast_in_dim3A = vector.broadcast %scan3A_7#0 : f32 to vector<1x16xf32>
    %swap3A = arith.constant 0 : index
    %swap3A_8 = arith.constant 0 : index
    %swap3A_9 = vector.load %arg1[%swap3A, %swap3A_8] : memref<1x16xf32, #tpu.memory_space<vmem>>, vector<1x16xf32>
    tpu.vector_store %arg1[%swap3A, %swap3A_8], %broadcast_in_dim3A {strides = array<i32>} : memref<1x16xf32, #tpu.memory_space<vmem>>, vector<1x16xf32>,
    %gt3A = vector.broadcast %scan3A_7#0 : f32 to vector<32x2048xf32>
    %gt3A_10 = arith.cmpf ogt, %get3A_1, %gt3A : vector<32x2048xf32>
    %jit3A = arith.constant 1.000000e+00 : f32
    %jit3A_11 = arith.constant 0.000000e+00 : f32
    %broadcast_in_dim3A_12 = vector.broadcast %jit3A : f32 to vector<32x2048xf32>
    %broadcast_in_dim3A_13 = vector.broadcast %jit3A_11 : f32 to vector<32x2048xf32>
    %select_n3A = arith.select %gt3A_10, %broadcast_in_dim3A_12, %broadcast_in_dim3A_13 : vector<32x2048xi1>, vector<32x2048xf32>
    %reduce_sum3A = arith.constant dense<0.000000e+00> : vector<32xf32>
    %reduce_sum3A_14 = vector.multi_reduction <add>, %select_n3A, %reduce_sum3A [1] : vector<32x2048xf32> to vector<32xf32>
    %broadcast_in_dim3A_15 = vector.shape_cast %reduce_sum3A_14 : vector<32xf32> to vector<32x1xf32>
    %add3A = arith.constant 1.500000e+01 : f32
    %add3A_16 = vector.broadcast %add3A : f32 to vector<32x1xf32>
    %add3A_17 = arith.addf %broadcast_in_dim3A_15, %add3A_16 : vector<32x1xf32>
    %mul3A = arith.constant 6.250000e-02 : f32
    %mul3A_18 = vector.broadcast %mul3A : f32 to vector<32x1xf32>
    %mul3A_19 = arith.mulf %add3A_17, %mul3A_18 : vector<32x1xf32>
    %floor3A = math.floor %mul3A_19 : vector<32x1xf32>
    %mul3A_20 = arith.constant 1.600000e+01 : f32
    %mul3A_21 = vector.broadcast %mul3A_20 : f32 to vector<32x1xf32>
    %mul3A_22 = arith.mulf %floor3A, %mul3A_21 : vector<32x1xf32>
    %iota3A = tpu.iota {dimensions = array<i32: 0>} : vector<33x32xi32>
    %iota3A_23 = tpu.iota {dimensions = array<i32: 1>} : vector<33x32xi32>
    %lt3A = arith.cmpi slt, %iota3A_23, %iota3A : vector<33x32xi32>
    %jit3A_24 = arith.constant 1.000000e+00 : f32
    %jit3A_25 = arith.constant 0.000000e+00 : f32
    %broadcast_in_dim3A_26 = vector.broadcast %jit3A_24 : f32 to vector<33x32xf32>
    %broadcast_in_dim3A_27 = vector.broadcast %jit3A_25 : f32 to vector<33x32xf32>
    %select_n3A_28 = arith.select %lt3A, %broadcast_in_dim3A_26, %broadcast_in_dim3A_27 : vector<33x32xi1>, vector<33x32xf32>
    %dot_general3A = arith.constant dense<0.000000e+00> : vector<33x1xf32>
    %dot_general3A_29 = tpu.matmul %select_n3A_28, %mul3A_22, %dot_general3A {dimension_numbers = #tpu.dot_dimension_numbers<[1], [0], [0], [1], [0, 0, 1, 1], [], []>, precision = #tpu.contract_precision<fp32>, transpose_lhs_hint = false} : vector<33x32xf32>, vector<32x1xf32>, vector<33x1xf32> -> vector<33x1xf32>
    %broadcast_in_dim3A_30 = vector.shape_cast %dot_general3A_29 : vector<33x1xf32> to vector<33x1xf32>
    %broadcast_in_dim3A_31 = vector.broadcast %broadcast_in_dim3A_30 : vector<33x1xf32> to vector<33x16xf32>
    %convert_element_type3A = arith.fptosi %broadcast_in_dim3A_31 : vector<33x16xf32> to vector<33x16xi32>
    %swap3A_32 = arith.constant 0 : index
    %swap3A_33 = arith.constant 0 : index
    %swap3A_34 = vector.load %arg2[%swap3A_32, %swap3A_33] : memref<33x16xi32, #tpu.memory_space<vmem>>, vector<33x16xi32>
    tpu.vector_store %arg2[%swap3A_32, %swap3A_33], %convert_element_type3A {strides = array<i32>} : memref<33x16xi32, #tpu.memory_space<vmem>>, vector<33x16xi32>,
    return
  }
}

module attributes {stable_mosaic.version = 14 : i64} {
  func.func @_pad_kernel(%arg0: i32, %arg1: memref<2000x320xf32, #tpu.memory_space<vmem>>, %arg2: memref<2000x512xf32, #tpu.memory_space<vmem>>) attributes {dimension_semantics = [#tpu.dimension_semantics<arbitrary>], iteration_bounds = array<i64: 10>, scalar_prefetch = 0 : i64, scratch_operands = 0 : i64, tpu.core_type = #tpu.core_type<tc>, window_params = [{transform_indices = @transform_0, window_bounds = array<i64: 2000, 320>}, {transform_indices = @transform_1, window_bounds = array<i64: 2000, 512>}]} {
    %get3A = arith.constant 0 : index
    %get3A_0 = arith.constant 0 : index
    %get3A_1 = vector.load %arg1[%get3A, %get3A_0] : memref<2000x320xf32, #tpu.memory_space<vmem>>, vector<2000x320xf32>
    %swap3A = arith.constant 0 : index
    %swap3A_2 = arith.constant 0 : index
    %swap3A_3 = vector.load %arg2[%swap3A, %swap3A_2] : memref<2000x512xf32, #tpu.memory_space<vmem>>, vector<2000x320xf32>
    tpu.vector_store %arg2[%swap3A, %swap3A_2], %get3A_1 {strides = array<i32>} : memref<2000x512xf32, #tpu.memory_space<vmem>>, vector<2000x320xf32>,
    %broadcast_in_dim3A = arith.constant 0.000000e+00 : f32
    %broadcast_in_dim3A_4 = vector.broadcast %broadcast_in_dim3A : f32 to vector<2000x192xf32>
    %swap3A_5 = arith.constant 0 : index
    %swap3A_6 = arith.constant 320 : index
    %swap3A_7 = vector.load %arg2[%swap3A_5, %swap3A_6] : memref<2000x512xf32, #tpu.memory_space<vmem>>, vector<2000x192xf32>
    tpu.vector_store %arg2[%swap3A_5, %swap3A_6], %broadcast_in_dim3A_4 {strides = array<i32>} : memref<2000x512xf32, #tpu.memory_space<vmem>>, vector<2000x192xf32>,
    return
  }
  func.func @transform_0(%arg0: i32) -> (i32, i32) {
    %c0_i32 = arith.constant 0 : i32
    %c0_i32_0 = arith.constant 0 : i32
    return %arg0, %c0_i32 : i32, i32
  }
  func.func @transform_1(%arg0: i32) -> (i32, i32) {
    %c0_i32 = arith.constant 0 : i32
    %c0_i32_0 = arith.constant 0 : i32
    return %arg0, %c0_i32 : i32, i32
  }
}

module attributes {stable_mosaic.version = 14 : i64} {
  func.func @_rank_kernel(%arg0: i32, %arg1: memref<1xi32, #tpu.memory_space<smem>>, %arg2: memref<512x1xf32, #tpu.memory_space<vmem>>, %arg3: memref<512x1xi32, #tpu.memory_space<vmem>>, %arg4: memref<1x2048xf32, #tpu.memory_space<vmem>>, %arg5: memref<1x2048xi32, #tpu.memory_space<vmem>>, %arg6: memref<512x1xf32, #tpu.memory_space<vmem>>) attributes {dimension_semantics = [#tpu.dimension_semantics<arbitrary>], iteration_bounds = array<i64: 4>, scalar_prefetch = 0 : i64, scratch_operands = 0 : i64, tpu.core_type = #tpu.core_type<tc>, window_params = [{transform_indices = @transform_0, window_bounds = array<i64: 1>}, {transform_indices = @transform_1, window_bounds = array<i64: 512, 1>}, {transform_indices = @transform_2, window_bounds = array<i64: 512, 1>}, {pipeline_mode = #tpu.pipeline_mode<synchronous>, transform_indices = @transform_3, window_bounds = array<i64: 1, 2048>}, {pipeline_mode = #tpu.pipeline_mode<synchronous>, transform_indices = @transform_4, window_bounds = array<i64: 1, 2048>}, {transform_indices = @transform_5, window_bounds = array<i64: 512, 1>}]} {
    %get3A = arith.constant 0 : index
    %get3A_0 = memref.load %arg1[%get3A] : memref<1xi32, #tpu.memory_space<smem>>
    %mul3A = arith.constant 512 : i32
    %mul3A_1 = arith.muli %arg0, %mul3A : i32
    %iota3A = tpu.iota {dimensions = array<i32: 0>} : vector<512x1xi32>
    %add3A = vector.broadcast %mul3A_1 : i32 to vector<512x1xi32>
    %add3A_2 = arith.addi %add3A, %iota3A : vector<512x1xi32>
    %iota3A_3 = tpu.iota {dimensions = array<i32: 1>} : vector<1x2048xi32>
    %lt3A = vector.broadcast %get3A_0 : i32 to vector<512x1xi32>
    %lt3A_4 = arith.cmpi slt, %add3A_2, %lt3A : vector<512x1xi32>
    %get3A_5 = arith.constant 0 : index
    %get3A_6 = arith.constant 0 : index
    %get3A_7 = vector.load %arg2[%get3A_5, %get3A_6] : memref<512x1xf32, #tpu.memory_space<vmem>>, vector<512x1xf32>
    %jit3A = arith.constant 0xFF800000 : f32
    %broadcast_in_dim3A = vector.broadcast %jit3A : f32 to vector<512x1xf32>
    %select_n3A = arith.select %lt3A_4, %get3A_7, %broadcast_in_dim3A : vector<512x1xi1>, vector<512x1xf32>
    %lt3A_8 = vector.broadcast %get3A_0 : i32 to vector<512x1xi32>
    %lt3A_9 = arith.cmpi slt, %add3A_2, %lt3A_8 : vector<512x1xi32>
    %get3A_10 = arith.constant 0 : index
    %get3A_11 = arith.constant 0 : index
    %get3A_12 = vector.load %arg3[%get3A_10, %get3A_11] : memref<512x1xi32, #tpu.memory_space<vmem>>, vector<512x1xi32>
    %jit3A_13 = arith.constant 1073741823 : i32
    %broadcast_in_dim3A_14 = vector.broadcast %jit3A_13 : i32 to vector<512x1xi32>
    %select_n3A_15 = arith.select %lt3A_9, %get3A_12, %broadcast_in_dim3A_14 : vector<512x1xi1>, vector<512x1xi32>
    %lt3A_16 = vector.broadcast %get3A_0 : i32 to vector<1x2048xi32>
    %lt3A_17 = arith.cmpi slt, %iota3A_3, %lt3A_16 : vector<1x2048xi32>
    %get3A_18 = arith.constant 0 : index
    %get3A_19 = arith.constant 0 : index
    %get3A_20 = vector.load %arg4[%get3A_18, %get3A_19] : memref<1x2048xf32, #tpu.memory_space<vmem>>, vector<1x2048xf32>
    %jit3A_21 = arith.constant 0xFF800000 : f32
    %broadcast_in_dim3A_22 = vector.broadcast %jit3A_21 : f32 to vector<1x2048xf32>
    %select_n3A_23 = arith.select %lt3A_17, %get3A_20, %broadcast_in_dim3A_22 : vector<1x2048xi1>, vector<1x2048xf32>
    %lt3A_24 = vector.broadcast %get3A_0 : i32 to vector<1x2048xi32>
    %lt3A_25 = arith.cmpi slt, %iota3A_3, %lt3A_24 : vector<1x2048xi32>
    %get3A_26 = arith.constant 0 : index
    %get3A_27 = arith.constant 0 : index
    %get3A_28 = vector.load %arg5[%get3A_26, %get3A_27] : memref<1x2048xi32, #tpu.memory_space<vmem>>, vector<1x2048xi32>
    %jit3A_29 = arith.constant 1073741823 : i32
    %broadcast_in_dim3A_30 = vector.broadcast %jit3A_29 : i32 to vector<1x2048xi32>
    %select_n3A_31 = arith.select %lt3A_25, %get3A_28, %broadcast_in_dim3A_30 : vector<1x2048xi1>, vector<1x2048xi32>
    %gt3A = vector.broadcast %select_n3A_23 : vector<1x2048xf32> to vector<512x2048xf32>
    %gt3A_32 = vector.broadcast %select_n3A : vector<512x1xf32> to vector<512x2048xf32>
    %gt3A_33 = arith.cmpf ogt, %gt3A, %gt3A_32 : vector<512x2048xf32>
    %eq3A = vector.broadcast %select_n3A_23 : vector<1x2048xf32> to vector<512x2048xf32>
    %eq3A_34 = vector.broadcast %select_n3A : vector<512x1xf32> to vector<512x2048xf32>
    %eq3A_35 = arith.cmpf oeq, %eq3A, %eq3A_34 : vector<512x2048xf32>
    %lt3A_36 = vector.broadcast %select_n3A_31 : vector<1x2048xi32> to vector<512x2048xi32>
    %lt3A_37 = vector.broadcast %select_n3A_15 : vector<512x1xi32> to vector<512x2048xi32>
    %lt3A_38 = arith.cmpi slt, %lt3A_36, %lt3A_37 : vector<512x2048xi32>
    %and3A = arith.andi %eq3A_35, %lt3A_38 : vector<512x2048xi1>
    %or3A = arith.ori %gt3A_33, %and3A : vector<512x2048xi1>
    %jit3A_39 = arith.constant 1.000000e+00 : f32
    %jit3A_40 = arith.constant 0.000000e+00 : f32
    %broadcast_in_dim3A_41 = vector.broadcast %jit3A_39 : f32 to vector<512x2048xf32>
    %broadcast_in_dim3A_42 = vector.broadcast %jit3A_40 : f32 to vector<512x2048xf32>
    %select_n3A_43 = arith.select %or3A, %broadcast_in_dim3A_41, %broadcast_in_dim3A_42 : vector<512x2048xi1>, vector<512x2048xf32>
    %reduce_sum3A = arith.constant dense<0.000000e+00> : vector<512xf32>
    %reduce_sum3A_44 = vector.multi_reduction <add>, %select_n3A_43, %reduce_sum3A [1] : vector<512x2048xf32> to vector<512xf32>
    %broadcast_in_dim3A_45 = vector.shape_cast %reduce_sum3A_44 : vector<512xf32> to vector<512x1xf32>
    %swap3A = arith.constant 0 : index
    %swap3A_46 = arith.constant 0 : index
    %swap3A_47 = vector.load %arg6[%swap3A, %swap3A_46] : memref<512x1xf32, #tpu.memory_space<vmem>>, vector<512x1xf32>
    tpu.vector_store %arg6[%swap3A, %swap3A_46], %broadcast_in_dim3A_45 {strides = array<i32>} : memref<512x1xf32, #tpu.memory_space<vmem>>, vector<512x1xf32>,
    return
  }
  func.func @transform_0(%arg0: i32) -> i32 {
    %c0_i32 = arith.constant 0 : i32
    %c0_i32_0 = arith.constant 0 : i32
    return %c0_i32 : i32
  }
  func.func @transform_1(%arg0: i32) -> (i32, i32) {
    %c0_i32 = arith.constant 0 : i32
    %c0_i32_0 = arith.constant 0 : i32
    return %arg0, %c0_i32 : i32, i32
  }
  func.func @transform_2(%arg0: i32) -> (i32, i32) {
    %c0_i32 = arith.constant 0 : i32
    %c0_i32_0 = arith.constant 0 : i32
    return %arg0, %c0_i32 : i32, i32
  }
  func.func @transform_3(%arg0: i32) -> (i32, i32) {
    %c0_i32 = arith.constant 0 : i32
    %c0_i32_0 = arith.constant 0 : i32
    %c0_i32_1 = arith.constant 0 : i32
    return %c0_i32, %c0_i32_0 : i32, i32
  }
  func.func @transform_4(%arg0: i32) -> (i32, i32) {
    %c0_i32 = arith.constant 0 : i32
    %c0_i32_0 = arith.constant 0 : i32
    %c0_i32_1 = arith.constant 0 : i32
    return %c0_i32, %c0_i32_0 : i32, i32
  }
  func.func @transform_5(%arg0: i32) -> (i32, i32) {
    %c0_i32 = arith.constant 0 : i32
    %c0_i32_0 = arith.constant 0 : i32
    return %arg0, %c0_i32 : i32, i32
  }
}

module attributes {stable_mosaic.version = 14 : i64} {
  func.func @_select_kernel(%arg0: i32, %arg1: memref<1x512xf32, #tpu.memory_space<vmem>>, %arg2: memref<512x8xf32, #tpu.memory_space<vmem>>, %arg3: memref<1024x8xf32, #tpu.memory_space<vmem>>) attributes {dimension_semantics = [#tpu.dimension_semantics<arbitrary>], iteration_bounds = array<i64: 4>, scalar_prefetch = 0 : i64, scratch_operands = 0 : i64, tpu.core_type = #tpu.core_type<tc>, window_params = [{transform_indices = @transform_0, window_bounds = array<i64: 1, 512>}, {transform_indices = @transform_1, window_bounds = array<i64: 512, 8>}, {pipeline_mode = #tpu.pipeline_mode<synchronous>, transform_indices = @transform_2, window_bounds = array<i64: 1024, 8>}]} {
    %eq3A = arith.constant 0 : i32
    %eq3A_0 = arith.cmpi eq, %arg0, %eq3A : i32
    %convert_element_type3A = arith.extui %eq3A_0 : i1 to i32
    %cond3A = arith.constant 0 : i32
    %cond3A_1 = arith.cmpi ne, %convert_element_type3A, %cond3A : i32
    scf.if %cond3A_1 {
      %broadcast_in_dim3A_18 = arith.constant 0.000000e+00 : f32
      %broadcast_in_dim3A_19 = vector.broadcast %broadcast_in_dim3A_18 : f32 to vector<1024x8xf32>
      %swap3A_20 = arith.constant 0 : index
      %swap3A_21 = arith.constant 0 : index
      %swap3A_22 = vector.load %arg3[%swap3A_20, %swap3A_21] : memref<1024x8xf32, #tpu.memory_space<vmem>>, vector<1024x8xf32>
      tpu.vector_store %arg3[%swap3A_20, %swap3A_21], %broadcast_in_dim3A_19 {strides = array<i32>} : memref<1024x8xf32, #tpu.memory_space<vmem>>, vector<1024x8xf32>,
    } else {
    }
    %get3A = arith.constant 0 : index
    %get3A_2 = arith.constant 0 : index
    %get3A_3 = vector.load %arg1[%get3A, %get3A_2] : memref<1x512xf32, #tpu.memory_space<vmem>>, vector<1x512xf32>
    %iota3A = tpu.iota {dimensions = array<i32: 0>} : vector<1024x512xi32>
    %convert_element_type3A_4 = arith.sitofp %iota3A : vector<1024x512xi32> to vector<1024x512xf32>
    %eq3A_5 = vector.broadcast %get3A_3 : vector<1x512xf32> to vector<1024x512xf32>
    %eq3A_6 = arith.cmpf oeq, %convert_element_type3A_4, %eq3A_5 : vector<1024x512xf32>
    %jit3A = arith.constant 1.000000e+00 : f32
    %jit3A_7 = arith.constant 0.000000e+00 : f32
    %broadcast_in_dim3A = vector.broadcast %jit3A : f32 to vector<1024x512xf32>
    %broadcast_in_dim3A_8 = vector.broadcast %jit3A_7 : f32 to vector<1024x512xf32>
    %select_n3A = arith.select %eq3A_6, %broadcast_in_dim3A, %broadcast_in_dim3A_8 : vector<1024x512xi1>, vector<1024x512xf32>
    %get3A_9 = arith.constant 0 : index
    %get3A_10 = arith.constant 0 : index
    %get3A_11 = vector.load %arg3[%get3A_9, %get3A_10] : memref<1024x8xf32, #tpu.memory_space<vmem>>, vector<1024x8xf32>
    %get3A_12 = arith.constant 0 : index
    %get3A_13 = arith.constant 0 : index
    %get3A_14 = vector.load %arg2[%get3A_12, %get3A_13] : memref<512x8xf32, #tpu.memory_space<vmem>>, vector<512x8xf32>
    %dot_general3A = arith.constant dense<0.000000e+00> : vector<1024x8xf32>
    %dot_general3A_15 = tpu.matmul %select_n3A, %get3A_14, %dot_general3A {dimension_numbers = #tpu.dot_dimension_numbers<[1], [0], [0], [1], [0, 0, 1, 1], [], []>, precision = #tpu.contract_precision<fp32>, transpose_lhs_hint = false} : vector<1024x512xf32>, vector<512x8xf32>, vector<1024x8xf32> -> vector<1024x8xf32>
    %add3A = arith.addf %get3A_11, %dot_general3A_15 : vector<1024x8xf32>
    %swap3A = arith.constant 0 : index
    %swap3A_16 = arith.constant 0 : index
    %swap3A_17 = vector.load %arg3[%swap3A, %swap3A_16] : memref<1024x8xf32, #tpu.memory_space<vmem>>, vector<1024x8xf32>
    tpu.vector_store %arg3[%swap3A, %swap3A_16], %add3A {strides = array<i32>} : memref<1024x8xf32, #tpu.memory_space<vmem>>, vector<1024x8xf32>,
    return
  }
  func.func @transform_0(%arg0: i32) -> (i32, i32) {
    %c0_i32 = arith.constant 0 : i32
    %c0_i32_0 = arith.constant 0 : i32
    return %c0_i32, %arg0 : i32, i32
  }
  func.func @transform_1(%arg0: i32) -> (i32, i32) {
    %c0_i32 = arith.constant 0 : i32
    %c0_i32_0 = arith.constant 0 : i32
    return %arg0, %c0_i32 : i32, i32
  }
  func.func @transform_2(%arg0: i32) -> (i32, i32) {
    %c0_i32 = arith.constant 0 : i32
    %c0_i32_0 = arith.constant 0 : i32
    %c0_i32_1 = arith.constant 0 : i32
    return %c0_i32, %c0_i32_0 : i32, i32
  }
}

module attributes {stable_mosaic.version = 14 : i64} {
  func.func @_smat_kernel(%arg0: i32, %arg1: memref<2xf32, #tpu.memory_space<smem>>, %arg2: memref<128x4xf32, #tpu.memory_space<vmem>>, %arg3: memref<128x4xf32, #tpu.memory_space<vmem>>, %arg4: memref<128x1xf32, #tpu.memory_space<vmem>>, %arg5: memref<4x1024xf32, #tpu.memory_space<vmem>>, %arg6: memref<4x1024xf32, #tpu.memory_space<vmem>>, %arg7: memref<1x1024xf32, #tpu.memory_space<vmem>>, %arg8: memref<128x1024xf32, #tpu.memory_space<vmem>>, %arg9: memref<128x4xf32, #tpu.memory_space<vmem>>) attributes {dimension_semantics = [#tpu.dimension_semantics<arbitrary>], iteration_bounds = array<i64: 8>, scalar_prefetch = 0 : i64, scratch_operands = 0 : i64, tpu.core_type = #tpu.core_type<tc>, window_params = [{transform_indices = @transform_0, window_bounds = array<i64: 2>}, {transform_indices = @transform_1, window_bounds = array<i64: 128, 4>}, {transform_indices = @transform_2, window_bounds = array<i64: 128, 4>}, {transform_indices = @transform_3, window_bounds = array<i64: 128, 1>}, {pipeline_mode = #tpu.pipeline_mode<synchronous>, transform_indices = @transform_4, window_bounds = array<i64: 4, 1024>}, {pipeline_mode = #tpu.pipeline_mode<synchronous>, transform_indices = @transform_5, window_bounds = array<i64: 4, 1024>}, {pipeline_mode = #tpu.pipeline_mode<synchronous>, transform_indices = @transform_6, window_bounds = array<i64: 1, 1024>}, {transform_indices = @transform_7, window_bounds = array<i64: 128, 1024>}, {transform_indices = @transform_8, window_bounds = array<i64: 128, 4>}]} {
    %get3A = arith.constant 0 : index
    %get3A_0 = memref.load %arg1[%get3A] : memref<2xf32, #tpu.memory_space<smem>>
    %get3A_1 = arith.constant 1 : index
    %get3A_2 = memref.load %arg1[%get3A_1] : memref<2xf32, #tpu.memory_space<smem>>
    %get3A_3 = arith.constant 0 : index
    %get3A_4 = arith.constant 0 : index
    %get3A_5 = vector.load %arg2[%get3A_3, %get3A_4] : memref<128x4xf32, #tpu.memory_space<vmem>>, vector<128x4xf32>
    %get3A_6 = arith.constant 0 : index
    %get3A_7 = arith.constant 0 : index
    %get3A_8 = vector.load %arg3[%get3A_6, %get3A_7] : memref<128x4xf32, #tpu.memory_space<vmem>>, vector<128x4xf32>
    %slice3A = vector.extract_strided_slice %get3A_5 {offsets = [0, 0], sizes = [128, 1], strides = [1, 1]} : vector<128x4xf32> to vector<128x1xf32>
    %slice3A_9 = vector.extract_strided_slice %get3A_5 {offsets = [0, 1], sizes = [128, 1], strides = [1, 1]} : vector<128x4xf32> to vector<128x1xf32>
    %slice3A_10 = vector.extract_strided_slice %get3A_5 {offsets = [0, 2], sizes = [128, 1], strides = [1, 1]} : vector<128x4xf32> to vector<128x1xf32>
    %slice3A_11 = vector.extract_strided_slice %get3A_5 {offsets = [0, 3], sizes = [128, 1], strides = [1, 1]} : vector<128x4xf32> to vector<128x1xf32>
    %slice3A_12 = vector.extract_strided_slice %get3A_8 {offsets = [0, 0], sizes = [128, 1], strides = [1, 1]} : vector<128x4xf32> to vector<128x1xf32>
    %slice3A_13 = vector.extract_strided_slice %get3A_8 {offsets = [0, 1], sizes = [128, 1], strides = [1, 1]} : vector<128x4xf32> to vector<128x1xf32>
    %slice3A_14 = vector.extract_strided_slice %get3A_8 {offsets = [0, 2], sizes = [128, 1], strides = [1, 1]} : vector<128x4xf32> to vector<128x1xf32>
    %slice3A_15 = vector.extract_strided_slice %get3A_8 {offsets = [0, 3], sizes = [128, 1], strides = [1, 1]} : vector<128x4xf32> to vector<128x1xf32>
    %get3A_16 = arith.constant 0 : index
    %get3A_17 = arith.constant 0 : index
    %get3A_18 = vector.load %arg4[%get3A_16, %get3A_17] : memref<128x1xf32, #tpu.memory_space<vmem>>, vector<128x1xf32>
    %mul3A = arith.constant 1.000000e-01 : f32
    %mul3A_19 = vector.broadcast %mul3A : f32 to vector<128x1xf32>
    %mul3A_20 = arith.mulf %slice3A_12, %mul3A_19 : vector<128x1xf32>
    %mul3A_21 = arith.constant 1.000000e-01 : f32
    %mul3A_22 = vector.broadcast %mul3A_21 : f32 to vector<128x1xf32>
    %mul3A_23 = arith.mulf %slice3A_13, %mul3A_22 : vector<128x1xf32>
    %mul3A_24 = arith.constant 2.000000e-01 : f32
    %mul3A_25 = vector.broadcast %mul3A_24 : f32 to vector<128x1xf32>
    %mul3A_26 = arith.mulf %slice3A_14, %mul3A_25 : vector<128x1xf32>
    %jit3A = arith.constant -4.13516665 : f32
    %jit3A_27 = arith.constant 4.13516665 : f32
    %max3A = vector.broadcast %jit3A : f32 to vector<128x1xf32>
    %max3A_28 = arith.maximumf %max3A, %mul3A_26 : vector<128x1xf32>
    %min3A = vector.broadcast %jit3A_27 : f32 to vector<128x1xf32>
    %min3A_29 = arith.minimumf %min3A, %max3A_28 : vector<128x1xf32>
    %mul3A_30 = arith.constant 2.000000e-01 : f32
    %mul3A_31 = vector.broadcast %mul3A_30 : f32 to vector<128x1xf32>
    %mul3A_32 = arith.mulf %slice3A_15, %mul3A_31 : vector<128x1xf32>
    %jit3A_33 = arith.constant -4.13516665 : f32
    %jit3A_34 = arith.constant 4.13516665 : f32
    %max3A_35 = vector.broadcast %jit3A_33 : f32 to vector<128x1xf32>
    %max3A_36 = arith.maximumf %max3A_35, %mul3A_32 : vector<128x1xf32>
    %min3A_37 = vector.broadcast %jit3A_34 : f32 to vector<128x1xf32>
    %min3A_38 = arith.minimumf %min3A_37, %max3A_36 : vector<128x1xf32>
    %sub3A = arith.subf %slice3A_10, %slice3A : vector<128x1xf32>
    %sub3A_39 = arith.subf %slice3A_11, %slice3A_9 : vector<128x1xf32>
    %add3A = arith.addf %slice3A, %slice3A_10 : vector<128x1xf32>
    %mul3A_40 = arith.constant 5.000000e-01 : f32
    %mul3A_41 = vector.broadcast %mul3A_40 : f32 to vector<128x1xf32>
    %mul3A_42 = arith.mulf %add3A, %mul3A_41 : vector<128x1xf32>
    %add3A_43 = arith.addf %slice3A_9, %slice3A_11 : vector<128x1xf32>
    %mul3A_44 = arith.constant 5.000000e-01 : f32
    %mul3A_45 = vector.broadcast %mul3A_44 : f32 to vector<128x1xf32>
    %mul3A_46 = arith.mulf %add3A_43, %mul3A_45 : vector<128x1xf32>
    %exp3A = math.exp %min3A_29 : vector<128x1xf32>
    %mul3A_47 = arith.mulf %sub3A, %exp3A : vector<128x1xf32>
    %exp3A_48 = math.exp %min3A_38 : vector<128x1xf32>
    %mul3A_49 = arith.mulf %sub3A_39, %exp3A_48 : vector<128x1xf32>
    %mul3A_50 = arith.mulf %sub3A, %mul3A_20 : vector<128x1xf32>
    %add3A_51 = arith.addf %mul3A_42, %mul3A_50 : vector<128x1xf32>
    %mul3A_52 = arith.mulf %sub3A_39, %mul3A_23 : vector<128x1xf32>
    %add3A_53 = arith.addf %mul3A_46, %mul3A_52 : vector<128x1xf32>
    %mul3A_54 = arith.constant 5.000000e-01 : f32
    %mul3A_55 = vector.broadcast %mul3A_54 : f32 to vector<128x1xf32>
    %mul3A_56 = arith.mulf %mul3A_47, %mul3A_55 : vector<128x1xf32>
    %sub3A_57 = arith.subf %add3A_51, %mul3A_56 : vector<128x1xf32>
    %jit3A_58 = arith.constant 0.000000e+00 : f32
    %max3A_59 = vector.broadcast %jit3A_58 : f32 to vector<128x1xf32>
    %max3A_60 = arith.maximumf %max3A_59, %sub3A_57 : vector<128x1xf32>
    %min3A_61 = vector.broadcast %get3A_2 : f32 to vector<128x1xf32>
    %min3A_62 = arith.minimumf %min3A_61, %max3A_60 : vector<128x1xf32>
    %mul3A_63 = arith.constant 5.000000e-01 : f32
    %mul3A_64 = vector.broadcast %mul3A_63 : f32 to vector<128x1xf32>
    %mul3A_65 = arith.mulf %mul3A_49, %mul3A_64 : vector<128x1xf32>
    %sub3A_66 = arith.subf %add3A_53, %mul3A_65 : vector<128x1xf32>
    %jit3A_67 = arith.constant 0.000000e+00 : f32
    %max3A_68 = vector.broadcast %jit3A_67 : f32 to vector<128x1xf32>
    %max3A_69 = arith.maximumf %max3A_68, %sub3A_66 : vector<128x1xf32>
    %min3A_70 = vector.broadcast %get3A_0 : f32 to vector<128x1xf32>
    %min3A_71 = arith.minimumf %min3A_70, %max3A_69 : vector<128x1xf32>
    %mul3A_72 = arith.constant 5.000000e-01 : f32
    %mul3A_73 = vector.broadcast %mul3A_72 : f32 to vector<128x1xf32>
    %mul3A_74 = arith.mulf %mul3A_47, %mul3A_73 : vector<128x1xf32>
    %add3A_75 = arith.addf %add3A_51, %mul3A_74 : vector<128x1xf32>
    %jit3A_76 = arith.constant 0.000000e+00 : f32
    %max3A_77 = vector.broadcast %jit3A_76 : f32 to vector<128x1xf32>
    %max3A_78 = arith.maximumf %max3A_77, %add3A_75 : vector<128x1xf32>
    %min3A_79 = vector.broadcast %get3A_2 : f32 to vector<128x1xf32>
    %min3A_80 = arith.minimumf %min3A_79, %max3A_78 : vector<128x1xf32>
    %mul3A_81 = arith.constant 5.000000e-01 : f32
    %mul3A_82 = vector.broadcast %mul3A_81 : f32 to vector<128x1xf32>
    %mul3A_83 = arith.mulf %mul3A_49, %mul3A_82 : vector<128x1xf32>
    %add3A_84 = arith.addf %add3A_53, %mul3A_83 : vector<128x1xf32>
    %jit3A_85 = arith.constant 0.000000e+00 : f32
    %max3A_86 = vector.broadcast %jit3A_85 : f32 to vector<128x1xf32>
    %max3A_87 = arith.maximumf %max3A_86, %add3A_84 : vector<128x1xf32>
    %min3A_88 = vector.broadcast %get3A_0 : f32 to vector<128x1xf32>
    %min3A_89 = arith.minimumf %min3A_88, %max3A_87 : vector<128x1xf32>
    %mul3A_90 = arith.constant 4.096000e+03 : f32
    %mul3A_91 = vector.broadcast %mul3A_90 : f32 to vector<128x1xf32>
    %mul3A_92 = arith.mulf %get3A_18, %mul3A_91 : vector<128x1xf32>
    %add3A_93 = arith.addf %min3A_62, %mul3A_92 : vector<128x1xf32>
    %add3A_94 = arith.addf %min3A_71, %mul3A_92 : vector<128x1xf32>
    %add3A_95 = arith.addf %min3A_80, %mul3A_92 : vector<128x1xf32>
    %add3A_96 = arith.addf %min3A_89, %mul3A_92 : vector<128x1xf32>
    %swap3A = arith.constant 0 : index
    %swap3A_97 = arith.constant 0 : index
    %swap3A_98 = vector.load %arg9[%swap3A, %swap3A_97] : memref<128x4xf32, #tpu.memory_space<vmem>>, vector<128x1xf32>
    tpu.vector_store %arg9[%swap3A, %swap3A_97], %min3A_62 {strides = array<i32>} : memref<128x4xf32, #tpu.memory_space<vmem>>, vector<128x1xf32>,
    %swap3A_99 = arith.constant 0 : index
    %swap3A_100 = arith.constant 1 : index
    %swap3A_101 = vector.load %arg9[%swap3A_99, %swap3A_100] : memref<128x4xf32, #tpu.memory_space<vmem>>, vector<128x1xf32>
    tpu.vector_store %arg9[%swap3A_99, %swap3A_100], %min3A_71 {strides = array<i32>} : memref<128x4xf32, #tpu.memory_space<vmem>>, vector<128x1xf32>,
    %swap3A_102 = arith.constant 0 : index
    %swap3A_103 = arith.constant 2 : index
    %swap3A_104 = vector.load %arg9[%swap3A_102, %swap3A_103] : memref<128x4xf32, #tpu.memory_space<vmem>>, vector<128x1xf32>
    tpu.vector_store %arg9[%swap3A_102, %swap3A_103], %min3A_80 {strides = array<i32>} : memref<128x4xf32, #tpu.memory_space<vmem>>, vector<128x1xf32>,
    %swap3A_105 = arith.constant 0 : index
    %swap3A_106 = arith.constant 3 : index
    %swap3A_107 = vector.load %arg9[%swap3A_105, %swap3A_106] : memref<128x4xf32, #tpu.memory_space<vmem>>, vector<128x1xf32>
    tpu.vector_store %arg9[%swap3A_105, %swap3A_106], %min3A_89 {strides = array<i32>} : memref<128x4xf32, #tpu.memory_space<vmem>>, vector<128x1xf32>,
    %get3A_108 = arith.constant 0 : index
    %get3A_109 = arith.constant 0 : index
    %get3A_110 = vector.load %arg5[%get3A_108, %get3A_109] : memref<4x1024xf32, #tpu.memory_space<vmem>>, vector<4x1024xf32>
    %get3A_111 = arith.constant 0 : index
    %get3A_112 = arith.constant 0 : index
    %get3A_113 = vector.load %arg6[%get3A_111, %get3A_112] : memref<4x1024xf32, #tpu.memory_space<vmem>>, vector<4x1024xf32>
    %slice3A_114 = vector.extract_strided_slice %get3A_110 {offsets = [0, 0], sizes = [1, 1024], strides = [1, 1]} : vector<4x1024xf32> to vector<1x1024xf32>
    %slice3A_115 = vector.extract_strided_slice %get3A_110 {offsets = [1, 0], sizes = [1, 1024], strides = [1, 1]} : vector<4x1024xf32> to vector<1x1024xf32>
    %slice3A_116 = vector.extract_strided_slice %get3A_110 {offsets = [2, 0], sizes = [1, 1024], strides = [1, 1]} : vector<4x1024xf32> to vector<1x1024xf32>
    %slice3A_117 = vector.extract_strided_slice %get3A_110 {offsets = [3, 0], sizes = [1, 1024], strides = [1, 1]} : vector<4x1024xf32> to vector<1x1024xf32>
    %slice3A_118 = vector.extract_strided_slice %get3A_113 {offsets = [0, 0], sizes = [1, 1024], strides = [1, 1]} : vector<4x1024xf32> to vector<1x1024xf32>
    %slice3A_119 = vector.extract_strided_slice %get3A_113 {offsets = [1, 0], sizes = [1, 1024], strides = [1, 1]} : vector<4x1024xf32> to vector<1x1024xf32>
    %slice3A_120 = vector.extract_strided_slice %get3A_113 {offsets = [2, 0], sizes = [1, 1024], strides = [1, 1]} : vector<4x1024xf32> to vector<1x1024xf32>
    %slice3A_121 = vector.extract_strided_slice %get3A_113 {offsets = [3, 0], sizes = [1, 1024], strides = [1, 1]} : vector<4x1024xf32> to vector<1x1024xf32>
    %get3A_122 = arith.constant 0 : index
    %get3A_123 = arith.constant 0 : index
    %get3A_124 = vector.load %arg7[%get3A_122, %get3A_123] : memref<1x1024xf32, #tpu.memory_space<vmem>>, vector<1x1024xf32>
    %mul3A_125 = arith.constant 1.000000e-01 : f32
    %mul3A_126 = vector.broadcast %mul3A_125 : f32 to vector<1x1024xf32>
    %mul3A_127 = arith.mulf %slice3A_118, %mul3A_126 : vector<1x1024xf32>
    %mul3A_128 = arith.constant 1.000000e-01 : f32
    %mul3A_129 = vector.broadcast %mul3A_128 : f32 to vector<1x1024xf32>
    %mul3A_130 = arith.mulf %slice3A_119, %mul3A_129 : vector<1x1024xf32>
    %mul3A_131 = arith.constant 2.000000e-01 : f32
    %mul3A_132 = vector.broadcast %mul3A_131 : f32 to vector<1x1024xf32>
    %mul3A_133 = arith.mulf %slice3A_120, %mul3A_132 : vector<1x1024xf32>
    %jit3A_134 = arith.constant -4.13516665 : f32
    %jit3A_135 = arith.constant 4.13516665 : f32
    %max3A_136 = vector.broadcast %jit3A_134 : f32 to vector<1x1024xf32>
    %max3A_137 = arith.maximumf %max3A_136, %mul3A_133 : vector<1x1024xf32>
    %min3A_138 = vector.broadcast %jit3A_135 : f32 to vector<1x1024xf32>
    %min3A_139 = arith.minimumf %min3A_138, %max3A_137 : vector<1x1024xf32>
    %mul3A_140 = arith.constant 2.000000e-01 : f32
    %mul3A_141 = vector.broadcast %mul3A_140 : f32 to vector<1x1024xf32>
    %mul3A_142 = arith.mulf %slice3A_121, %mul3A_141 : vector<1x1024xf32>
    %jit3A_143 = arith.constant -4.13516665 : f32
    %jit3A_144 = arith.constant 4.13516665 : f32
    %max3A_145 = vector.broadcast %jit3A_143 : f32 to vector<1x1024xf32>
    %max3A_146 = arith.maximumf %max3A_145, %mul3A_142 : vector<1x1024xf32>
    %min3A_147 = vector.broadcast %jit3A_144 : f32 to vector<1x1024xf32>
    %min3A_148 = arith.minimumf %min3A_147, %max3A_146 : vector<1x1024xf32>
    %sub3A_149 = arith.subf %slice3A_116, %slice3A_114 : vector<1x1024xf32>
    %sub3A_150 = arith.subf %slice3A_117, %slice3A_115 : vector<1x1024xf32>
    %add3A_151 = arith.addf %slice3A_114, %slice3A_116 : vector<1x1024xf32>
    %mul3A_152 = arith.constant 5.000000e-01 : f32
    %mul3A_153 = vector.broadcast %mul3A_152 : f32 to vector<1x1024xf32>
    %mul3A_154 = arith.mulf %add3A_151, %mul3A_153 : vector<1x1024xf32>
    %add3A_155 = arith.addf %slice3A_115, %slice3A_117 : vector<1x1024xf32>
    %mul3A_156 = arith.constant 5.000000e-01 : f32
    %mul3A_157 = vector.broadcast %mul3A_156 : f32 to vector<1x1024xf32>
    %mul3A_158 = arith.mulf %add3A_155, %mul3A_157 : vector<1x1024xf32>
    %exp3A_159 = math.exp %min3A_139 : vector<1x1024xf32>
    %mul3A_160 = arith.mulf %sub3A_149, %exp3A_159 : vector<1x1024xf32>
    %exp3A_161 = math.exp %min3A_148 : vector<1x1024xf32>
    %mul3A_162 = arith.mulf %sub3A_150, %exp3A_161 : vector<1x1024xf32>
    %mul3A_163 = arith.mulf %sub3A_149, %mul3A_127 : vector<1x1024xf32>
    %add3A_164 = arith.addf %mul3A_154, %mul3A_163 : vector<1x1024xf32>
    %mul3A_165 = arith.mulf %sub3A_150, %mul3A_130 : vector<1x1024xf32>
    %add3A_166 = arith.addf %mul3A_158, %mul3A_165 : vector<1x1024xf32>
    %mul3A_167 = arith.constant 5.000000e-01 : f32
    %mul3A_168 = vector.broadcast %mul3A_167 : f32 to vector<1x1024xf32>
    %mul3A_169 = arith.mulf %mul3A_160, %mul3A_168 : vector<1x1024xf32>
    %sub3A_170 = arith.subf %add3A_164, %mul3A_169 : vector<1x1024xf32>
    %jit3A_171 = arith.constant 0.000000e+00 : f32
    %max3A_172 = vector.broadcast %jit3A_171 : f32 to vector<1x1024xf32>
    %max3A_173 = arith.maximumf %max3A_172, %sub3A_170 : vector<1x1024xf32>
    %min3A_174 = vector.broadcast %get3A_2 : f32 to vector<1x1024xf32>
    %min3A_175 = arith.minimumf %min3A_174, %max3A_173 : vector<1x1024xf32>
    %mul3A_176 = arith.constant 5.000000e-01 : f32
    %mul3A_177 = vector.broadcast %mul3A_176 : f32 to vector<1x1024xf32>
    %mul3A_178 = arith.mulf %mul3A_162, %mul3A_177 : vector<1x1024xf32>
    %sub3A_179 = arith.subf %add3A_166, %mul3A_178 : vector<1x1024xf32>
    %jit3A_180 = arith.constant 0.000000e+00 : f32
    %max3A_181 = vector.broadcast %jit3A_180 : f32 to vector<1x1024xf32>
    %max3A_182 = arith.maximumf %max3A_181, %sub3A_179 : vector<1x1024xf32>
    %min3A_183 = vector.broadcast %get3A_0 : f32 to vector<1x1024xf32>
    %min3A_184 = arith.minimumf %min3A_183, %max3A_182 : vector<1x1024xf32>
    %mul3A_185 = arith.constant 5.000000e-01 : f32
    %mul3A_186 = vector.broadcast %mul3A_185 : f32 to vector<1x1024xf32>
    %mul3A_187 = arith.mulf %mul3A_160, %mul3A_186 : vector<1x1024xf32>
    %add3A_188 = arith.addf %add3A_164, %mul3A_187 : vector<1x1024xf32>
    %jit3A_189 = arith.constant 0.000000e+00 : f32
    %max3A_190 = vector.broadcast %jit3A_189 : f32 to vector<1x1024xf32>
    %max3A_191 = arith.maximumf %max3A_190, %add3A_188 : vector<1x1024xf32>
    %min3A_192 = vector.broadcast %get3A_2 : f32 to vector<1x1024xf32>
    %min3A_193 = arith.minimumf %min3A_192, %max3A_191 : vector<1x1024xf32>
    %mul3A_194 = arith.constant 5.000000e-01 : f32
    %mul3A_195 = vector.broadcast %mul3A_194 : f32 to vector<1x1024xf32>
    %mul3A_196 = arith.mulf %mul3A_162, %mul3A_195 : vector<1x1024xf32>
    %add3A_197 = arith.addf %add3A_166, %mul3A_196 : vector<1x1024xf32>
    %jit3A_198 = arith.constant 0.000000e+00 : f32
    %max3A_199 = vector.broadcast %jit3A_198 : f32 to vector<1x1024xf32>
    %max3A_200 = arith.maximumf %max3A_199, %add3A_197 : vector<1x1024xf32>
    %min3A_201 = vector.broadcast %get3A_0 : f32 to vector<1x1024xf32>
    %min3A_202 = arith.minimumf %min3A_201, %max3A_200 : vector<1x1024xf32>
    %mul3A_203 = arith.constant 4.096000e+03 : f32
    %mul3A_204 = vector.broadcast %mul3A_203 : f32 to vector<1x1024xf32>
    %mul3A_205 = arith.mulf %get3A_124, %mul3A_204 : vector<1x1024xf32>
    %add3A_206 = arith.addf %min3A_175, %mul3A_205 : vector<1x1024xf32>
    %add3A_207 = arith.addf %min3A_184, %mul3A_205 : vector<1x1024xf32>
    %add3A_208 = arith.addf %min3A_193, %mul3A_205 : vector<1x1024xf32>
    %add3A_209 = arith.addf %min3A_202, %mul3A_205 : vector<1x1024xf32>
    %sub3A_210 = arith.subf %add3A_95, %add3A_93 : vector<128x1xf32>
    %max3A_211 = arith.constant 0.000000e+00 : f32
    %max3A_212 = vector.broadcast %max3A_211 : f32 to vector<128x1xf32>
    %max3A_213 = arith.maximumf %sub3A_210, %max3A_212 : vector<128x1xf32>
    %sub3A_214 = arith.subf %add3A_96, %add3A_94 : vector<128x1xf32>
    %max3A_215 = arith.constant 0.000000e+00 : f32
    %max3A_216 = vector.broadcast %max3A_215 : f32 to vector<128x1xf32>
    %max3A_217 = arith.maximumf %sub3A_214, %max3A_216 : vector<128x1xf32>
    %mul3A_218 = arith.mulf %max3A_213, %max3A_217 : vector<128x1xf32>
    %sub3A_219 = arith.subf %add3A_208, %add3A_206 : vector<1x1024xf32>
    %max3A_220 = arith.constant 0.000000e+00 : f32
    %max3A_221 = vector.broadcast %max3A_220 : f32 to vector<1x1024xf32>
    %max3A_222 = arith.maximumf %sub3A_219, %max3A_221 : vector<1x1024xf32>
    %sub3A_223 = arith.subf %add3A_209, %add3A_207 : vector<1x1024xf32>
    %max3A_224 = arith.constant 0.000000e+00 : f32
    %max3A_225 = vector.broadcast %max3A_224 : f32 to vector<1x1024xf32>
    %max3A_226 = arith.maximumf %sub3A_223, %max3A_225 : vector<1x1024xf32>
    %mul3A_227 = arith.mulf %max3A_222, %max3A_226 : vector<1x1024xf32>
    %max3A_228 = vector.broadcast %add3A_93 : vector<128x1xf32> to vector<128x1024xf32>
    %max3A_229 = vector.broadcast %add3A_206 : vector<1x1024xf32> to vector<128x1024xf32>
    %max3A_230 = arith.maximumf %max3A_228, %max3A_229 : vector<128x1024xf32>
    %max3A_231 = vector.broadcast %add3A_94 : vector<128x1xf32> to vector<128x1024xf32>
    %max3A_232 = vector.broadcast %add3A_207 : vector<1x1024xf32> to vector<128x1024xf32>
    %max3A_233 = arith.maximumf %max3A_231, %max3A_232 : vector<128x1024xf32>
    %min3A_234 = vector.broadcast %add3A_95 : vector<128x1xf32> to vector<128x1024xf32>
    %min3A_235 = vector.broadcast %add3A_208 : vector<1x1024xf32> to vector<128x1024xf32>
    %min3A_236 = arith.minimumf %min3A_234, %min3A_235 : vector<128x1024xf32>
    %min3A_237 = vector.broadcast %add3A_96 : vector<128x1xf32> to vector<128x1024xf32>
    %min3A_238 = vector.broadcast %add3A_209 : vector<1x1024xf32> to vector<128x1024xf32>
    %min3A_239 = arith.minimumf %min3A_237, %min3A_238 : vector<128x1024xf32>
    %sub3A_240 = arith.subf %min3A_236, %max3A_230 : vector<128x1024xf32>
    %max3A_241 = arith.constant 0.000000e+00 : f32
    %max3A_242 = vector.broadcast %max3A_241 : f32 to vector<128x1024xf32>
    %max3A_243 = arith.maximumf %sub3A_240, %max3A_242 : vector<128x1024xf32>
    %sub3A_244 = arith.subf %min3A_239, %max3A_233 : vector<128x1024xf32>
    %max3A_245 = arith.constant 0.000000e+00 : f32
    %max3A_246 = vector.broadcast %max3A_245 : f32 to vector<128x1024xf32>
    %max3A_247 = arith.maximumf %sub3A_244, %max3A_246 : vector<128x1024xf32>
    %mul3A_248 = arith.mulf %max3A_243, %max3A_247 : vector<128x1024xf32>
    %add3A_249 = vector.broadcast %mul3A_218 : vector<128x1xf32> to vector<128x1024xf32>
    %add3A_250 = vector.broadcast %mul3A_227 : vector<1x1024xf32> to vector<128x1024xf32>
    %add3A_251 = arith.addf %add3A_249, %add3A_250 : vector<128x1024xf32>
    %sub3A_252 = arith.subf %add3A_251, %mul3A_248 : vector<128x1024xf32>
    %add3A_253 = arith.constant 9.99999997E-7 : f32
    %add3A_254 = vector.broadcast %add3A_253 : f32 to vector<128x1024xf32>
    %add3A_255 = arith.addf %sub3A_252, %add3A_254 : vector<128x1024xf32>
    %div3A = arith.divf %mul3A_248, %add3A_255 : vector<128x1024xf32>
    %mul3A_256 = arith.constant 128 : i32
    %mul3A_257 = arith.muli %arg0, %mul3A_256 : i32
    %iota3A = tpu.iota {dimensions = array<i32: 0>} : vector<128x1024xi32>
    %add3A_258 = vector.broadcast %mul3A_257 : i32 to vector<128x1024xi32>
    %add3A_259 = arith.addi %add3A_258, %iota3A : vector<128x1024xi32>
    %iota3A_260 = tpu.iota {dimensions = array<i32: 1>} : vector<128x1024xi32>
    %gt3A = arith.constant 5.000000e-01 : f32
    %gt3A_261 = vector.broadcast %gt3A : f32 to vector<128x1024xf32>
    %gt3A_262 = arith.cmpf ogt, %div3A, %gt3A_261 : vector<128x1024xf32>
    %lt3A = arith.cmpi slt, %add3A_259, %iota3A_260 : vector<128x1024xi32>
    %and3A = arith.andi %gt3A_262, %lt3A : vector<128x1024xi1>
    %jit3A_263 = arith.constant 1.000000e+00 : f32
    %jit3A_264 = arith.constant 0.000000e+00 : f32
    %broadcast_in_dim3A = vector.broadcast %jit3A_263 : f32 to vector<128x1024xf32>
    %broadcast_in_dim3A_265 = vector.broadcast %jit3A_264 : f32 to vector<128x1024xf32>
    %select_n3A = arith.select %and3A, %broadcast_in_dim3A, %broadcast_in_dim3A_265 : vector<128x1024xi1>, vector<128x1024xf32>
    %swap3A_266 = arith.constant 0 : index
    %swap3A_267 = arith.constant 0 : index
    %swap3A_268 = vector.load %arg8[%swap3A_266, %swap3A_267] : memref<128x1024xf32, #tpu.memory_space<vmem>>, vector<128x1024xf32>
    tpu.vector_store %arg8[%swap3A_266, %swap3A_267], %select_n3A {strides = array<i32>} : memref<128x1024xf32, #tpu.memory_space<vmem>>, vector<128x1024xf32>,
    return
  }
  func.func @transform_0(%arg0: i32) -> i32 {
    %c0_i32 = arith.constant 0 : i32
    %c0_i32_0 = arith.constant 0 : i32
    return %c0_i32 : i32
  }
  func.func @transform_1(%arg0: i32) -> (i32, i32) {
    %c0_i32 = arith.constant 0 : i32
    %c0_i32_0 = arith.constant 0 : i32
    return %arg0, %c0_i32 : i32, i32
  }
  func.func @transform_2(%arg0: i32) -> (i32, i32) {
    %c0_i32 = arith.constant 0 : i32
    %c0_i32_0 = arith.constant 0 : i32
    return %arg0, %c0_i32 : i32, i32
  }
  func.func @transform_3(%arg0: i32) -> (i32, i32) {
    %c0_i32 = arith.constant 0 : i32
    %c0_i32_0 = arith.constant 0 : i32
    return %arg0, %c0_i32 : i32, i32
  }
  func.func @transform_4(%arg0: i32) -> (i32, i32) {
    %c0_i32 = arith.constant 0 : i32
    %c0_i32_0 = arith.constant 0 : i32
    %c0_i32_1 = arith.constant 0 : i32
    return %c0_i32, %c0_i32_0 : i32, i32
  }
  func.func @transform_5(%arg0: i32) -> (i32, i32) {
    %c0_i32 = arith.constant 0 : i32
    %c0_i32_0 = arith.constant 0 : i32
    %c0_i32_1 = arith.constant 0 : i32
    return %c0_i32, %c0_i32_0 : i32, i32
  }
  func.func @transform_6(%arg0: i32) -> (i32, i32) {
    %c0_i32 = arith.constant 0 : i32
    %c0_i32_0 = arith.constant 0 : i32
    %c0_i32_1 = arith.constant 0 : i32
    return %c0_i32, %c0_i32_0 : i32, i32
  }
  func.func @transform_7(%arg0: i32) -> (i32, i32) {
    %c0_i32 = arith.constant 0 : i32
    %c0_i32_0 = arith.constant 0 : i32
    return %arg0, %c0_i32 : i32, i32
  }
  func.func @transform_8(%arg0: i32) -> (i32, i32) {
    %c0_i32 = arith.constant 0 : i32
    %c0_i32_0 = arith.constant 0 : i32
    return %arg0, %c0_i32 : i32, i32
  }
}

module attributes {stable_mosaic.version = 14 : i64} {
  func.func @_nms_kernel(%arg0: memref<1024x1024xf32, #tpu.memory_space<vmem>>, %arg1: memref<1024x4xf32, #tpu.memory_space<vmem>>, %arg2: memref<1x1024xf32, #tpu.memory_space<vmem>>, %arg3: memref<1024x1xf32, #tpu.memory_space<vmem>>, %arg4: memref<1024x1xf32, #tpu.memory_space<vmem>>, %arg5: memref<128x1xf32, #tpu.memory_space<vmem>>, %arg6: memref<128x1xf32, #tpu.memory_space<vmem>>, %arg7: memref<128x1xf32, #tpu.memory_space<vmem>>, %arg8: memref<128x1xf32, #tpu.memory_space<vmem>>, %arg9: memref<128x1xf32, #tpu.memory_space<vmem>>, %arg10: memref<128x1xf32, #tpu.memory_space<vmem>>) attributes {dimension_semantics = [], scalar_prefetch = 0 : i64, scratch_operands = 0 : i64, tpu.core_type = #tpu.core_type<tc>} {
    %get3A = arith.constant 0 : index
    %get3A_0 = arith.constant 0 : index
    %get3A_1 = vector.load %arg1[%get3A, %get3A_0] : memref<1024x4xf32, #tpu.memory_space<vmem>>, vector<1024x4xf32>
    %get3A_2 = arith.constant 0 : index
    %get3A_3 = arith.constant 0 : index
    %get3A_4 = vector.load %arg2[%get3A_2, %get3A_3] : memref<1x1024xf32, #tpu.memory_space<vmem>>, vector<1x1024xf32>
    %get3A_5 = arith.constant 0 : index
    %get3A_6 = arith.constant 0 : index
    %get3A_7 = vector.load %arg3[%get3A_5, %get3A_6] : memref<1024x1xf32, #tpu.memory_space<vmem>>, vector<1024x1xf32>
    %get3A_8 = arith.constant 0 : index
    %get3A_9 = arith.constant 0 : index
    %get3A_10 = vector.load %arg4[%get3A_8, %get3A_9] : memref<1024x1xf32, #tpu.memory_space<vmem>>, vector<1024x1xf32>
    %iota3A = tpu.iota {dimensions = array<i32: 1>} : vector<1x1024xi32>
    %broadcast_in_dim3A = arith.constant 1.000000e+00 : f32
    %broadcast_in_dim3A_11 = vector.broadcast %broadcast_in_dim3A : f32 to vector<1x1024xf32>
    %scan3A = arith.constant 0 : i32
    %scan3A_12 = arith.constant 1000 : i32
    %scan3A_13 = arith.addi %scan3A, %scan3A_12 : i32
    %scan3A_14 = arith.constant 1 : i32
    %scan3A_15 = scf.for %scan3A_104 = %scan3A to %scan3A_13 step %scan3A_14 iter_args(%scan3A_105 = %broadcast_in_dim3A_11) -> (vector<1x1024xf32>)  : i32 {
      %eq3A_106 = vector.broadcast %scan3A_104 : i32 to vector<1x1024xi32>
      %eq3A_107 = arith.cmpi eq, %iota3A, %eq3A_106 : vector<1x1024xi32>
      %jit3A_108 = arith.constant 0.000000e+00 : f32
      %broadcast_in_dim3A_109 = vector.broadcast %jit3A_108 : f32 to vector<1x1024xf32>
      %select_n3A_110 = arith.select %eq3A_107, %scan3A_105, %broadcast_in_dim3A_109 : vector<1x1024xi1>, vector<1x1024xf32>
      %reduce_sum3A_111 = vector.shape_cast %select_n3A_110 : vector<1x1024xf32> to vector<1x1x1024xf32>
      %reduce_sum3A_112 = arith.constant dense<0.000000e+00> : vector<1xf32>
      %reduce_sum3A_113 = vector.multi_reduction <add>, %reduce_sum3A_111, %reduce_sum3A_112 [1, 2] : vector<1x1x1024xf32> to vector<1xf32>
      %reduce_sum3A_114 = vector.shape_cast %reduce_sum3A_113 : vector<1xf32> to vector<1x1x1xf32>
      %reduce_sum3A_115 = vector.extract %reduce_sum3A_114[0, 0, 0] : f32 from vector<1x1x1xf32>
      %get3A_116 = arith.index_cast %scan3A_104 : i32 to index
      %get3A_117 = arith.constant 0 : index
      %get3A_118 = vector.load %arg0[%get3A_116, %get3A_117] : memref<1024x1024xf32, #tpu.memory_space<vmem>>, vector<1x1024xf32>
      %mul3A_119 = vector.broadcast %reduce_sum3A_115 : f32 to vector<1x1024xf32>
      %mul3A_120 = arith.mulf %get3A_118, %mul3A_119 : vector<1x1024xf32>
      %sub3A_121 = arith.constant 1.000000e+00 : f32
      %sub3A_122 = vector.broadcast %sub3A_121 : f32 to vector<1x1024xf32>
      %sub3A_123 = arith.subf %sub3A_122, %mul3A_120 : vector<1x1024xf32>
      %mul3A_124 = arith.mulf %scan3A_105, %sub3A_123 : vector<1x1024xf32>
      scf.yield %mul3A_124 : vector<1x1024xf32>
    }
    %scan3A_16 = arith.constant 1000 : i32
    %gt3A = arith.constant 5.000000e-02 : f32
    %gt3A_17 = vector.broadcast %gt3A : f32 to vector<1x1024xf32>
    %gt3A_18 = arith.cmpf ogt, %get3A_4, %gt3A_17 : vector<1x1024xf32>
    %lt3A = arith.constant 1000 : i32
    %lt3A_19 = vector.broadcast %lt3A : i32 to vector<1x1024xi32>
    %lt3A_20 = arith.cmpi slt, %iota3A, %lt3A_19 : vector<1x1024xi32>
    %and3A = arith.andi %gt3A_18, %lt3A_20 : vector<1x1024xi1>
    %jit3A = arith.constant 1.000000e+00 : f32
    %jit3A_21 = arith.constant 0.000000e+00 : f32
    %broadcast_in_dim3A_22 = vector.broadcast %jit3A : f32 to vector<1x1024xf32>
    %broadcast_in_dim3A_23 = vector.broadcast %jit3A_21 : f32 to vector<1x1024xf32>
    %select_n3A = arith.select %and3A, %broadcast_in_dim3A_22, %broadcast_in_dim3A_23 : vector<1x1024xi1>, vector<1x1024xf32>
    %mul3A = arith.mulf %scan3A_15, %select_n3A : vector<1x1024xf32>
    %iota3A_24 = tpu.iota {dimensions = array<i32: 0>} : vector<1024x1024xi32>
    %iota3A_25 = tpu.iota {dimensions = array<i32: 1>} : vector<1024x1024xi32>
    %le3A = arith.cmpi sle, %iota3A_24, %iota3A_25 : vector<1024x1024xi32>
    %jit3A_26 = arith.constant 1.000000e+00 : f32
    %jit3A_27 = arith.constant 0.000000e+00 : f32
    %broadcast_in_dim3A_28 = vector.broadcast %jit3A_26 : f32 to vector<1024x1024xf32>
    %broadcast_in_dim3A_29 = vector.broadcast %jit3A_27 : f32 to vector<1024x1024xf32>
    %select_n3A_30 = arith.select %le3A, %broadcast_in_dim3A_28, %broadcast_in_dim3A_29 : vector<1024x1024xi1>, vector<1024x1024xf32>
    %eq3A = arith.cmpi eq, %iota3A_24, %iota3A_25 : vector<1024x1024xi32>
    %jit3A_31 = arith.constant 1.000000e+00 : f32
    %jit3A_32 = arith.constant 0.000000e+00 : f32
    %broadcast_in_dim3A_33 = vector.broadcast %jit3A_31 : f32 to vector<1024x1024xf32>
    %broadcast_in_dim3A_34 = vector.broadcast %jit3A_32 : f32 to vector<1024x1024xf32>
    %select_n3A_35 = arith.select %eq3A, %broadcast_in_dim3A_33, %broadcast_in_dim3A_34 : vector<1024x1024xi1>, vector<1024x1024xf32>
    %dot_general3A = arith.constant dense<0.000000e+00> : vector<1x1024xf32>
    %dot_general3A_36 = tpu.matmul %mul3A, %select_n3A_30, %dot_general3A {dimension_numbers = #tpu.dot_dimension_numbers<[1], [0], [0], [1], [0, 0, 1, 1], [], []>, precision = #tpu.contract_precision<fp32>, transpose_lhs_hint = false} : vector<1x1024xf32>, vector<1024x1024xf32>, vector<1x1024xf32> -> vector<1x1024xf32>
    %sub3A = arith.constant 1.000000e+00 : f32
    %sub3A_37 = vector.broadcast %sub3A : f32 to vector<1x1024xf32>
    %sub3A_38 = arith.subf %sub3A_37, %mul3A : vector<1x1024xf32>
    %dot_general3A_39 = arith.constant dense<0.000000e+00> : vector<1x1024xf32>
    %dot_general3A_40 = tpu.matmul %sub3A_38, %select_n3A_30, %dot_general3A_39 {dimension_numbers = #tpu.dot_dimension_numbers<[1], [0], [0], [1], [0, 0, 1, 1], [], []>, precision = #tpu.contract_precision<fp32>, transpose_lhs_hint = false} : vector<1x1024xf32>, vector<1024x1024xf32>, vector<1x1024xf32> -> vector<1x1024xf32>
    %reduce_sum3A = vector.shape_cast %mul3A : vector<1x1024xf32> to vector<1x1x1024xf32>
    %reduce_sum3A_41 = arith.constant dense<0.000000e+00> : vector<1xf32>
    %reduce_sum3A_42 = vector.multi_reduction <add>, %reduce_sum3A, %reduce_sum3A_41 [1, 2] : vector<1x1x1024xf32> to vector<1xf32>
    %reduce_sum3A_43 = vector.shape_cast %reduce_sum3A_42 : vector<1xf32> to vector<1x1x1xf32>
    %reduce_sum3A_44 = vector.extract %reduce_sum3A_43[0, 0, 0] : f32 from vector<1x1x1xf32>
    %gt3A_45 = arith.constant 0.000000e+00 : f32
    %gt3A_46 = vector.broadcast %gt3A_45 : f32 to vector<1x1024xf32>
    %gt3A_47 = arith.cmpf ogt, %mul3A, %gt3A_46 : vector<1x1024xf32>
    %sub3A_48 = arith.constant 1.000000e+00 : f32
    %sub3A_49 = vector.broadcast %sub3A_48 : f32 to vector<1x1024xf32>
    %sub3A_50 = arith.subf %dot_general3A_36, %sub3A_49 : vector<1x1024xf32>
    %add3A = vector.broadcast %reduce_sum3A_44 : f32 to vector<1x1024xf32>
    %add3A_51 = arith.addf %add3A, %dot_general3A_40 : vector<1x1024xf32>
    %sub3A_52 = arith.constant 1.000000e+00 : f32
    %sub3A_53 = vector.broadcast %sub3A_52 : f32 to vector<1x1024xf32>
    %sub3A_54 = arith.subf %add3A_51, %sub3A_53 : vector<1x1024xf32>
    %select_n3A_55 = arith.select %gt3A_47, %sub3A_50, %sub3A_54 : vector<1x1024xi1>, vector<1x1024xf32>
    %dot_general3A_56 = arith.constant dense<0.000000e+00> : vector<1024x1xf32>
    %dot_general3A_57 = tpu.matmul %select_n3A_35, %mul3A, %dot_general3A_56 {dimension_numbers = #tpu.dot_dimension_numbers<[1], [1], [0], [0], [0, 0, 1, 0], [], []>, precision = #tpu.contract_precision<fp32>, transpose_lhs_hint = false} : vector<1024x1024xf32>, vector<1x1024xf32>, vector<1024x1xf32> -> vector<1024x1xf32>
    %iota3A_58 = tpu.iota {dimensions = array<i32: 0>} : vector<128x1024xi32>
    %convert_element_type3A = arith.sitofp %iota3A_58 : vector<128x1024xi32> to vector<128x1024xf32>
    %eq3A_59 = vector.broadcast %select_n3A_55 : vector<1x1024xf32> to vector<128x1024xf32>
    %eq3A_60 = arith.cmpf oeq, %convert_element_type3A, %eq3A_59 : vector<128x1024xf32>
    %jit3A_61 = arith.constant 1.000000e+00 : f32
    %jit3A_62 = arith.constant 0.000000e+00 : f32
    %broadcast_in_dim3A_63 = vector.broadcast %jit3A_61 : f32 to vector<128x1024xf32>
    %broadcast_in_dim3A_64 = vector.broadcast %jit3A_62 : f32 to vector<128x1024xf32>
    %select_n3A_65 = arith.select %eq3A_60, %broadcast_in_dim3A_63, %broadcast_in_dim3A_64 : vector<128x1024xi1>, vector<128x1024xf32>
    %slice3A = vector.extract_strided_slice %get3A_1 {offsets = [0, 0], sizes = [1024, 1], strides = [1, 1]} : vector<1024x4xf32> to vector<1024x1xf32>
    %dot_general3A_66 = arith.constant dense<0.000000e+00> : vector<128x1xf32>
    %dot_general3A_67 = tpu.matmul %select_n3A_65, %slice3A, %dot_general3A_66 {dimension_numbers = #tpu.dot_dimension_numbers<[1], [0], [0], [1], [0, 0, 1, 1], [], []>, precision = #tpu.contract_precision<fp32>, transpose_lhs_hint = false} : vector<128x1024xf32>, vector<1024x1xf32>, vector<128x1xf32> -> vector<128x1xf32>
    %swap3A = arith.constant 0 : index
    %swap3A_68 = arith.constant 0 : index
    %swap3A_69 = vector.load %arg5[%swap3A, %swap3A_68] : memref<128x1xf32, #tpu.memory_space<vmem>>, vector<128x1xf32>
    tpu.vector_store %arg5[%swap3A, %swap3A_68], %dot_general3A_67 {strides = array<i32>} : memref<128x1xf32, #tpu.memory_space<vmem>>, vector<128x1xf32>,
    %slice3A_70 = vector.extract_strided_slice %get3A_1 {offsets = [0, 1], sizes = [1024, 1], strides = [1, 1]} : vector<1024x4xf32> to vector<1024x1xf32>
    %dot_general3A_71 = arith.constant dense<0.000000e+00> : vector<128x1xf32>
    %dot_general3A_72 = tpu.matmul %select_n3A_65, %slice3A_70, %dot_general3A_71 {dimension_numbers = #tpu.dot_dimension_numbers<[1], [0], [0], [1], [0, 0, 1, 1], [], []>, precision = #tpu.contract_precision<fp32>, transpose_lhs_hint = false} : vector<128x1024xf32>, vector<1024x1xf32>, vector<128x1xf32> -> vector<128x1xf32>
    %swap3A_73 = arith.constant 0 : index
    %swap3A_74 = arith.constant 0 : index
    %swap3A_75 = vector.load %arg6[%swap3A_73, %swap3A_74] : memref<128x1xf32, #tpu.memory_space<vmem>>, vector<128x1xf32>
    tpu.vector_store %arg6[%swap3A_73, %swap3A_74], %dot_general3A_72 {strides = array<i32>} : memref<128x1xf32, #tpu.memory_space<vmem>>, vector<128x1xf32>,
    %slice3A_76 = vector.extract_strided_slice %get3A_1 {offsets = [0, 2], sizes = [1024, 1], strides = [1, 1]} : vector<1024x4xf32> to vector<1024x1xf32>
    %dot_general3A_77 = arith.constant dense<0.000000e+00> : vector<128x1xf32>
    %dot_general3A_78 = tpu.matmul %select_n3A_65, %slice3A_76, %dot_general3A_77 {dimension_numbers = #tpu.dot_dimension_numbers<[1], [0], [0], [1], [0, 0, 1, 1], [], []>, precision = #tpu.contract_precision<fp32>, transpose_lhs_hint = false} : vector<128x1024xf32>, vector<1024x1xf32>, vector<128x1xf32> -> vector<128x1xf32>
    %swap3A_79 = arith.constant 0 : index
    %swap3A_80 = arith.constant 0 : index
    %swap3A_81 = vector.load %arg7[%swap3A_79, %swap3A_80] : memref<128x1xf32, #tpu.memory_space<vmem>>, vector<128x1xf32>
    tpu.vector_store %arg7[%swap3A_79, %swap3A_80], %dot_general3A_78 {strides = array<i32>} : memref<128x1xf32, #tpu.memory_space<vmem>>, vector<128x1xf32>,
    %slice3A_82 = vector.extract_strided_slice %get3A_1 {offsets = [0, 3], sizes = [1024, 1], strides = [1, 1]} : vector<1024x4xf32> to vector<1024x1xf32>
    %dot_general3A_83 = arith.constant dense<0.000000e+00> : vector<128x1xf32>
    %dot_general3A_84 = tpu.matmul %select_n3A_65, %slice3A_82, %dot_general3A_83 {dimension_numbers = #tpu.dot_dimension_numbers<[1], [0], [0], [1], [0, 0, 1, 1], [], []>, precision = #tpu.contract_precision<fp32>, transpose_lhs_hint = false} : vector<128x1024xf32>, vector<1024x1xf32>, vector<128x1xf32> -> vector<128x1xf32>
    %swap3A_85 = arith.constant 0 : index
    %swap3A_86 = arith.constant 0 : index
    %swap3A_87 = vector.load %arg8[%swap3A_85, %swap3A_86] : memref<128x1xf32, #tpu.memory_space<vmem>>, vector<128x1xf32>
    tpu.vector_store %arg8[%swap3A_85, %swap3A_86], %dot_general3A_84 {strides = array<i32>} : memref<128x1xf32, #tpu.memory_space<vmem>>, vector<128x1xf32>,
    %gt3A_88 = arith.constant 0.000000e+00 : f32
    %gt3A_89 = vector.broadcast %gt3A_88 : f32 to vector<1024x1xf32>
    %gt3A_90 = arith.cmpf ogt, %dot_general3A_57, %gt3A_89 : vector<1024x1xf32>
    %jit3A_91 = arith.constant 0.000000e+00 : f32
    %broadcast_in_dim3A_92 = vector.broadcast %jit3A_91 : f32 to vector<1024x1xf32>
    %select_n3A_93 = arith.select %gt3A_90, %get3A_7, %broadcast_in_dim3A_92 : vector<1024x1xi1>, vector<1024x1xf32>
    %dot_general3A_94 = arith.constant dense<0.000000e+00> : vector<128x1xf32>
    %dot_general3A_95 = tpu.matmul %select_n3A_65, %select_n3A_93, %dot_general3A_94 {dimension_numbers = #tpu.dot_dimension_numbers<[1], [0], [0], [1], [0, 0, 1, 1], [], []>, precision = #tpu.contract_precision<fp32>, transpose_lhs_hint = false} : vector<128x1024xf32>, vector<1024x1xf32>, vector<128x1xf32> -> vector<128x1xf32>
    %swap3A_96 = arith.constant 0 : index
    %swap3A_97 = arith.constant 0 : index
    %swap3A_98 = vector.load %arg9[%swap3A_96, %swap3A_97] : memref<128x1xf32, #tpu.memory_space<vmem>>, vector<128x1xf32>
    tpu.vector_store %arg9[%swap3A_96, %swap3A_97], %dot_general3A_95 {strides = array<i32>} : memref<128x1xf32, #tpu.memory_space<vmem>>, vector<128x1xf32>,
    %dot_general3A_99 = arith.constant dense<0.000000e+00> : vector<128x1xf32>
    %dot_general3A_100 = tpu.matmul %select_n3A_65, %get3A_10, %dot_general3A_99 {dimension_numbers = #tpu.dot_dimension_numbers<[1], [0], [0], [1], [0, 0, 1, 1], [], []>, precision = #tpu.contract_precision<fp32>, transpose_lhs_hint = false} : vector<128x1024xf32>, vector<1024x1xf32>, vector<128x1xf32> -> vector<128x1xf32>
    %swap3A_101 = arith.constant 0 : index
    %swap3A_102 = arith.constant 0 : index
    %swap3A_103 = vector.load %arg10[%swap3A_101, %swap3A_102] : memref<128x1xf32, #tpu.memory_space<vmem>>, vector<128x1xf32>
    tpu.vector_store %arg10[%swap3A_101, %swap3A_102], %dot_general3A_100 {strides = array<i32>} : memref<128x1xf32, #tpu.memory_space<vmem>>, vector<128x1xf32>,
    return
  }
}

</mosaic_0001>

<sc_bundles>
// kernel: _kernel_impl.12.cloned.1.call-start
scs
__scs_entry_jumppad:
0x0: {  	(pc) =	sbr.rel $0x88, $3  }
0x1: {  	(tag) =	ssettag $0x0;
	lr =	simm.s32 $0x1  }
0x2: {  	[smem:$0x3F9C] =	sst lr;
	_ =	strace $0xD0000000  }
0x3: {  	_ = 	snop  }
0x4: {  	_ = 	snop  }
0x5: {  	_ = 	snop  }
0x6: {  	_ = 	snop  }
0x7: {  	_ = 	snop  }
__scs_overlays_trampoline_lowered:
0x8: {  	[smem:$0x3FAB] =	sst s0  }
0x9: {  	[smem:$0x3FAC] =	sst s1  }
0xa: {  	[smem:$0x3FAD] =	sst s2  }
0xb: {  	[smem:$0x3FAE] =	sst s3  }
0xc: {  	[smem:$0x3FAF] =	sst s4  }
0xd: {  	[smem:$0x3FB0] =	sst s5  }
0xe: {  	[smem:$0x3FB1] =	sst s6  }
0xf: {  	[smem:$0x3FB2] =	sst s7  }
0x10: {  	[smem:$0x3FB3] =	sst s8  }
0x11: {  	[smem:$0x3FB4] =	sst s9;
	s0 =	simm.s32 @!p0 $0x0  }
0x12: {  	s1 =	sld [smem:$0x3F9A];
	s0 =	simm.s32 @p0 $0x1  }
0x13: {  	[smem:$0x3FB5] =	sst s0;
	s0 =	simm.s32 @!p1 $0x0  }
0x14: {  	s2 =	sld [smem:$0x3F99];
	s0 =	simm.s32 @p1 $0x1  }
0x15: {  	[smem:$0x3FB6] =	sst s0;
	s0 =	simm.s32 @!p2 $0x0  }
0x16: {  	s3 =	sld [smem:$0x3FDB];
	s0 =	simm.s32 @p2 $0x1  }
0x17: {  	s4 =	simm.s32 $0x1BF5;
	[smem:$0x3FB8] =	sst s0  }
0x18: {  	s0 =	sld [smem:$0x3F9B];
	_ =	swait.ge [sflag:s4], $0x0  }
0x19: {  	s7 =	sld [smem:$0x3F9C]  }
0x1a: {  	s8 =	sadd.s32 $0xFFFFE003, lr  }
0x1b: {  	s9 =	sadd.s32 $0xFFFFFEF7, lr;
	s5 =	simm.s32 $0xFFFFFFFF;
	p2 =	slt.u32 s8, $0xFFFFF086  }
0x1c: {  	p1 =	slt.u32 s9, $0xF7A;
	s5 =	simm.s32 @!p2 $0x0  }
0x1d: {  	s5 =	simm.s32 @p1 $0x1;
	p0 =	seq.s32 s7, s2  }
0x1e: {  	s7 =	smul.u32 @!p0 $0xF7A, s2;
	p2 =	seq.s32 @!p0 s5, $0x0  }
0x1f: {  	s9 =	smul.u32 $0xF7A, s1;
	s8 =	simm.s32 @!p0 $0x1BF5;
	p2 =	por !p2, p0  }
0x20: {  	[sflag:s8] =	ssyncset.s32 @!p0 $0xFFFFF086;
	s6 =	sadd.s32 @!p0 s3, s7;
	s7 =	simm.s32 @!p0 $0x108  }
0x21: {  	s3 =	sadd.s32 s3, s9;
	s6 =	sadd.s32 @!p0 $0x88, s6;
	s7 =	simm.s32 @p2 $0x1082  }
0x22: {  	[simem:s7], [sflag:s8] =	dma.local @!p0 [hbm:s6], $0xF7A  }
0x23: {  	s9 =	sor.u32 $0xD0000000, s2;
	s6 =	simm.s32 $0x108;
	_ =	swait.ge @!p0 [sflag:s8], $0x0  }
0x24: {  	s3 =	sadd.s32 $0x88, s3;
	s6 =	simm.s32 @!p1 $0x1082;
	[sflag:s4] =	ssyncset.s32 $0xFFFFF086  }
0x25: {  	[simem:s6], [sflag:s4] =	dma.local [hbm:s3], $0xF7A  }
0x26: {  	[smem:$0x3F9C] =	sst s1;
	(tag) =	ssettag s2;
	_ =	strace s9  }
0x27: {  	s1 =	sld [smem:$0x3FAC]  }
0x28: {  	s2 =	sld [smem:$0x3FAD]  }
0x29: {  	s4 =	sld [smem:$0x3FAF]  }
0x2a: {  	p0 =	seq.s32 s5, $0x0;
	s5 =	sld [smem:$0x3FB0]  }
0x2b: {  	s6 =	sld [smem:$0x3FB1]  }
0x2c: {  	s7 =	sld [smem:$0x3FB2]  }
0x2d: {  	s3 =	simm.s32 $0x108;
	s8 =	sld [smem:$0x3FB3]  }
0x2e: {  	s3 =	simm.s32 @!p0 $0x1082;
	s9 =	sld [smem:$0x3FB4]  }
0x2f: {  	lr =	sadd.s32 s0, s3;
	s0 =	sld [smem:$0x3FAB]  }
0x30: {  	s3 =	sld [smem:$0x3FAE]  }
0x31: {  	[smem:$0x3FB7] =	sst s10  }
0x32: {  	s10 =	sld [smem:$0x3FB5];
	_ =	sdelay $0x3  }
0x33: {  	p0 =	seq.s32 s10, $0x1;
	s10 =	sld [smem:$0x3FB7];
	_ =	sdelay $0x3  }
0x34: {  	[smem:$0x3FB7] =	sst s10  }
0x35: {  	s10 =	sld [smem:$0x3FB6];
	_ =	sdelay $0x3  }
0x36: {  	p1 =	seq.s32 s10, $0x1;
	s10 =	sld [smem:$0x3FB7];
	_ =	sdelay $0x3  }
0x37: {  	[smem:$0x3FB7] =	sst s10  }
0x38: {  	s10 =	sld [smem:$0x3FB8]  }
0x39: {  	_ = 	snop;
	(pc) =	sbr.ind lr, $3  }
0x3a: {  	_ = 	snop  }
0x3b: {  	_ = 	snop  }
0x3c: {  	p2 =	seq.s32 s10, $0x1;
	s10 =	sld [smem:$0x3FB7]  }
0x3d: {  	_ =	shalt  }
0x3e: {  	_ =	shalt  }
0x3f: {  	_ =	shalt  }
0x40: {  	_ =	shalt  }
0x41: {  	_ =	shalt  }
0x42: {  	_ =	shalt  }
0x43: {  	_ =	shalt  }
0x44: {  	_ =	shalt  }
0x45: {  	_ =	shalt  }
0x46: {  	_ =	shalt  }
0x47: {  	_ =	shalt  }
0x48: {  	_ =	shalt  }
0x49: {  	_ =	shalt  }
0x4a: {  	_ =	shalt  }
0x4b: {  	_ =	shalt  }
0x4c: {  	_ =	shalt  }
0x4d: {  	_ =	shalt  }
0x4e: {  	_ =	shalt  }
0x4f: {  	_ =	shalt  }
0x50: {  	_ =	shalt  }
0x51: {  	_ =	shalt  }
0x52: {  	_ =	shalt  }
0x53: {  	_ =	shalt  }
0x54: {  	_ =	shalt  }
0x55: {  	_ =	shalt  }
0x56: {  	_ =	shalt  }
0x57: {  	_ =	shalt  }
0x58: {  	_ =	shalt  }
0x59: {  	_ =	shalt  }
0x5a: {  	_ =	shalt  }
0x5b: {  	_ =	shalt  }
0x5c: {  	_ =	shalt  }
0x5d: {  	_ =	shalt  }
0x5e: {  	_ =	shalt  }
0x5f: {  	_ =	shalt  }
0x60: {  	_ =	shalt  }
0x61: {  	_ =	shalt  }
0x62: {  	_ =	shalt  }
0x63: {  	_ =	shalt  }
0x64: {  	_ =	shalt  }
0x65: {  	_ =	shalt  }
0x66: {  	_ =	shalt  }
0x67: {  	_ =	shalt  }
0x68: {  	_ =	shalt  }
0x69: {  	_ =	shalt  }
0x6a: {  	_ =	shalt  }
0x6b: {  	_ =	shalt  }
0x6c: {  	_ =	shalt  }
0x6d: {  	_ =	shalt  }
0x6e: {  	_ =	shalt  }
0x6f: {  	_ =	shalt  }
0x70: {  	_ =	shalt  }
0x71: {  	_ =	shalt  }
0x72: {  	_ =	shalt  }
0x73: {  	_ =	shalt  }
0x74: {  	_ =	shalt  }
0x75: {  	_ =	shalt  }
0x76: {  	_ =	shalt  }
0x77: {  	_ =	shalt  }
0x78: {  	_ =	shalt  }
0x79: {  	_ =	shalt  }
0x7a: {  	_ =	shalt  }
0x7b: {  	_ =	shalt  }
0x7c: {  	_ =	shalt  }
0x7d: {  	_ =	shalt  }
0x7e: {  	_ =	shalt  }
0x7f: {  	_ =	shalt  }
0x80: {  	_ =	shalt  }
0x81: {  	_ =	shalt  }
0x82: {  	_ =	shalt  }
0x83: {  	_ =	shalt  }
0x84: {  	_ =	shalt  }
0x85: {  	_ =	shalt  }
0x86: {  	_ =	shalt  }
0x87: {  	_ =	shalt  }
.Lfunc_end0:
.L_simem_size_0:
called_computation_lowered:
.L_overlay_start_0:
0x88: {  	s2 =	sld [smem:$0x3FD9]  }
0x89: {  	s3 =	sld [smem:$0x3FFE];
	_ =	sdelay $0x1  }
0x8a: {  	s1 =	srdreg.scid  }
0x8b: {  	s0 =	sand.u32 $0x1, s1  }
0x8c: {  	s16 =	sshll.u32 s0, $0xA;
	s2 =	sadd.s32 s3, s2  }
0x8d: {  	s2 =	sadd.s32 s2, s16  }
0x8e: {  	[smem:$0x3FC3] =	sst s2  }
0x8f: {  	_ = 	snop  }
0x90: {  	(tm) =	ssettm $0x1  }
0x91: {  	s17 =	sld [smem:$0x3FFB];
	_ =	sdelay $0x3  }
0x92: {  	_ =	strace s17  }
0x93: {  	s2 =	sld [smem:$0x3FFC];
	_ =	sdelay $0x3  }
0x94: {  	_ =	strace s2  }
0x95: {  	s2 =	sld [smem:$0x3FFD];
	_ =	sdelay $0x3  }
0x96: {  	_ =	strace s2  }
0x97: {  	_ =	strace $0x8FFFFFFF  }
0x98: {  	s18 =	sld [smem:$0x3FDB];
	_ =	sdelay $0x1  }
0x99: {  	s19 =	simm.s32 $_scs_section_size  }
0x9a: {  	s4 =	simm.s32 $_size__tile_overlayer_lowered;
	s5 =	simm.s32 $_tile_overlayer_lowered  }
0x9b: {  	s22 =	simm.s32 $0x1BFF;
	s21 =	sshll.u32 s5, $0x1;
	s2 =	sadd.s32 s19, s18  }
0x9c: {  	s6 =	simm.s32 $0x0;
	s20 =	sshll.u32 s4, $0x1;
	s4 =	sadd.s32 s21, s2  }
0x9d: {  	[timem:s6], [sflag:s22] =	dma.local [hbm:s4], s20  }
0x9e: {  	_ =	swait.ge [sflag:s22], s20  }
0x9f: {  	s3 =	ssub.s32 $0x0, s20;
	[sflag:s22] =	ssyncset.done $0x0  }
0xa0: {  	[sflag:s22] =	ssyncadd.s32 s3;
	_ =	sdelay $0x1  }
0xa1: {  	s23 =	simm.s32 $0x1B8B  }
0xa2: {  	_ =	swait.ge [sflag:s23], $0x1  }
0xa3: {  	[sflag:s23] =	ssyncset.done $0x0  }
0xa4: {  	s25 =	simm.s32 $0x1B8E;
	s24 =	sld [smem:$0x3FFE];
	[sflag:s23] =	ssyncadd.s32 $0xFFFFFFFF  }
0xa5: {  	s26 =	simm.s32 $execute0_lowered;
	[smem:$0x3FD2] =	sst s25  }
0xa6: {  	s4 =	sshll.u32 s26, $0x1;
	_ =	strace $0x80000046;
	[dreg:$0x1] =	wrdreg $0xFFFFFFFF  }
0xa7: {  	s28 =	simm.s32 $_size_execute0_lowered;
	s2 =	sadd.s32 s2, s4;
	[dreg:$0x0] =	wrdreg $0x0  }
0xa8: {  	s4 =	sshll.u32 s28, $0x1;
	[dreg:$0x2] =	wrdreg s2  }
0xa9: {  	[dreg:$0x3] =	wrdreg s4  }
0xaa: {  	[dreg:$0x4] =	wrdreg $0xC0  }
0xab: {  	_ =	task [dreg:s6], $0x5FFFF  }
0xac: {  	[dreg:$0x1] =	wrdreg $0xFFFFFFFF  }
0xad: {  	[dreg:$0x0] =	wrdreg $0x60  }
0xae: {  	[dreg:$0x2] =	wrdreg s24  }
0xaf: {  	[dreg:$0x3] =	wrdreg $0x9  }
0xb0: {  	_ =	task.clear_ibuf [dreg:s6], $0x4FFFF;
	_ =	strace $0x90000046  }
0xb1: {  	s29 =	simm.s32 $0x9;
	_ =	strace $0x80000048  }
0xb2: {  	_ =	swait.ge [sflag:s29], $0x1  }
0xb3: {  	[sflag:s29] =	ssyncadd.s32 $0xFFFFFFFF  }
0xb4: {  	_ =	strace $0x90000048  }
0xb5: {  	_ =	sfence  }
0xb6: {  	s30 =	sld [smem:$0x0];
	_ =	sdelay $0x2  }
0xb7: {  	s31 =	sshll.u32 s1, $0xD;
	s1 =	sshrl.u32 s1, $0x2  }
0xb8: {  	s3 =	sand.u32 $0x4000, s31;
	s1 =	sadd.s32 s1, s30  }
0xb9: {  	s0 =	sor.u32 s3, s0;
	s1 =	sshll.u32 s1, $0x11  }
0xba: {  	s0 =	sor.u32 s1, s0  }
0xbb: {  	s0 =	sadd.s32 $0x8F2B, s0  }
0xbc: {  	[sflag:s0] =	ssyncadd.remote.s32 $0x1  }
0xbd: {  	_ =	sfence.sel $0xFFFF  }
0xbe: {  	[dreg:$0x0] =	wrdreg $0xFFFFFFFF;
	(pc) =	sbr.abs _section_cstart, $3  }
0xbf: {  	[dreg:$0x1] =	wrdreg $0xFFFFFFFF  }
0xc0: {  	_ =	task.clear_ibuf [dreg:s6], $0x2FFFF;
	_ =	strace $0x9FFFFFFF  }
0xc1: {  	(tm) =	ssettm $0x7FFFFFFF  }
tec
execute0_lowered:
.L_overlay_start_1:
0x0: {  	(tag) =	ssettag $0x1  }
0x1: {  	s4 =	rddreg [dreg:$0x0]  }
0x2: {  	s0 =	rddreg [dreg:$0x1]  }
0x3: {  	s3 =	srdreg.scid;
	s1 =	stileid.u32;
	s2 =	simm.s32 $0x0  }
0x4: {  	s11 =	simm.s32 $0x15000;
	s12 =	simm.s32 $0x80;
	s13 =	simm.s32 $0x400  }
0x5: {  	s14 =	simm.s32 $0x0;
	s5 =	sand.u32 $0x1, s3;
	s29 =	sshll.u32 s1, $0x1  }
0x6: {  	[smem:$0x7FF] =	sst s2;
	s6 =	sshll.u32 s1, $0x9;
	s10 =	smul.u32 $0x18600, s1  }
0x7: {  	s9 =	sor.u32 s5, s29;
	_ =	strace $0x80000047;
	s31 =	smul.u32 $0xC300, s5  }
0x8: {  	s30 =	ssub.s32 $0x2, s5;
	s3 =	smul.u32 $0x2700, s9;
	s7 =	sshll.u32 s9, $0x4  }
0x9: {  	s8 =	sshrl.u32 s30, $0x1;
	p0 =	sne.s32 s9, $0x1F;
	s9 =	simm.s32 $0x1  }
0xa: {  	s6 =	sor.u32 s6, s7;
	s7 =	ssub.s32 s30, s8;
	s8 =	sadd.s32 s31, s10  }
0xb: {  	s10 =	simm.s32 $0x14800;
	s3 =	sadd.s32 s3, s4;
	s6 =	sand.u32 $0x1870, s6  }
0xc: {  	v0 =	vimm.s32 $0xFF800000;
	s7 =	smax.u32 s7, $0x1;
	s6 =	sadd.s32 s6, s4;
	s3 =	sadd.s32 $0x2A00, s3  }
0xd: {  	v1 =	vimm.s32 $0x3FFFFFFF;
	v2 =	vimm.s32 $0x0;
	v3 =	vlaneseq.u32;
	s4 =	sadd.s32 $0x50A00, s4;
	s5 =	sadd.s32 $0x50C00, s6;
	s6 =	sadd.s32 $0x52C00, s6  }
.LBB2_1:
0xe: {  	[tilespmem:s2], [sflag:$0x1] =	stream.linear.gather [hbm4b:s3+s2], $0x13800, $0x38;
	[tilespmem:$0x15800] =	vst v63  }
0xf: {  	_ =	swait.ge [sflag:s9], $0x13800  }
0x10: {  	[sflag:s9] =	ssyncset.done $0x0  }
0x11: {  	s15 =	simm.s32 @!p0 $0x0;
	s16 =	simm.s32 @!p0 $0x13800;
	[sflag:s9] =	ssyncadd.s32 $0xFFFEC800  }
0x12: {  	[tilespmem:s16], [sflag:$0x1] =	stream.linear.gather @!p0 [hbm4b:s4+s15], $0x1000, $0x38;
	[tilespmem:$0x15800] =	vst v63  }
0x13: {  	s15 =	simm.s32 @!p0 $0x1  }
0x14: {  	_ =	swait.ge @!p0 [sflag:s15], $0x1000  }
0x15: {  	s17 =	simm.s32 $0x0;
	s16 =	simm.s32 @!p0 $0x290;
	[sflag:s15] =	ssyncset.done @!p0 $0x0  }
0x16: {  	s16 =	simm.s32 @p0 $0x270;
	[sflag:s15] =	ssyncadd.s32 @!p0 $0xFFFFF000;
	s15 =	simm.s32 $0x40  }
.LBB2_2:
0x17: {  	p1 =	sne.s32 s15, $0x1FC0;
	[tilespmem:s17+$0x14800] =	vst v0;
	s18 =	smov.u32 s15;
	s15 =	sadd.s32 $0x40, s15  }
.Ltmp0:
0x18: {  	[tilespmem:s17+$0x15000] =	vst v1;
	(pc) =	sbr.rel @p1 .LBB2_2-.Ltmp0, $2  }
0x19: {  	_ =	sdelay $0x2  }
0x1a: {  	s17 =	sshra.s32 s18, $0x2  }
0x1b: {  	[tilespmem:s17+$0x14800] =	vst v0  }
0x1c: {  	[tilespmem:s17+$0x15000] =	vst v1;
	s15 =	simm.s32 $0x20  }
0x1d: {  	s18 =	smul.u32 $0x50, s16;
	v4 =	vld [tilespmem:s15+$0xFFFFFFE0];
	_ =	sdelay $0x1  }
0x1e: {  	p2 =	sne.s32 s18, $0x50  }
.Ltmp1:
0x1f: {  	_ = 	snop;
	(pc) =	sbr.rel @!p2 .LBB2_4-.Ltmp1, $4  }
0x20: {  	_ = 	snop  }
0x21: {  	vm0 =	vgt.f32 v4, $5.000000070e-02  }
0x22: {  	v5 =	vsel vm0, $0x1, v2  }
0x23: {  	s16 =	simm.s32 $0x0;
	s17 =	simm.s32 $0x50;
	p1 =	por $0x0, $0x0;
	(xrf0) =	vadd.scan.msk.s32 $0xffff, v5  }
0x24: {  	_ =	sdelay $0x4  }
0x25: {  	v5, _, _ =	vpop (xrf0)  }
0x26: {  	v6 =	vxor.u32 $0x80000000, v5  }
0x27: {  	(xrf0) =	vmax.scan.msk.u32 $0xffff, v6;
	v6 =	vmov s16  }
0x28: {  	v6 =	vadd.s32 $0xFFFFFFFF, v6  }
0x29: {  	v6 =	vbroadcast v6, $0x0;
	_ =	sdelay $0x1  }
0x2a: {  	v5 =	vadd.s32 v5, v6  }
0x2b: {  	vm1 =	vlt.s32 v5, $0x7FF  }
0x2c: {  	v6, _, _ =	vpop (xrf0);
	v5 =	vnsel vm1, $0x7FF, v5  }
0x2d: {  	(v2sf) =	vpush v6, $0xF;
	_ =	sdelay $0x2  }
0x2e: {  	s19 =	sadd.s32 $0x0, s8  }
0x2f: {  	[tilespmem:v5+s10+$0x0] =	vst.idx.msk vm0, v4;
	v4 =	vor.u32 s19, v3  }
0x30: {  	[tilespmem:v5+s11+$0x0] =	vst.idx.msk vm0, v4  }
0x31: {  	v4 =	vld [tilespmem:s15+$0xFFFFFFF0];
	_ =	sdelay $0x4  }
0x32: {  	vm0 =	vgt.f32 v4, $5.000000070e-02  }
0x33: {  	v5 =	vsel vm0, $0x1, v2  }
0x34: {  	(xrf0) =	vadd.scan.msk.s32 $0xffff, v5;
	_ =	sdelay $0x1  }
0x35: {  	s20 =	spop (v2sf)  }
0x36: {  	s20 =	sadd.s32 $0x0, s20  }
0x37: {  	s20 =	sadd.s32 $0x80000000, s20  }
0x38: {  	v5 =	vmov s20  }
0x39: {  	v5 =	vadd.s32 $0xFFFFFFFF, v5;
	v6, _, _ =	vpop (xrf0)  }
0x3a: {  	v5 =	vbroadcast v5, $0x0;
	v7 =	vxor.u32 $0x80000000, v6  }
0x3b: {  	(xrf0) =	vmax.scan.msk.u32 $0xffff, v7  }
0x3c: {  	v5 =	vadd.s32 v6, v5  }
0x3d: {  	vm1 =	vlt.s32 v5, $0x7FF  }
0x3e: {  	v5 =	vnsel vm1, $0x7FF, v5;
	_ =	sdelay $0x2  }
0x3f: {  	v6, _, _ =	vpop (xrf0)  }
0x40: {  	s21 =	sadd.s32 $0x10, s19;
	(v2sf) =	vpush v6, $0xF  }
0x41: {  	[tilespmem:v5+s10+$0x0] =	vst.idx.msk vm0, v4;
	v4 =	vor.u32 s21, v3  }
0x42: {  	[tilespmem:v5+s11+$0x0] =	vst.idx.msk vm0, v4  }
0x43: {  	v4 =	vld [tilespmem:s15+$0x0];
	_ =	sdelay $0x4  }
0x44: {  	vm0 =	vgt.f32 v4, $5.000000070e-02  }
0x45: {  	v5 =	vsel vm0, $0x1, v2  }
0x46: {  	(xrf0) =	vadd.scan.msk.s32 $0xffff, v5;
	_ =	sdelay $0x4  }
0x47: {  	s24 =	spop (v2sf)  }
0x48: {  	v5, _, _ =	vpop (xrf0);
	s20 =	sadd.s32 s24, s20  }
0x49: {  	v6 =	vxor.u32 $0x80000000, v5;
	s20 =	sadd.s32 $0x80000000, s20  }
0x4a: {  	(xrf0) =	vmax.scan.msk.u32 $0xffff, v6;
	v6 =	vmov s20  }
0x4b: {  	v6 =	vadd.s32 $0xFFFFFFFF, v6  }
0x4c: {  	v6 =	vbroadcast v6, $0x0;
	_ =	sdelay $0x3  }
0x4d: {  	v5 =	vadd.s32 v5, v6;
	v6, _, _ =	vpop (xrf0)  }
0x4e: {  	vm1 =	vlt.s32 v5, $0x7FF;
	(v2sf) =	vpush v6, $0xF  }
0x4f: {  	v5 =	vnsel vm1, $0x7FF, v5;
	_ =	sdelay $0x3  }
0x50: {  	s25 =	sadd.s32 $0x20, s19  }
0x51: {  	[tilespmem:v5+s10+$0x0] =	vst.idx.msk vm0, v4;
	v4 =	vor.u32 s25, v3  }
0x52: {  	[tilespmem:v5+s11+$0x0] =	vst.idx.msk vm0, v4  }
0x53: {  	v4 =	vld [tilespmem:s15+$0x10];
	_ =	sdelay $0x4  }
0x54: {  	vm0 =	vgt.f32 v4, $5.000000070e-02  }
0x55: {  	v5 =	vsel vm0, $0x1, v2  }
0x56: {  	(xrf0) =	vadd.scan.msk.s32 $0xffff, v5;
	s26 =	spop (v2sf)  }
0x57: {  	s20 =	sadd.s32 s26, s20  }
0x58: {  	s20 =	sadd.s32 $0x80000000, s20  }
0x59: {  	v5 =	vmov s20  }
0x5a: {  	v5 =	vadd.s32 $0xFFFFFFFF, v5  }
0x5b: {  	v5 =	vbroadcast v5, $0x0  }
0x5c: {  	v6, _, _ =	vpop (xrf0)  }
0x5d: {  	v5 =	vadd.s32 v6, v5;
	v6 =	vxor.u32 $0x80000000, v6  }
0x5e: {  	(xrf0) =	vmax.scan.msk.u32 $0xffff, v6;
	_ =	sdelay $0x1  }
0x5f: {  	vm1 =	vlt.s32 v5, $0x7FF  }
0x60: {  	v5 =	vnsel vm1, $0x7FF, v5;
	_ =	sdelay $0x2  }
0x61: {  	v6, _, _ =	vpop (xrf0)  }
0x62: {  	s28 =	sadd.s32 $0x30, s19;
	(v2sf) =	vpush v6, $0xF  }
0x63: {  	[tilespmem:v5+s10+$0x0] =	vst.idx.msk vm0, v4;
	v4 =	vor.u32 s28, v3  }
0x64: {  	[tilespmem:v5+s11+$0x0] =	vst.idx.msk vm0, v4  }
0x65: {  	v4 =	vld [tilespmem:s15+$0x20];
	_ =	sdelay $0x4  }
0x66: {  	vm0 =	vgt.f32 v4, $5.000000070e-02  }
0x67: {  	v5 =	vsel vm0, $0x1, v2  }
0x68: {  	(xrf0) =	vadd.scan.msk.s32 $0xffff, v5;
	_ =	sdelay $0x4  }
0x69: {  	s29 =	spop (v2sf)  }
0x6a: {  	v5, _, _ =	vpop (xrf0);
	s15 =	sadd.s32 s29, s20  }
0x6b: {  	v6 =	vxor.u32 $0x80000000, v5;
	s20 =	sadd.s32 $0x80000000, s15  }
0x6c: {  	(xrf0) =	vmax.scan.msk.u32 $0xffff, v6;
	v6 =	vmov s20  }
0x6d: {  	v6 =	vadd.s32 $0xFFFFFFFF, v6  }
0x6e: {  	v6 =	vbroadcast v6, $0x0;
	_ =	sdelay $0x1  }
0x6f: {  	v5 =	vadd.s32 v5, v6  }
0x70: {  	vm1 =	vlt.s32 v5, $0x7FF  }
0x71: {  	v5 =	vnsel vm1, $0x7FF, v5  }
0x72: {  	v7, _, _ =	vpop (xrf0)  }
0x73: {  	(v2sf) =	vpush v7, $0xF;
	_ =	sdelay $0x1  }
0x74: {  	s30 =	sadd.s32 $0x40, s19  }
0x75: {  	[tilespmem:v5+s10+$0x0] =	vst.idx.msk vm0, v4;
	v4 =	vor.u32 s30, v3  }
0x76: {  	s15 =	simm.s32 $0xA0;
	[tilespmem:v5+s11+$0x0] =	vst.idx.msk vm0, v4  }
0x77: {  	v4 =	vld [tilespmem:s15+$0xFFFFFFE0];
	_ =	sdelay $0x4  }
0x78: {  	vm0 =	vgt.f32 v4, $5.000000070e-02  }
0x79: {  	p2 =	sne.s32 s18, $0xA0;
	v5 =	vsel vm0, $0x1, v2  }
.Ltmp2:
0x7a: {  	(xrf0) =	vadd.scan.msk.s32 $0xffff, v5;
	(pc) =	sbr.rel @!p2 .LBB2_7-.Ltmp2, $3  }
0x7b: {  	_ =	sdelay $0x1  }
0x7c: {  	s31 =	spop (v2sf)  }
0x7d: {  	p1 =	por $0x1, $0x1;
	s19 =	simm.s32 $0xA0;
	s20 =	sadd.s32 s31, s20  }
.LBB2_6:
0x7e: {  	s23 =	sadd.s32 $0x80000000, s20;
	s20 =	smov.u32 s19;
	s19 =	sadd.s32 $0x50, s19  }
0x7f: {  	p2 =	sne.s32 s18, s19;
	v5 =	vmov s23;
	v6, _, _ =	vpop (xrf0)  }
0x80: {  	v5 =	vadd.s32 $0xFFFFFFFF, v5;
	v7 =	vxor.u32 $0x80000000, v6  }
0x81: {  	v5 =	vbroadcast v5, $0x0;
	(xrf0) =	vmax.scan.msk.u32 $0xffff, v7;
	_ =	sdelay $0x1  }
0x82: {  	v5 =	vadd.s32 v6, v5  }
0x83: {  	vm1 =	vlt.s32 v5, $0x7FF  }
0x84: {  	v5 =	vnsel vm1, $0x7FF, v5;
	_ =	sdelay $0x1  }
0x85: {  	v6, _, _ =	vpop (xrf0)  }
0x86: {  	(v2sf) =	vpush v6, $0xF;
	_ =	sdelay $0x1  }
0x87: {  	s24 =	sadd.s32 s17, s8;
	s17 =	smov.u32 s20  }
0x88: {  	s25 =	sadd.s32 $0x10, s24;
	s22 =	sadd.s32 $0x20, s24;
	s21 =	sadd.s32 $0x30, s24;
	[tilespmem:v5+s10+$0x0] =	vst.idx.msk vm0, v4;
	v4 =	vor.u32 s24, v3  }
0x89: {  	s20 =	sadd.s32 $0x40, s24;
	[tilespmem:v5+s11+$0x0] =	vst.idx.msk vm0, v4  }
0x8a: {  	v4 =	vld [tilespmem:s15+$0xFFFFFFF0];
	_ =	sdelay $0x4  }
0x8b: {  	vm0 =	vgt.f32 v4, $5.000000070e-02  }
0x8c: {  	v5 =	vsel vm0, $0x1, v2  }
0x8d: {  	(xrf0) =	vadd.scan.msk.s32 $0xffff, v5;
	_ =	sdelay $0x2  }
0x8e: {  	s24 =	spop (v2sf)  }
0x8f: {  	s23 =	sadd.s32 s24, s23  }
0x90: {  	s23 =	sadd.s32 $0x80000000, s23  }
0x91: {  	v5 =	vmov s23;
	v6, _, _ =	vpop (xrf0)  }
0x92: {  	v5 =	vadd.s32 $0xFFFFFFFF, v5;
	v7 =	vxor.u32 $0x80000000, v6  }
0x93: {  	v5 =	vbroadcast v5, $0x0;
	(xrf0) =	vmax.scan.msk.u32 $0xffff, v7;
	_ =	sdelay $0x1  }
0x94: {  	v5 =	vadd.s32 v6, v5  }
0x95: {  	vm1 =	vlt.s32 v5, $0x7FF  }
0x96: {  	v5 =	vnsel vm1, $0x7FF, v5;
	_ =	sdelay $0x1  }
0x97: {  	v6, _, _ =	vpop (xrf0)  }
0x98: {  	(v2sf) =	vpush v6, $0xF;
	_ =	sdelay $0x1  }
0x99: {  	[tilespmem:v5+s10+$0x0] =	vst.idx.msk vm0, v4;
	v4 =	vor.u32 s25, v3  }
0x9a: {  	[tilespmem:v5+s11+$0x0] =	vst.idx.msk vm0, v4  }
0x9b: {  	v4 =	vld [tilespmem:s15+$0x0];
	_ =	sdelay $0x4  }
0x9c: {  	vm0 =	vgt.f32 v4, $5.000000070e-02  }
0x9d: {  	v5 =	vsel vm0, $0x1, v2  }
0x9e: {  	(xrf0) =	vadd.scan.msk.s32 $0xffff, v5;
	_ =	sdelay $0x3  }
0x9f: {  	s24 =	spop (v2sf)  }
0xa0: {  	s23 =	sadd.s32 s24, s23  }
0xa1: {  	s23 =	sadd.s32 $0x80000000, s23;
	v5, _, _ =	vpop (xrf0)  }
0xa2: {  	v6 =	vmov s23;
	v7 =	vxor.u32 $0x80000000, v5  }
0xa3: {  	v6 =	vadd.s32 $0xFFFFFFFF, v6;
	(xrf0) =	vmax.scan.msk.u32 $0xffff, v7  }
0xa4: {  	v6 =	vbroadcast v6, $0x0;
	_ =	sdelay $0x1  }
0xa5: {  	v5 =	vadd.s32 v5, v6  }
0xa6: {  	vm1 =	vlt.s32 v5, $0x7FF  }
0xa7: {  	v5 =	vnsel vm1, $0x7FF, v5  }
0xa8: {  	v6, _, _ =	vpop (xrf0)  }
0xa9: {  	(v2sf) =	vpush v6, $0xF;
	_ =	sdelay $0x2  }
0xaa: {  	[tilespmem:v5+s10+$0x0] =	vst.idx.msk vm0, v4;
	v4 =	vor.u32 s22, v3  }
0xab: {  	[tilespmem:v5+s11+$0x0] =	vst.idx.msk vm0, v4  }
0xac: {  	v4 =	vld [tilespmem:s15+$0x10];
	_ =	sdelay $0x4  }
0xad: {  	vm0 =	vgt.f32 v4, $5.000000070e-02  }
0xae: {  	v5 =	vsel vm0, $0x1, v2  }
0xaf: {  	(xrf0) =	vadd.scan.msk.s32 $0xffff, v5;
	_ =	sdelay $0x2  }
0xb0: {  	s22 =	spop (v2sf)  }
0xb1: {  	s22 =	sadd.s32 s22, s23  }
0xb2: {  	s22 =	sadd.s32 $0x80000000, s22  }
0xb3: {  	v5 =	vmov s22;
	v6, _, _ =	vpop (xrf0)  }
0xb4: {  	v5 =	vadd.s32 $0xFFFFFFFF, v5;
	v7 =	vxor.u32 $0x80000000, v6  }
0xb5: {  	v5 =	vbroadcast v5, $0x0;
	(xrf0) =	vmax.scan.msk.u32 $0xffff, v7;
	_ =	sdelay $0x1  }
0xb6: {  	v5 =	vadd.s32 v6, v5  }
0xb7: {  	vm1 =	vlt.s32 v5, $0x7FF  }
0xb8: {  	v5 =	vnsel vm1, $0x7FF, v5;
	_ =	sdelay $0x1  }
0xb9: {  	v6, _, _ =	vpop (xrf0)  }
0xba: {  	(v2sf) =	vpush v6, $0xF;
	_ =	sdelay $0x1  }
0xbb: {  	[tilespmem:v5+s10+$0x0] =	vst.idx.msk vm0, v4;
	v4 =	vor.u32 s21, v3  }
0xbc: {  	[tilespmem:v5+s11+$0x0] =	vst.idx.msk vm0, v4  }
0xbd: {  	v4 =	vld [tilespmem:s15+$0x20];
	_ =	sdelay $0x4  }
0xbe: {  	vm0 =	vgt.f32 v4, $5.000000070e-02  }
0xbf: {  	v5 =	vsel vm0, $0x1, v2  }
0xc0: {  	(xrf0) =	vadd.scan.msk.s32 $0xffff, v5;
	_ =	sdelay $0x3  }
0xc1: {  	s21 =	spop (v2sf)  }
0xc2: {  	s21 =	sadd.s32 s21, s22  }
0xc3: {  	s21 =	sadd.s32 $0x80000000, s21;
	v5, _, _ =	vpop (xrf0)  }
0xc4: {  	v6 =	vmov s21;
	v7 =	vxor.u32 $0x80000000, v5  }
0xc5: {  	v6 =	vadd.s32 $0xFFFFFFFF, v6;
	(xrf0) =	vmax.scan.msk.u32 $0xffff, v7  }
0xc6: {  	v6 =	vbroadcast v6, $0x0;
	_ =	sdelay $0x1  }
0xc7: {  	v5 =	vadd.s32 v5, v6  }
0xc8: {  	vm1 =	vlt.s32 v5, $0x7FF  }
0xc9: {  	v5 =	vnsel vm1, $0x7FF, v5  }
0xca: {  	v6, _, _ =	vpop (xrf0)  }
0xcb: {  	(v2sf) =	vpush v6, $0xF;
	_ =	sdelay $0x2  }
0xcc: {  	[tilespmem:v5+s10+$0x0] =	vst.idx.msk vm0, v4;
	v4 =	vor.u32 s20, v3  }
0xcd: {  	s15 =	sadd.s32 $0x80, s15;
	[tilespmem:v5+s11+$0x0] =	vst.idx.msk vm0, v4  }
0xce: {  	v4 =	vld [tilespmem:s15+$0xFFFFFFE0];
	_ =	sdelay $0x4  }
0xcf: {  	vm0 =	vgt.f32 v4, $5.000000070e-02  }
0xd0: {  	v5 =	vsel vm0, $0x1, v2  }
.Ltmp3:
0xd1: {  	(xrf0) =	vadd.scan.msk.s32 $0xffff, v5;
	(pc) =	sbr.rel @p2 .LBB2_6-.Ltmp3, $3  }
0xd2: {  	_ =	sdelay $0x1  }
0xd3: {  	s20 =	spop (v2sf)  }
0xd4: {  	s20 =	sadd.s32 s20, s21  }
.LBB2_7:
0xd5: {  	_ = 	snop  }
0xd6: {  	v5, _, _ =	vpop (xrf0)  }
0xd7: {  	v6 =	vxor.u32 $0x80000000, v5  }
0xd8: {  	s18 =	sadd.s32 @p1 $0x80000000, s20;
	(xrf0) =	vmax.scan.msk.u32 $0xffff, v6  }
0xd9: {  	s16 =	smov.u32 @p1 s18  }
0xda: {  	v53 =	vmov s16  }
0xdb: {  	v6 =	vadd.s32 $0xFFFFFFFF, v53  }
0xdc: {  	v6 =	vbroadcast v6, $0x0;
	_ =	sdelay $0x1  }
0xdd: {  	v5 =	vadd.s32 v5, v6;
	v54, _, _ =	vpop (xrf0)  }
0xde: {  	vm1 =	vlt.s32 v5, $0x7FF;
	(v2sf) =	vpush v54, $0xF  }
0xdf: {  	v5 =	vnsel vm1, $0x7FF, v5;
	_ =	sdelay $0x3  }
0xe0: {  	s17 =	sadd.s32 s17, s8  }
0xe1: {  	[tilespmem:v5+s10+$0x0] =	vst.idx.msk vm0, v4;
	v4 =	vor.u32 s17, v3  }
0xe2: {  	[tilespmem:v5+s11+$0x0] =	vst.idx.msk vm0, v4  }
0xe3: {  	v4 =	vld [tilespmem:s15+$0xFFFFFFF0];
	_ =	sdelay $0x4  }
0xe4: {  	vm8 =	vgt.f32 v4, $5.000000070e-02  }
0xe5: {  	v5 =	vsel vm8, $0x1, v2  }
0xe6: {  	(xrf0) =	vadd.scan.msk.s32 $0xffff, v5;
	s22 =	spop (v2sf)  }
0xe7: {  	s16 =	sadd.s32 s22, s16  }
0xe8: {  	s16 =	sadd.s32 $0x80000000, s16  }
0xe9: {  	v5 =	vmov s16  }
0xea: {  	v5 =	vadd.s32 $0xFFFFFFFF, v5  }
0xeb: {  	v5 =	vbroadcast v5, $0x0  }
0xec: {  	v55, _, _ =	vpop (xrf0)  }
0xed: {  	v7 =	vxor.u32 $0x80000000, v55;
	v5 =	vadd.s32 v55, v5  }
0xee: {  	(xrf0) =	vmax.scan.msk.u32 $0xffff, v7;
	vm9 =	vlt.s32 v5, $0x7FF  }
0xef: {  	v5 =	vnsel vm9, $0x7FF, v5;
	_ =	sdelay $0x3  }
0xf0: {  	s23 =	sadd.s32 $0x10, s17  }
0xf1: {  	v56, _, _ =	vpop (xrf0);
	[tilespmem:v5+s10+$0x0] =	vst.idx.msk vm8, v4;
	v4 =	vor.u32 s23, v3  }
0xf2: {  	(v2sf) =	vpush v56, $0xF;
	[tilespmem:v5+s11+$0x0] =	vst.idx.msk vm8, v4  }
0xf3: {  	v4 =	vld [tilespmem:s15+$0x0];
	_ =	sdelay $0x4  }
0xf4: {  	vm10 =	vgt.f32 v4, $5.000000070e-02  }
0xf5: {  	v5 =	vsel vm10, $0x1, v2  }
0xf6: {  	(xrf0) =	vadd.scan.msk.s32 $0xffff, v5;
	_ =	sdelay $0x5  }
0xf7: {  	v5, _, _ =	vpop (xrf0)  }
0xf8: {  	s24 =	spop (v2sf);
	v57 =	vxor.u32 $0x80000000, v5  }
0xf9: {  	s16 =	sadd.s32 s24, s16;
	(xrf0) =	vmax.scan.msk.u32 $0xffff, v57  }
0xfa: {  	s16 =	sadd.s32 $0x80000000, s16  }
0xfb: {  	v58 =	vmov s16  }
0xfc: {  	v6 =	vadd.s32 $0xFFFFFFFF, v58  }
0xfd: {  	v6 =	vbroadcast v6, $0x0;
	_ =	sdelay $0x1  }
0xfe: {  	v5 =	vadd.s32 v5, v6;
	v59, _, _ =	vpop (xrf0)  }
0xff: {  	vm11 =	vlt.s32 v5, $0x7FF;
	(v2sf) =	vpush v59, $0xF  }
0x100: {  	v5 =	vnsel vm11, $0x7FF, v5;
	_ =	sdelay $0x3  }
0x101: {  	s25 =	sadd.s32 $0x20, s17  }
0x102: {  	[tilespmem:v5+s10+$0x0] =	vst.idx.msk vm10, v4;
	v4 =	vor.u32 s25, v3  }
0x103: {  	[tilespmem:v5+s11+$0x0] =	vst.idx.msk vm10, v4  }
0x104: {  	v4 =	vld [tilespmem:s15+$0x10];
	_ =	sdelay $0x4  }
0x105: {  	vm12 =	vgt.f32 v4, $5.000000070e-02  }
0x106: {  	v5 =	vsel vm12, $0x1, v2  }
0x107: {  	(xrf0) =	vadd.scan.msk.s32 $0xffff, v5;
	s26 =	spop (v2sf)  }
0x108: {  	s16 =	sadd.s32 s26, s16  }
0x109: {  	s16 =	sadd.s32 $0x80000000, s16  }
0x10a: {  	v5 =	vmov s16  }
0x10b: {  	v5 =	vadd.s32 $0xFFFFFFFF, v5  }
0x10c: {  	v5 =	vbroadcast v5, $0x0  }
0x10d: {  	v60, _, _ =	vpop (xrf0)  }
0x10e: {  	v5 =	vadd.s32 v60, v5  }
0x10f: {  	vm13 =	vlt.s32 v5, $0x7FF  }
0x110: {  	v5 =	vnsel vm13, $0x7FF, v5;
	_ =	sdelay $0x3  }
0x111: {  	s28 =	sadd.s32 $0x30, s17;
	v6 =	vxor.u32 $0x80000000, v60  }
0x112: {  	(xrf0) =	vmax.scan.msk.u32 $0xffff, v6;
	[tilespmem:v5+s10+$0x0] =	vst.idx.msk vm12, v4;
	v4 =	vor.u32 s28, v3  }
0x113: {  	[tilespmem:v5+s11+$0x0] =	vst.idx.msk vm12, v4  }
0x114: {  	v4 =	vld [tilespmem:s15+$0x20];
	_ =	sdelay $0x3  }
0x115: {  	v5, _, _ =	vpop (xrf0)  }
0x116: {  	(v2sf) =	vpush v5, $0xF;
	vm14 =	vgt.f32 v4, $5.000000070e-02  }
0x117: {  	v61 =	vsel vm14, $0x1, v2  }
0x118: {  	(xrf0) =	vadd.scan.msk.s32 $0xffff, v61;
	_ =	sdelay $0x5  }
0x119: {  	v5, _, _ =	vpop (xrf0)  }
0x11a: {  	v62 =	vxor.u32 $0x80000000, v5  }
0x11b: {  	(xrf0) =	vmax.scan.msk.u32 $0xffff, v62;
	_ =	sdelay $0x4  }
0x11c: {  	s29 =	spop (v2sf)  }
0x11d: {  	s15 =	sadd.s32 s29, s16;
	v6, _, _ =	vpop (xrf0)  }
0x11e: {  	s15 =	sadd.s32 $0x80000000, s15;
	(v2sf) =	vpush v6, $0xF  }
0x11f: {  	v63 =	vmov s15  }
0x120: {  	v6 =	vadd.s32 $0xFFFFFFFF, v63  }
0x121: {  	v6 =	vbroadcast v6, $0x0;
	_ =	sdelay $0x1  }
0x122: {  	v5 =	vadd.s32 v5, v6  }
0x123: {  	vm15 =	vlt.s32 v5, $0x7FF  }
0x124: {  	v5 =	vnsel vm15, $0x7FF, v5;
	_ =	sdelay $0x3  }
0x125: {  	s30 =	sadd.s32 $0x40, s17  }
0x126: {  	[tilespmem:v5+s10+$0x0] =	vst.idx.msk vm14, v4;
	v4 =	vor.u32 s30, v3  }
0x127: {  	[tilespmem:v5+s11+$0x0] =	vst.idx.msk vm14, v4  }
0x128: {  	[hbm4b:s5+s12] =	stream.strided.scatter [tilespmem:s10], [sflag:$0x1], $0x800, s13, s12, $0x38;
	[tilespmem:$0x15800] =	vst v63  }
0x129: {  	s31 =	spop (v2sf)  }
0x12a: {  	_ =	swait.ge [sflag:s9], $0x800  }
0x12b: {  	s14 =	sadd.s32 $0x1, s14;
	[sflag:s9] =	ssyncset.done $0x0  }
0x12c: {  	p1 =	sne.s32 s14, s7;
	[sflag:s9] =	ssyncadd.s32 $0xFFFFF800  }
0x12d: {  	[hbm4b:s6+s12] =	stream.strided.scatter [tilespmem:s11], [sflag:$0x1], $0x800, s13, s12, $0x38;
	[tilespmem:$0x15800] =	vst v63  }
.Ltmp4:
0x12e: {  	_ = 	snop;
	(pc) =	sbr.rel @p1 .LBB2_1-.Ltmp4, $4  }
.Ltmp5:
0x12f: {  	_ = 	snop;
	(pc) =	sbr.rel @!p1 .LBB2_8-.Ltmp5, $4  }
0x130: {  	_ =	swait.ge [sflag:s9], $0x800  }
0x131: {  	[sflag:s9] =	ssyncset.done $0x0  }
0x132: {  	[sflag:s9] =	ssyncadd.s32 $0xFFFFF800  }
0x133: {  	_ = 	snop  }
.LBB2_4:
.Ltmp6:
0x134: {  	(pc) =	sbr.rel .LBB2_7-.Ltmp6, $2  }
0x135: {  	_ =	sdelay $0x2  }
0x136: {  	s17 =	simm.s32 $0x0  }
.LBB2_8:
0x137: {  	_ =	sfence.sel $0x180000  }
0x138: {  	[bflag:$0x0] =	sbarrier.arrive $0xFFFF  }
0x139: {  	p0 =	sne.s32 s1, $0x0;
	_ =	strace $0x90000047  }
0x13a: {  	s0 =	sadd.s32 @!p0 $0x100000, s0;
	[bflag:$0x2] =	sbarrier.arrive $0xFFFF  }
0x13b: {  	[sflag:s0] =	ssyncadd.tile.s32 @!p0 $0x1;
	_ =	shalt  }
.Lfunc_end2:
_tile_overlayer_lowered:
.L_overlay_start_2:
0x13c: {  	(tag) =	ssettag $0x2  }
0x13d: {  	s0 =	rddreg [dreg:$0x0];
	s2 =	stileid.u32  }
0x13e: {  	s1 =	rddreg [dreg:$0x1];
	p0 =	sne.s32 s2, $0x0  }
0x13f: {  	s3 =	rddreg [dreg:$0x2];
	[bflag:$0x3] =	sbarrier.arrive $0xFFFF;
	s2 =	simm.s32 @!p0 $0x1C01  }
0x140: {  	[timem:s3], [sflag:s2] =	dma.local @!p0 [hbm:s0], s1  }
0x141: {  	s0 =	simm.s32 @!p0 $0x1  }
0x142: {  	_ =	swait.ge @!p0 [sflag:s0], s1  }
0x143: {  	s1 =	ssub.s32 @!p0 $0x0, s1;
	[sflag:s0] =	ssyncset.done @!p0 $0x0  }
0x144: {  	[sflag:s0] =	ssyncadd.s32 @!p0 s1  }
0x145: {  	[bflag:$0x3] =	sbarrier.arrive $0xFFFF  }
0x146: {  	_ =	shalt  }

// kernel: _kernel_impl.15.cloned.1.call-start
scs
__scs_entry_jumppad:
0x0: {  	(pc) =	sbr.rel $0x88, $3  }
0x1: {  	(tag) =	ssettag $0x0;
	lr =	simm.s32 $0x1  }
0x2: {  	[smem:$0x3F9C] =	sst lr;
	_ =	strace $0xD0000000  }
0x3: {  	_ = 	snop  }
0x4: {  	_ = 	snop  }
0x5: {  	_ = 	snop  }
0x6: {  	_ = 	snop  }
0x7: {  	_ = 	snop  }
__scs_overlays_trampoline_lowered:
0x8: {  	[smem:$0x3FAB] =	sst s0  }
0x9: {  	[smem:$0x3FAC] =	sst s1  }
0xa: {  	[smem:$0x3FAD] =	sst s2  }
0xb: {  	[smem:$0x3FAE] =	sst s3  }
0xc: {  	[smem:$0x3FAF] =	sst s4  }
0xd: {  	[smem:$0x3FB0] =	sst s5  }
0xe: {  	[smem:$0x3FB1] =	sst s6  }
0xf: {  	[smem:$0x3FB2] =	sst s7  }
0x10: {  	[smem:$0x3FB3] =	sst s8  }
0x11: {  	[smem:$0x3FB4] =	sst s9;
	s0 =	simm.s32 @!p0 $0x0  }
0x12: {  	s1 =	sld [smem:$0x3F9A];
	s0 =	simm.s32 @p0 $0x1  }
0x13: {  	[smem:$0x3FB5] =	sst s0;
	s0 =	simm.s32 @!p1 $0x0  }
0x14: {  	s2 =	sld [smem:$0x3F99];
	s0 =	simm.s32 @p1 $0x1  }
0x15: {  	[smem:$0x3FB6] =	sst s0;
	s0 =	simm.s32 @!p2 $0x0  }
0x16: {  	s3 =	sld [smem:$0x3FDB];
	s0 =	simm.s32 @p2 $0x1  }
0x17: {  	s4 =	simm.s32 $0x1BF5;
	[smem:$0x3FB8] =	sst s0  }
0x18: {  	s0 =	sld [smem:$0x3F9B];
	_ =	swait.ge [sflag:s4], $0x0  }
0x19: {  	s7 =	sld [smem:$0x3F9C]  }
0x1a: {  	s8 =	sadd.s32 $0xFFFFE003, lr  }
0x1b: {  	s9 =	sadd.s32 $0xFFFFFEF7, lr;
	s5 =	simm.s32 $0xFFFFFFFF;
	p2 =	slt.u32 s8, $0xFFFFF086  }
0x1c: {  	p1 =	slt.u32 s9, $0xF7A;
	s5 =	simm.s32 @!p2 $0x0  }
0x1d: {  	s5 =	simm.s32 @p1 $0x1;
	p0 =	seq.s32 s7, s2  }
0x1e: {  	s7 =	smul.u32 @!p0 $0xF7A, s2;
	p2 =	seq.s32 @!p0 s5, $0x0  }
0x1f: {  	s9 =	smul.u32 $0xF7A, s1;
	s8 =	simm.s32 @!p0 $0x1BF5;
	p2 =	por !p2, p0  }
0x20: {  	[sflag:s8] =	ssyncset.s32 @!p0 $0xFFFFF086;
	s6 =	sadd.s32 @!p0 s3, s7;
	s7 =	simm.s32 @!p0 $0x108  }
0x21: {  	s3 =	sadd.s32 s3, s9;
	s6 =	sadd.s32 @!p0 $0x88, s6;
	s7 =	simm.s32 @p2 $0x1082  }
0x22: {  	[simem:s7], [sflag:s8] =	dma.local @!p0 [hbm:s6], $0xF7A  }
0x23: {  	s9 =	sor.u32 $0xD0000000, s2;
	s6 =	simm.s32 $0x108;
	_ =	swait.ge @!p0 [sflag:s8], $0x0  }
0x24: {  	s3 =	sadd.s32 $0x88, s3;
	s6 =	simm.s32 @!p1 $0x1082;
	[sflag:s4] =	ssyncset.s32 $0xFFFFF086  }
0x25: {  	[simem:s6], [sflag:s4] =	dma.local [hbm:s3], $0xF7A  }
0x26: {  	[smem:$0x3F9C] =	sst s1;
	(tag) =	ssettag s2;
	_ =	strace s9  }
0x27: {  	s1 =	sld [smem:$0x3FAC]  }
0x28: {  	s2 =	sld [smem:$0x3FAD]  }
0x29: {  	s4 =	sld [smem:$0x3FAF]  }
0x2a: {  	p0 =	seq.s32 s5, $0x0;
	s5 =	sld [smem:$0x3FB0]  }
0x2b: {  	s6 =	sld [smem:$0x3FB1]  }
0x2c: {  	s7 =	sld [smem:$0x3FB2]  }
0x2d: {  	s3 =	simm.s32 $0x108;
	s8 =	sld [smem:$0x3FB3]  }
0x2e: {  	s3 =	simm.s32 @!p0 $0x1082;
	s9 =	sld [smem:$0x3FB4]  }
0x2f: {  	lr =	sadd.s32 s0, s3;
	s0 =	sld [smem:$0x3FAB]  }
0x30: {  	s3 =	sld [smem:$0x3FAE]  }
0x31: {  	[smem:$0x3FB7] =	sst s10  }
0x32: {  	s10 =	sld [smem:$0x3FB5];
	_ =	sdelay $0x3  }
0x33: {  	p0 =	seq.s32 s10, $0x1;
	s10 =	sld [smem:$0x3FB7];
	_ =	sdelay $0x3  }
0x34: {  	[smem:$0x3FB7] =	sst s10  }
0x35: {  	s10 =	sld [smem:$0x3FB6];
	_ =	sdelay $0x3  }
0x36: {  	p1 =	seq.s32 s10, $0x1;
	s10 =	sld [smem:$0x3FB7];
	_ =	sdelay $0x3  }
0x37: {  	[smem:$0x3FB7] =	sst s10  }
0x38: {  	s10 =	sld [smem:$0x3FB8]  }
0x39: {  	_ = 	snop;
	(pc) =	sbr.ind lr, $3  }
0x3a: {  	_ = 	snop  }
0x3b: {  	_ = 	snop  }
0x3c: {  	p2 =	seq.s32 s10, $0x1;
	s10 =	sld [smem:$0x3FB7]  }
0x3d: {  	_ =	shalt  }
0x3e: {  	_ =	shalt  }
0x3f: {  	_ =	shalt  }
0x40: {  	_ =	shalt  }
0x41: {  	_ =	shalt  }
0x42: {  	_ =	shalt  }
0x43: {  	_ =	shalt  }
0x44: {  	_ =	shalt  }
0x45: {  	_ =	shalt  }
0x46: {  	_ =	shalt  }
0x47: {  	_ =	shalt  }
0x48: {  	_ =	shalt  }
0x49: {  	_ =	shalt  }
0x4a: {  	_ =	shalt  }
0x4b: {  	_ =	shalt  }
0x4c: {  	_ =	shalt  }
0x4d: {  	_ =	shalt  }
0x4e: {  	_ =	shalt  }
0x4f: {  	_ =	shalt  }
0x50: {  	_ =	shalt  }
0x51: {  	_ =	shalt  }
0x52: {  	_ =	shalt  }
0x53: {  	_ =	shalt  }
0x54: {  	_ =	shalt  }
0x55: {  	_ =	shalt  }
0x56: {  	_ =	shalt  }
0x57: {  	_ =	shalt  }
0x58: {  	_ =	shalt  }
0x59: {  	_ =	shalt  }
0x5a: {  	_ =	shalt  }
0x5b: {  	_ =	shalt  }
0x5c: {  	_ =	shalt  }
0x5d: {  	_ =	shalt  }
0x5e: {  	_ =	shalt  }
0x5f: {  	_ =	shalt  }
0x60: {  	_ =	shalt  }
0x61: {  	_ =	shalt  }
0x62: {  	_ =	shalt  }
0x63: {  	_ =	shalt  }
0x64: {  	_ =	shalt  }
0x65: {  	_ =	shalt  }
0x66: {  	_ =	shalt  }
0x67: {  	_ =	shalt  }
0x68: {  	_ =	shalt  }
0x69: {  	_ =	shalt  }
0x6a: {  	_ =	shalt  }
0x6b: {  	_ =	shalt  }
0x6c: {  	_ =	shalt  }
0x6d: {  	_ =	shalt  }
0x6e: {  	_ =	shalt  }
0x6f: {  	_ =	shalt  }
0x70: {  	_ =	shalt  }
0x71: {  	_ =	shalt  }
0x72: {  	_ =	shalt  }
0x73: {  	_ =	shalt  }
0x74: {  	_ =	shalt  }
0x75: {  	_ =	shalt  }
0x76: {  	_ =	shalt  }
0x77: {  	_ =	shalt  }
0x78: {  	_ =	shalt  }
0x79: {  	_ =	shalt  }
0x7a: {  	_ =	shalt  }
0x7b: {  	_ =	shalt  }
0x7c: {  	_ =	shalt  }
0x7d: {  	_ =	shalt  }
0x7e: {  	_ =	shalt  }
0x7f: {  	_ =	shalt  }
0x80: {  	_ =	shalt  }
0x81: {  	_ =	shalt  }
0x82: {  	_ =	shalt  }
0x83: {  	_ =	shalt  }
0x84: {  	_ =	shalt  }
0x85: {  	_ =	shalt  }
0x86: {  	_ =	shalt  }
0x87: {  	_ =	shalt  }
.Lfunc_end0:
.L_simem_size_0:
called_computation.1_lowered:
.L_overlay_start_0:
0x88: {  	s2 =	sld [smem:$0x3FD9]  }
0x89: {  	s3 =	sld [smem:$0x3FFE];
	_ =	sdelay $0x1  }
0x8a: {  	s1 =	srdreg.scid  }
0x8b: {  	s0 =	sand.u32 $0x1, s1  }
0x8c: {  	s14 =	sshll.u32 s0, $0xA;
	s2 =	sadd.s32 s3, s2  }
0x8d: {  	s2 =	sadd.s32 s2, s14  }
0x8e: {  	[smem:$0x3FC3] =	sst s2  }
0x8f: {  	_ = 	snop  }
0x90: {  	s2 =	sld [smem:$0x3FD0];
	_ =	sdelay $0x2  }
0x91: {  	s15 =	simm.s32 $0xA;
	s4 =	simm.s32 $0x10  }
0x92: {  	[smem:s4], [sflag:s15] =	dma.local [hbm:s2], $0x1  }
0x93: {  	_ =	swait.eq [sflag:s15], $0x1  }
0x94: {  	[sflag:s15] =	ssyncset.done $0x0  }
0x95: {  	[sflag:s15] =	ssyncadd.s32 $0xFFFFFFFF  }
0x96: {  	s16 =	sld [smem:$0x11];
	(tm) =	ssettm $0x1  }
0x97: {  	s17 =	sld [smem:$0x3FFB];
	_ =	sdelay $0x3  }
0x98: {  	_ =	strace s17  }
0x99: {  	s3 =	sld [smem:$0x3FFC];
	_ =	sdelay $0x3  }
0x9a: {  	_ =	strace s3  }
0x9b: {  	s3 =	sld [smem:$0x3FFD];
	_ =	sdelay $0x3  }
0x9c: {  	_ =	strace s3  }
0x9d: {  	_ =	strace $0x8FFFFFFF  }
0x9e: {  	s18 =	sld [smem:$0x3FDB];
	_ =	sdelay $0x1  }
0x9f: {  	s19 =	simm.s32 $_scs_section_size  }
0xa0: {  	s5 =	simm.s32 $_size__tile_overlayer_lowered;
	s6 =	simm.s32 $_tile_overlayer_lowered  }
0xa1: {  	s22 =	simm.s32 $0x1BFF;
	s21 =	sshll.u32 s6, $0x1;
	s3 =	sadd.s32 s19, s18  }
0xa2: {  	s7 =	simm.s32 $0x0;
	s20 =	sshll.u32 s5, $0x1;
	s5 =	sadd.s32 s21, s3  }
0xa3: {  	[timem:s7], [sflag:s22] =	dma.local [hbm:s5], s20  }
0xa4: {  	_ =	swait.ge [sflag:s22], s20  }
0xa5: {  	s4 =	ssub.s32 $0x0, s20;
	[sflag:s22] =	ssyncset.done $0x0  }
0xa6: {  	[sflag:s22] =	ssyncadd.s32 s4;
	_ =	sdelay $0x1  }
0xa7: {  	s23 =	simm.s32 $0x1B8B  }
0xa8: {  	_ =	swait.ge [sflag:s23], $0x1  }
0xa9: {  	[sflag:s23] =	ssyncset.done $0x0  }
0xaa: {  	s25 =	simm.s32 $0x1B8E;
	s24 =	sld [smem:$0x3FFE];
	[sflag:s23] =	ssyncadd.s32 $0xFFFFFFFF  }
0xab: {  	s26 =	simm.s32 $execute0_lowered;
	[smem:$0x3FD2] =	sst s25  }
0xac: {  	s5 =	sshll.u32 s26, $0x1;
	_ =	strace $0x80000049;
	[dreg:$0x1] =	wrdreg $0xFFFFFFFF  }
0xad: {  	s28 =	simm.s32 $_size_execute0_lowered;
	s3 =	sadd.s32 s3, s5;
	[dreg:$0x0] =	wrdreg $0x0  }
0xae: {  	s5 =	sshll.u32 s28, $0x1;
	[dreg:$0x2] =	wrdreg s3  }
0xaf: {  	[dreg:$0x3] =	wrdreg s5  }
0xb0: {  	[dreg:$0x4] =	wrdreg $0xC0  }
0xb1: {  	_ =	task [dreg:s7], $0x5FFFF  }
0xb2: {  	[dreg:$0x1] =	wrdreg $0xFFFFFFFF  }
0xb3: {  	[dreg:$0x0] =	wrdreg $0x60  }
0xb4: {  	[dreg:$0x2] =	wrdreg s24  }
0xb5: {  	[dreg:$0x3] =	wrdreg s16  }
0xb6: {  	[dreg:$0x4] =	wrdreg $0x9  }
0xb7: {  	_ =	task.clear_ibuf [dreg:s7], $0x5FFFF;
	_ =	strace $0x90000049  }
0xb8: {  	s29 =	simm.s32 $0x9;
	_ =	strace $0x8000004B  }
0xb9: {  	_ =	swait.ge [sflag:s29], $0x1  }
0xba: {  	[sflag:s29] =	ssyncadd.s32 $0xFFFFFFFF  }
0xbb: {  	_ =	strace $0x9000004B  }
0xbc: {  	_ =	sfence  }
0xbd: {  	s30 =	sld [smem:$0x0];
	_ =	sdelay $0x2  }
0xbe: {  	s31 =	sshll.u32 s1, $0xD;
	s1 =	sshrl.u32 s1, $0x2  }
0xbf: {  	s3 =	sand.u32 $0x4000, s31;
	s1 =	sadd.s32 s1, s30  }
0xc0: {  	s0 =	sor.u32 s3, s0;
	s1 =	sshll.u32 s1, $0x11  }
0xc1: {  	s0 =	sor.u32 s1, s0  }
0xc2: {  	s0 =	sadd.s32 $0x8F2B, s0  }
0xc3: {  	[sflag:s0] =	ssyncadd.remote.s32 $0x1  }
0xc4: {  	_ =	sfence.sel $0xFFFF  }
0xc5: {  	[dreg:$0x0] =	wrdreg $0xFFFFFFFF;
	(pc) =	sbr.abs _section_cstart, $3  }
0xc6: {  	[dreg:$0x1] =	wrdreg $0xFFFFFFFF  }
0xc7: {  	_ =	task.clear_ibuf [dreg:s7], $0x2FFFF;
	_ =	strace $0x9FFFFFFF  }
0xc8: {  	(tm) =	ssettm $0x7FFFFFFF  }
0xc9: {  	_ =	shalt  }
tec
execute0_lowered:
.L_overlay_start_1:
0x0: {  	(tag) =	ssettag $0x1  }
0x1: {  	s1 =	srdreg.scid  }
0x2: {  	s0 =	stileid.u32;
	s5 =	rddreg [dreg:$0x0]  }
0x3: {  	s2 =	rddreg [dreg:$0x1];
	s3 =	simm.s32 $0x0;
	s13 =	simm.s32 $0x1  }
0x4: {  	s14 =	simm.s32 $0x800;
	s15 =	simm.s32 $0x1000;
	s16 =	simm.s32 $0x2080  }
0x5: {  	s17 =	simm.s32 $0x2100;
	s18 =	simm.s32 $0x1080;
	s19 =	simm.s32 $0x1880  }
0x6: {  	s20 =	simm.s32 $0x0;
	s4 =	sand.u32 $0x1, s1;
	s1 =	rddreg [dreg:$0x2]  }
0x7: {  	s29 =	sshll.u32 s0, $0x1;
	s6 =	sshrl.u32 s0, $0x2;
	[smem:$0x7FF] =	sst s3  }
0x8: {  	s10 =	sadd.s32 $0x2A00, s5;
	s7 =	sor.u32 s4, s29;
	s9 =	sshll.u32 s6, $0xE  }
0x9: {  	_ =	strace $0x8000004A;
	s11 =	ssub.s32 $0x2, s4;
	s4 =	sadd.s32 $0x2E00, s5  }
0xa: {  	s6 =	sshll.u32 s6, $0xA;
	s8 =	sshll.u32 s7, $0x7;
	s12 =	sshrl.u32 s11, $0x1  }
0xb: {  	s30 =	sshll.u32 s7, $0x4;
	s8 =	sand.u32 $0x380, s8;
	s11 =	ssub.s32 s11, s12  }
.Ltmp0:
0xc: {  	s31 =	sadd.s32 s30, s10;
	s9 =	sor.u32 s9, s8;
	(pc) =	sbr.rel .LBB2_1-.Ltmp0, $4  }
0xd: {  	s12 =	simm.s32 $0x400;
	s8 =	sor.u32 s6, s8;
	s9 =	sshrl.u32 s9, $0x3  }
0xe: {  	s8 =	sshrl.u32 s8, $0x3;
	s9 =	sadd.s32 s9, s5;
	s5 =	sadd.s32 $0x3000, s5  }
0xf: {  	s8 =	sadd.s32 s10, s8;
	s10 =	smax.u32 s11, $0x1;
	s11 =	simm.s32 $0x80  }
0x10: {  	v0 =	vimm.s32 $0xFF800000;
	v1 =	vimm.s32 $0x3FFFFFFF;
	v2 =	vimm.s32 $0x0;
	s6 =	sadd.s32 $0x50C00, s9;
	s7 =	sadd.s32 $0x52C00, s9;
	s9 =	sadd.s32 $0x10, s31  }
.LBB2_7:
0x11: {  	s25 =	simm.s32 $0x1080  }
.LBB2_11:
0x12: {  	s24 =	sadd.s32 @p0 $0x10, s25  }
0x13: {  	s30 =	sadd.s32 s4, s23;
	[sflag:s13] =	ssyncadd.s32 @p0 $0xFFFFFFF0;
	s21 =	smov.u32 @p0 s24  }
0x14: {  	[hbm4b:s30+s3] =	stream.linear.scatter [tilespmem:s21], [sflag:$0x1], $0x10, $0x38;
	[tilespmem:$0x2180] =	vst v63  }
0x15: {  	_ =	swait.ge [sflag:s13], $0x10  }
0x16: {  	[sflag:s13] =	ssyncset.done $0x0  }
0x17: {  	s31 =	sadd.s32 s5, s23;
	[sflag:s13] =	ssyncadd.s32 $0xFFFFFFF0  }
0x18: {  	[hbm4b:s31+s3] =	stream.linear.scatter [tilespmem:s22], [sflag:$0x1], $0x10, $0x38;
	[tilespmem:$0x2180] =	vst v63  }
0x19: {  	_ =	swait.ge [sflag:s13], $0x10  }
0x1a: {  	[sflag:s13] =	ssyncset.done $0x0  }
0x1b: {  	[sflag:s13] =	ssyncadd.s32 $0xFFFFFFF0  }
.LBB2_12:
0x1c: {  	s20 =	sadd.s32 $0x1, s20  }
0x1d: {  	p0 =	sne.s32 s20, s10  }
.Ltmp1:
0x1e: {  	_ = 	snop;
	(pc) =	sbr.rel @!p0 .LBB2_13-.Ltmp1, $1  }
0x1f: {  	_ =	sdelay $0x3  }
.LBB2_1:
0x20: {  	[tilespmem:s3], [sflag:$0x1] =	stream.strided.gather [hbm4b:s6+s11], $0x800, s12, s11, $0x38;
	[tilespmem:$0x2180] =	vst v63  }
0x21: {  	_ =	swait.ge [sflag:s13], $0x800  }
0x22: {  	[sflag:s13] =	ssyncset.done $0x0  }
0x23: {  	[sflag:s13] =	ssyncadd.s32 $0xFFFFF800  }
0x24: {  	[tilespmem:s14], [sflag:$0x1] =	stream.strided.gather [hbm4b:s7+s11], $0x800, s12, s11, $0x38;
	[tilespmem:$0x2180] =	vst v63  }
0x25: {  	_ =	swait.ge [sflag:s13], $0x800  }
0x26: {  	[sflag:s13] =	ssyncset.done $0x0  }
0x27: {  	[sflag:s13] =	ssyncadd.s32 $0xFFFFF800  }
0x28: {  	[tilespmem:s15], [sflag:$0x1] =	stream.linear.gather [hbm4b:s2+s3], $0x80, $0x38;
	[tilespmem:$0x2180] =	vst v63  }
0x29: {  	_ =	swait.ge [sflag:s13], $0x80  }
0x2a: {  	[sflag:s13] =	ssyncset.done $0x0  }
0x2b: {  	[sflag:s13] =	ssyncadd.s32 $0xFFFFFF80  }
0x2c: {  	[tilespmem:s16], [sflag:$0x1] =	stream.linear.gather [hbm4b:s8+s3], $0x80, $0x38;
	[tilespmem:$0x2180] =	vst v63  }
0x2d: {  	_ =	swait.ge [sflag:s13], $0x80  }
0x2e: {  	[sflag:s13] =	ssyncset.done $0x0  }
0x2f: {  	[sflag:s13] =	ssyncadd.s32 $0xFFFFFF80  }
0x30: {  	[tilespmem:s17], [sflag:$0x1] =	stream.linear.gather [hbm4b:s9+s3], $0x80, $0x38;
	[tilespmem:$0x2180] =	vst v63  }
0x31: {  	_ =	swait.ge [sflag:s13], $0x80  }
0x32: {  	[sflag:s13] =	ssyncset.done $0x0  }
0x33: {  	[sflag:s13] =	ssyncadd.s32 $0xFFFFFF80  }
0x34: {  	v5 =	vld [tilespmem:$0x1000]  }
0x35: {  	v4 =	vld [tilespmem:$0x2080]  }
0x36: {  	s21 =	simm.s32 $0x0;
	v3 =	vld [tilespmem:$0x2100]  }
.LBB2_2:
0x37: {  	p0 =	sne.s32 s21, $0x1FC0  }
.Ltmp2:
0x38: {  	_ = 	snop;
	(pc) =	sbr.rel @p0 .LBB2_2-.Ltmp2, $4  }
0x39: {  	_ = 	snop  }
0x3a: {  	s22 =	sshra.s32 s21, $0x2  }
0x3b: {  	[tilespmem:s22+$0x1080] =	vst v0  }
0x3c: {  	s21 =	sadd.s32 $0x40, s21;
	[tilespmem:s22+$0x1880] =	vst v1  }
0x3d: {  	s22 =	simm.s32 $0x0  }
0x3e: {  	v6 =	vld [tilespmem:s22+$0x0];
	_ =	sdelay $0x4  }
0x3f: {  	vm0 =	vlt.f32 v5, v6  }
0x40: {  	v7 =	vsel vm0, $0x1, v2  }
0x41: {  	(xrf0) =	vadd.scan.msk.s32 $0xffff, v7;
	_ =	sdelay $0x5  }
0x42: {  	s21 =	simm.s32 $0x0;
	v8, _, _ =	vpop (xrf0)  }
0x43: {  	v7 =	vmov s21;
	v9 =	vxor.u32 $0x80000000, v8  }
0x44: {  	v7 =	vadd.s32 $0xFFFFFFFF, v7;
	(xrf0) =	vmax.scan.msk.u32 $0xffff, v9  }
0x45: {  	v7 =	vbroadcast v7, $0x0;
	_ =	sdelay $0x1  }
0x46: {  	v7 =	vadd.s32 v8, v7  }
0x47: {  	vm1 =	vlt.s32 v7, $0x7FF  }
0x48: {  	v7 =	vnsel vm1, $0x7FF, v7  }
0x49: {  	v63 =	vld [tilespmem:s22+$0x800];
	v9, _, _ =	vpop (xrf0)  }
0x4a: {  	(v2sf) =	vpush v9, $0xF;
	_ =	sdelay $0x2  }
0x4b: {  	[tilespmem:v7+s18+$0x0] =	vst.idx.msk vm0, v6  }
0x4c: {  	s23 =	simm.s32 $0x80;
	s22 =	simm.s32 $0x10;
	[tilespmem:v7+s19+$0x0] =	vst.idx.msk vm0, v63  }
.LBB2_4:
0x4d: {  	p0 =	sne.s32 s23, $0x1FC0;
	v6 =	vld [tilespmem:s22+$0x0];
	_ =	sdelay $0x4  }
0x4e: {  	vm0 =	vlt.f32 v5, v6  }
0x4f: {  	v7 =	vsel vm0, $0x1, v2  }
0x50: {  	(xrf0) =	vadd.scan.msk.s32 $0xffff, v7;
	_ =	sdelay $0x2  }
0x51: {  	s24 =	spop (v2sf)  }
0x52: {  	s21 =	sadd.s32 s24, s21  }
0x53: {  	s21 =	sadd.s32 $0x80000000, s21  }
0x54: {  	v7 =	vmov s21;
	v8, _, _ =	vpop (xrf0)  }
0x55: {  	v7 =	vadd.s32 $0xFFFFFFFF, v7;
	v9 =	vxor.u32 $0x80000000, v8  }
0x56: {  	v7 =	vbroadcast v7, $0x0;
	(xrf0) =	vmax.scan.msk.u32 $0xffff, v9;
	_ =	sdelay $0x1  }
0x57: {  	v7 =	vadd.s32 v8, v7  }
0x58: {  	vm1 =	vlt.s32 v7, $0x7FF  }
0x59: {  	v7 =	vnsel vm1, $0x7FF, v7  }
0x5a: {  	v8 =	vld [tilespmem:s22+$0x800]  }
0x5b: {  	v9, _, _ =	vpop (xrf0)  }
.Ltmp3:
0x5c: {  	(v2sf) =	vpush v9, $0xF;
	(pc) =	sbr.rel @p0 .LBB2_4-.Ltmp3, $4  }
0x5d: {  	_ = 	snop  }
0x5e: {  	[tilespmem:v7+s18+$0x0] =	vst.idx.msk vm0, v6  }
0x5f: {  	[tilespmem:v7+s19+$0x0] =	vst.idx.msk vm0, v8  }
0x60: {  	s22 =	sshra.s32 s23, $0x2;
	s23 =	sadd.s32 $0x40, s23  }
0x61: {  	v6 =	vld [tilespmem:s22+$0x0];
	_ =	sdelay $0x4  }
0x62: {  	vm0 =	vlt.f32 v5, v6  }
0x63: {  	v5 =	vsel vm0, $0x1, v2  }
0x64: {  	(xrf0) =	vadd.scan.msk.s32 $0xffff, v5;
	_ =	sdelay $0x5  }
0x65: {  	v5, _, _ =	vpop (xrf0)  }
0x66: {  	v7 =	vxor.u32 $0x80000000, v5  }
0x67: {  	v4 =	vxor.u32 $0x80000000, v4;
	(xrf0) =	vmax.scan.msk.u32 $0xffff, v7  }
0x68: {  	v3 =	vxor.u32 $0x80000000, v3;
	(xrf0) =	vmax.scan.msk.u32 $0xffff, v4  }
0x69: {  	(xrf0) =	vmax.scan.msk.u32 $0xffff, v3;
	_ =	sdelay $0x3  }
0x6a: {  	v3, _, _ =	vpop (xrf0)  }
0x6b: {  	v4, _, _ =	vpop (xrf0);
	(v2sf) =	vpush v3, $0xF  }
0x6c: {  	(v2sf) =	vpush v4, $0xF;
	v3, _, _ =	vpop (xrf0)  }
0x6d: {  	(v2sf) =	vpush v3, $0xF;
	_ =	sdelay $0xb  }
0x6e: {  	s23 =	spop (v2sf)  }
0x6f: {  	s28 =	spop (v2sf)  }
0x70: {  	s21 =	sadd.s32 s23, s21;
	s23 =	spop (v2sf)  }
0x71: {  	s29 =	spop (v2sf)  }
0x72: {  	s21 =	sadd.s32 $0x80000000, s21;
	s24 =	sxor.u32 $0x80000000, s23;
	s25 =	sxor.u32 $0x80000000, s29  }
0x73: {  	v3 =	vmov s21;
	s21 =	simm.s32 $0x1;
	p0 =	sne.s32 s29, s23;
	s25 =	ssub.s32 s25, s24  }
0x74: {  	s21 =	simm.s32 @!p0 $0x0;
	s30 =	sshra.s32 s25, $0x1F  }
0x75: {  	v3 =	vadd.s32 $0xFFFFFFFF, v3;
	s26 =	sand.u32 $0xF, s25;
	s21 =	sor.u32 s21, s30  }
0x76: {  	v3 =	vbroadcast v3, $0x0;
	p1 =	sne.s32 s26, $0x0;
	p6 =	sne.s32 s21, $0x1  }
0x77: {  	s31 =	sshrl.u32 s30, $0x1C;
	p0 =	por !p1, !p6  }
0x78: {  	v63 =	vld [tilespmem:s22+$0x800];
	s22 =	simm.s32 $0x1;
	v3 =	vadd.s32 v5, v3;
	s21 =	sadd.s32 s31, s25;
	p0 =	por !p0, !p0  }
0x79: {  	vm1 =	vlt.s32 v3, $0x7FF;
	s21 =	sshra.s32 s21, $0x4;
	s22 =	simm.s32 @!p0 $0x0  }
0x7a: {  	v3 =	vnsel vm1, $0x7FF, v3;
	s23 =	ssub.s32 s21, s22  }
0x7b: {  	p0 =	slt.s32 s23, $0x1  }
.Ltmp4:
0x7c: {  	_ = 	snop;
	(pc) =	sbr.rel @p0 .LBB2_12-.Ltmp4, $3  }
0x7d: {  	_ =	sdelay $0x1  }
0x7e: {  	[tilespmem:v3+s18+$0x0] =	vst.idx.msk vm0, v6  }
0x7f: {  	[tilespmem:v3+s19+$0x0] =	vst.idx.msk vm0, v63  }
0x80: {  	p1 =	sne.s32 s23, $0x1  }
.Ltmp5:
0x81: {  	_ = 	snop;
	(pc) =	sbr.rel @!p1 .LBB2_7-.Ltmp5, $4  }
0x82: {  	_ = 	snop  }
0x83: {  	p0 =	slt.s32 s24, $0x7F0;
	s26 =	smov.u32 s24  }
0x84: {  	s21 =	simm.s32 $0x1080;
	s22 =	simm.s32 $0x1880;
	s26 =	simm.s32 @!p0 $0x7F0  }
0x85: {  	s25 =	sadd.s32 $0xFFFFFFFF, s23;
	p0 =	por $0x0, $0x0;
	s23 =	sshrl.u32 s26, $0x3  }
0x86: {  	s26 =	sadd.s32 s4, s23  }
0x87: {  	[hbm4b:s26+s3] =	stream.linear.scatter [tilespmem:s21], [sflag:$0x1], $0x10, $0x38;
	[tilespmem:$0x2180] =	vst v63  }
0x88: {  	s24 =	sadd.s32 $0x10, s24;
	_ =	swait.ge [sflag:s13], $0x10  }
0x89: {  	s31 =	sadd.s32 s5, s23;
	p1 =	sne.s32 s25, $0x1;
	[sflag:s13] =	ssyncset.done $0x0  }
.Ltmp6:
0x8a: {  	p0 =	slt.s32 s24, $0x7F0;
	[sflag:s13] =	ssyncadd.s32 $0xFFFFFFF0;
	(pc) =	sbr.rel @!p1 .LBB2_9-.Ltmp6, $4  }
0x8b: {  	[hbm4b:s31+s3] =	stream.linear.scatter [tilespmem:s22], [sflag:$0x1], $0x10, $0x38;
	[tilespmem:$0x2180] =	vst v63  }
0x8c: {  	s26 =	sadd.s32 $0xFFFFFFFF, s25;
	s25 =	simm.s32 $0x1080;
	s22 =	smov.u32 s24  }
0x8d: {  	s22 =	simm.s32 @!p0 $0x7F0;
	_ =	swait.ge [sflag:s13], $0x10;
	p0 =	por $0x1, $0x1  }
0x8e: {  	s23 =	sshrl.u32 s22, $0x3;
	[sflag:s13] =	ssyncset.done $0x0;
	s22 =	simm.s32 $0x1890  }
.LBB2_10:
0x8f: {  	s28 =	sadd.s32 s4, s23;
	[sflag:s13] =	ssyncadd.s32 $0xFFFFFFF0;
	s25 =	sadd.s32 $0x10, s25  }
0x90: {  	[hbm4b:s28+s3] =	stream.linear.scatter [tilespmem:s25], [sflag:$0x1], $0x10, $0x38;
	[tilespmem:$0x2180] =	vst v63  }
0x91: {  	p1 =	sne.s32 s26, $0x1;
	s26 =	sadd.s32 $0xFFFFFFFF, s26;
	_ =	swait.ge [sflag:s13], $0x10  }
0x92: {  	s24 =	sadd.s32 $0x10, s24;
	s23 =	sadd.s32 s5, s23;
	[sflag:s13] =	ssyncset.done $0x0  }
.Ltmp7:
0x93: {  	p2 =	slt.s32 s24, $0x7F0;
	[sflag:s13] =	ssyncadd.s32 $0xFFFFFFF0;
	(pc) =	sbr.rel @p1 .LBB2_10-.Ltmp7, $4  }
0x94: {  	[hbm4b:s23+s3] =	stream.linear.scatter [tilespmem:s22], [sflag:$0x1], $0x10, $0x38;
	[tilespmem:$0x2180] =	vst v63  }
0x95: {  	s23 =	smov.u32 s24  }
0x96: {  	s23 =	simm.s32 @!p2 $0x7F0;
	_ =	swait.ge [sflag:s13], $0x10  }
0x97: {  	s22 =	sadd.s32 $0x10, s22;
	s23 =	sshrl.u32 s23, $0x3;
	[sflag:s13] =	ssyncset.done $0x0  }
.Ltmp8:
0x98: {  	_ = 	snop;
	(pc) =	sbr.rel .LBB2_11-.Ltmp8, $1  }
0x99: {  	_ =	sdelay $0x3  }
.LBB2_9:
.Ltmp9:
0x9a: {  	(pc) =	sbr.rel .LBB2_11-.Ltmp9, $2  }
0x9b: {  	_ =	sdelay $0x2  }
0x9c: {  	s25 =	simm.s32 $0x1080  }
.LBB2_13:
0x9d: {  	_ =	sfence.sel $0x180000  }
0x9e: {  	[bflag:$0x0] =	sbarrier.arrive $0xFFFF  }
0x9f: {  	p0 =	sne.s32 s0, $0x0;
	_ =	strace $0x9000004A  }
0xa0: {  	s0 =	sadd.s32 @!p0 $0x100000, s1;
	[bflag:$0x2] =	sbarrier.arrive $0xFFFF  }
0xa1: {  	[sflag:s0] =	ssyncadd.tile.s32 @!p0 $0x1;
	_ =	shalt  }
.Lfunc_end2:
_tile_overlayer_lowered:
.L_overlay_start_2:
0xa2: {  	(tag) =	ssettag $0x2  }
0xa3: {  	s0 =	rddreg [dreg:$0x0];
	s2 =	stileid.u32  }
0xa4: {  	s1 =	rddreg [dreg:$0x1];
	p0 =	sne.s32 s2, $0x0  }
0xa5: {  	s3 =	rddreg [dreg:$0x2];
	[bflag:$0x3] =	sbarrier.arrive $0xFFFF;
	s2 =	simm.s32 @!p0 $0x1C01  }
0xa6: {  	[timem:s3], [sflag:s2] =	dma.local @!p0 [hbm:s0], s1  }
0xa7: {  	s0 =	simm.s32 @!p0 $0x1  }
0xa8: {  	_ =	swait.ge @!p0 [sflag:s0], s1  }
0xa9: {  	s1 =	ssub.s32 @!p0 $0x0, s1;
	[sflag:s0] =	ssyncset.done @!p0 $0x0  }
0xaa: {  	[sflag:s0] =	ssyncadd.s32 @!p0 s1  }
0xab: {  	[bflag:$0x3] =	sbarrier.arrive $0xFFFF  }
0xac: {  	_ =	shalt  }

// kernel: _kernel_impl.18.cloned.1.call-start
scs
__scs_entry_jumppad:
0x0: {  	(pc) =	sbr.rel $0x88, $3  }
0x1: {  	(tag) =	ssettag $0x0;
	lr =	simm.s32 $0x1  }
0x2: {  	[smem:$0x3F9C] =	sst lr;
	_ =	strace $0xD0000000  }
0x3: {  	_ = 	snop  }
0x4: {  	_ = 	snop  }
0x5: {  	_ = 	snop  }
0x6: {  	_ = 	snop  }
0x7: {  	_ = 	snop  }
__scs_overlays_trampoline_lowered:
0x8: {  	[smem:$0x3FAB] =	sst s0  }
0x9: {  	[smem:$0x3FAC] =	sst s1  }
0xa: {  	[smem:$0x3FAD] =	sst s2  }
0xb: {  	[smem:$0x3FAE] =	sst s3  }
0xc: {  	[smem:$0x3FAF] =	sst s4  }
0xd: {  	[smem:$0x3FB0] =	sst s5  }
0xe: {  	[smem:$0x3FB1] =	sst s6  }
0xf: {  	[smem:$0x3FB2] =	sst s7  }
0x10: {  	[smem:$0x3FB3] =	sst s8  }
0x11: {  	[smem:$0x3FB4] =	sst s9;
	s0 =	simm.s32 @!p0 $0x0  }
0x12: {  	s1 =	sld [smem:$0x3F9A];
	s0 =	simm.s32 @p0 $0x1  }
0x13: {  	[smem:$0x3FB5] =	sst s0;
	s0 =	simm.s32 @!p1 $0x0  }
0x14: {  	s2 =	sld [smem:$0x3F99];
	s0 =	simm.s32 @p1 $0x1  }
0x15: {  	[smem:$0x3FB6] =	sst s0;
	s0 =	simm.s32 @!p2 $0x0  }
0x16: {  	s3 =	sld [smem:$0x3FDB];
	s0 =	simm.s32 @p2 $0x1  }
0x17: {  	s4 =	simm.s32 $0x1BF5;
	[smem:$0x3FB8] =	sst s0  }
0x18: {  	s0 =	sld [smem:$0x3F9B];
	_ =	swait.ge [sflag:s4], $0x0  }
0x19: {  	s7 =	sld [smem:$0x3F9C]  }
0x1a: {  	s8 =	sadd.s32 $0xFFFFE003, lr  }
0x1b: {  	s9 =	sadd.s32 $0xFFFFFEF7, lr;
	s5 =	simm.s32 $0xFFFFFFFF;
	p2 =	slt.u32 s8, $0xFFFFF086  }
0x1c: {  	p1 =	slt.u32 s9, $0xF7A;
	s5 =	simm.s32 @!p2 $0x0  }
0x1d: {  	s5 =	simm.s32 @p1 $0x1;
	p0 =	seq.s32 s7, s2  }
0x1e: {  	s7 =	smul.u32 @!p0 $0xF7A, s2;
	p2 =	seq.s32 @!p0 s5, $0x0  }
0x1f: {  	s9 =	smul.u32 $0xF7A, s1;
	s8 =	simm.s32 @!p0 $0x1BF5;
	p2 =	por !p2, p0  }
0x20: {  	[sflag:s8] =	ssyncset.s32 @!p0 $0xFFFFF086;
	s6 =	sadd.s32 @!p0 s3, s7;
	s7 =	simm.s32 @!p0 $0x108  }
0x21: {  	s3 =	sadd.s32 s3, s9;
	s6 =	sadd.s32 @!p0 $0x88, s6;
	s7 =	simm.s32 @p2 $0x1082  }
0x22: {  	[simem:s7], [sflag:s8] =	dma.local @!p0 [hbm:s6], $0xF7A  }
0x23: {  	s9 =	sor.u32 $0xD0000000, s2;
	s6 =	simm.s32 $0x108;
	_ =	swait.ge @!p0 [sflag:s8], $0x0  }
0x24: {  	s3 =	sadd.s32 $0x88, s3;
	s6 =	simm.s32 @!p1 $0x1082;
	[sflag:s4] =	ssyncset.s32 $0xFFFFF086  }
0x25: {  	[simem:s6], [sflag:s4] =	dma.local [hbm:s3], $0xF7A  }
0x26: {  	[smem:$0x3F9C] =	sst s1;
	(tag) =	ssettag s2;
	_ =	strace s9  }
0x27: {  	s1 =	sld [smem:$0x3FAC]  }
0x28: {  	s2 =	sld [smem:$0x3FAD]  }
0x29: {  	s4 =	sld [smem:$0x3FAF]  }
0x2a: {  	p0 =	seq.s32 s5, $0x0;
	s5 =	sld [smem:$0x3FB0]  }
0x2b: {  	s6 =	sld [smem:$0x3FB1]  }
0x2c: {  	s7 =	sld [smem:$0x3FB2]  }
0x2d: {  	s3 =	simm.s32 $0x108;
	s8 =	sld [smem:$0x3FB3]  }
0x2e: {  	s3 =	simm.s32 @!p0 $0x1082;
	s9 =	sld [smem:$0x3FB4]  }
0x2f: {  	lr =	sadd.s32 s0, s3;
	s0 =	sld [smem:$0x3FAB]  }
0x30: {  	s3 =	sld [smem:$0x3FAE]  }
0x31: {  	[smem:$0x3FB7] =	sst s10  }
0x32: {  	s10 =	sld [smem:$0x3FB5];
	_ =	sdelay $0x3  }
0x33: {  	p0 =	seq.s32 s10, $0x1;
	s10 =	sld [smem:$0x3FB7];
	_ =	sdelay $0x3  }
0x34: {  	[smem:$0x3FB7] =	sst s10  }
0x35: {  	s10 =	sld [smem:$0x3FB6];
	_ =	sdelay $0x3  }
0x36: {  	p1 =	seq.s32 s10, $0x1;
	s10 =	sld [smem:$0x3FB7];
	_ =	sdelay $0x3  }
0x37: {  	[smem:$0x3FB7] =	sst s10  }
0x38: {  	s10 =	sld [smem:$0x3FB8]  }
0x39: {  	_ = 	snop;
	(pc) =	sbr.ind lr, $3  }
0x3a: {  	_ = 	snop  }
0x3b: {  	_ = 	snop  }
0x3c: {  	p2 =	seq.s32 s10, $0x1;
	s10 =	sld [smem:$0x3FB7]  }
0x3d: {  	_ =	shalt  }
0x3e: {  	_ =	shalt  }
0x3f: {  	_ =	shalt  }
0x40: {  	_ =	shalt  }
0x41: {  	_ =	shalt  }
0x42: {  	_ =	shalt  }
0x43: {  	_ =	shalt  }
0x44: {  	_ =	shalt  }
0x45: {  	_ =	shalt  }
0x46: {  	_ =	shalt  }
0x47: {  	_ =	shalt  }
0x48: {  	_ =	shalt  }
0x49: {  	_ =	shalt  }
0x4a: {  	_ =	shalt  }
0x4b: {  	_ =	shalt  }
0x4c: {  	_ =	shalt  }
0x4d: {  	_ =	shalt  }
0x4e: {  	_ =	shalt  }
0x4f: {  	_ =	shalt  }
0x50: {  	_ =	shalt  }
0x51: {  	_ =	shalt  }
0x52: {  	_ =	shalt  }
0x53: {  	_ =	shalt  }
0x54: {  	_ =	shalt  }
0x55: {  	_ =	shalt  }
0x56: {  	_ =	shalt  }
0x57: {  	_ =	shalt  }
0x58: {  	_ =	shalt  }
0x59: {  	_ =	shalt  }
0x5a: {  	_ =	shalt  }
0x5b: {  	_ =	shalt  }
0x5c: {  	_ =	shalt  }
0x5d: {  	_ =	shalt  }
0x5e: {  	_ =	shalt  }
0x5f: {  	_ =	shalt  }
0x60: {  	_ =	shalt  }
0x61: {  	_ =	shalt  }
0x62: {  	_ =	shalt  }
0x63: {  	_ =	shalt  }
0x64: {  	_ =	shalt  }
0x65: {  	_ =	shalt  }
0x66: {  	_ =	shalt  }
0x67: {  	_ =	shalt  }
0x68: {  	_ =	shalt  }
0x69: {  	_ =	shalt  }
0x6a: {  	_ =	shalt  }
0x6b: {  	_ =	shalt  }
0x6c: {  	_ =	shalt  }
0x6d: {  	_ =	shalt  }
0x6e: {  	_ =	shalt  }
0x6f: {  	_ =	shalt  }
0x70: {  	_ =	shalt  }
0x71: {  	_ =	shalt  }
0x72: {  	_ =	shalt  }
0x73: {  	_ =	shalt  }
0x74: {  	_ =	shalt  }
0x75: {  	_ =	shalt  }
0x76: {  	_ =	shalt  }
0x77: {  	_ =	shalt  }
0x78: {  	_ =	shalt  }
0x79: {  	_ =	shalt  }
0x7a: {  	_ =	shalt  }
0x7b: {  	_ =	shalt  }
0x7c: {  	_ =	shalt  }
0x7d: {  	_ =	shalt  }
0x7e: {  	_ =	shalt  }
0x7f: {  	_ =	shalt  }
0x80: {  	_ =	shalt  }
0x81: {  	_ =	shalt  }
0x82: {  	_ =	shalt  }
0x83: {  	_ =	shalt  }
0x84: {  	_ =	shalt  }
0x85: {  	_ =	shalt  }
0x86: {  	_ =	shalt  }
0x87: {  	_ =	shalt  }
.Lfunc_end0:
.L_simem_size_0:
called_computation.2_lowered:
.L_overlay_start_0:
0x88: {  	s2 =	sld [smem:$0x3FD9]  }
0x89: {  	s3 =	sld [smem:$0x3FFE];
	_ =	sdelay $0x1  }
0x8a: {  	s1 =	srdreg.scid  }
0x8b: {  	s0 =	sand.u32 $0x1, s1  }
0x8c: {  	s16 =	sshll.u32 s0, $0xA;
	s2 =	sadd.s32 s3, s2  }
0x8d: {  	s2 =	sadd.s32 s2, s16  }
0x8e: {  	[smem:$0x3FC3] =	sst s2  }
0x8f: {  	_ = 	snop  }
0x90: {  	(tm) =	ssettm $0x1  }
0x91: {  	s17 =	sld [smem:$0x3FFB];
	_ =	sdelay $0x3  }
0x92: {  	_ =	strace s17  }
0x93: {  	s2 =	sld [smem:$0x3FFC];
	_ =	sdelay $0x3  }
0x94: {  	_ =	strace s2  }
0x95: {  	s2 =	sld [smem:$0x3FFD];
	_ =	sdelay $0x3  }
0x96: {  	_ =	strace s2  }
0x97: {  	_ =	strace $0x8FFFFFFF  }
0x98: {  	s18 =	sld [smem:$0x3FDB];
	_ =	sdelay $0x1  }
0x99: {  	s19 =	simm.s32 $_scs_section_size  }
0x9a: {  	s4 =	simm.s32 $_size__tile_overlayer_lowered;
	s5 =	simm.s32 $_tile_overlayer_lowered  }
0x9b: {  	s22 =	simm.s32 $0x1BFF;
	s21 =	sshll.u32 s5, $0x1;
	s2 =	sadd.s32 s19, s18  }
0x9c: {  	s6 =	simm.s32 $0x0;
	s20 =	sshll.u32 s4, $0x1;
	s4 =	sadd.s32 s21, s2  }
0x9d: {  	[timem:s6], [sflag:s22] =	dma.local [hbm:s4], s20  }
0x9e: {  	_ =	swait.ge [sflag:s22], s20  }
0x9f: {  	s3 =	ssub.s32 $0x0, s20;
	[sflag:s22] =	ssyncset.done $0x0  }
0xa0: {  	[sflag:s22] =	ssyncadd.s32 s3;
	_ =	sdelay $0x1  }
0xa1: {  	s23 =	simm.s32 $0x1B8B  }
0xa2: {  	_ =	swait.ge [sflag:s23], $0x1  }
0xa3: {  	[sflag:s23] =	ssyncset.done $0x0  }
0xa4: {  	s25 =	simm.s32 $0x1B8E;
	s24 =	sld [smem:$0x3FFE];
	[sflag:s23] =	ssyncadd.s32 $0xFFFFFFFF  }
0xa5: {  	s26 =	simm.s32 $execute0_lowered;
	[smem:$0x3FD2] =	sst s25  }
0xa6: {  	s4 =	sshll.u32 s26, $0x1;
	_ =	strace $0x8000004C;
	[dreg:$0x1] =	wrdreg $0xFFFFFFFF  }
0xa7: {  	s28 =	simm.s32 $_size_execute0_lowered;
	s2 =	sadd.s32 s2, s4;
	[dreg:$0x0] =	wrdreg $0x0  }
0xa8: {  	s4 =	sshll.u32 s28, $0x1;
	[dreg:$0x2] =	wrdreg s2  }
0xa9: {  	[dreg:$0x3] =	wrdreg s4  }
0xaa: {  	[dreg:$0x4] =	wrdreg $0xC0  }
0xab: {  	_ =	task [dreg:s6], $0x5FFFF  }
0xac: {  	[dreg:$0x1] =	wrdreg $0xFFFFFFFF  }
0xad: {  	[dreg:$0x0] =	wrdreg $0x60  }
0xae: {  	[dreg:$0x2] =	wrdreg s24  }
0xaf: {  	[dreg:$0x3] =	wrdreg $0x9  }
0xb0: {  	_ =	task.clear_ibuf [dreg:s6], $0x4FFFF;
	_ =	strace $0x9000004C  }
0xb1: {  	s29 =	simm.s32 $0x9;
	_ =	strace $0x8000004E  }
0xb2: {  	_ =	swait.ge [sflag:s29], $0x1  }
0xb3: {  	[sflag:s29] =	ssyncadd.s32 $0xFFFFFFFF  }
0xb4: {  	_ =	strace $0x9000004E  }
0xb5: {  	_ =	sfence  }
0xb6: {  	s30 =	sld [smem:$0x0];
	_ =	sdelay $0x2  }
0xb7: {  	s31 =	sshll.u32 s1, $0xD;
	s1 =	sshrl.u32 s1, $0x2  }
0xb8: {  	s3 =	sand.u32 $0x4000, s31;
	s1 =	sadd.s32 s1, s30  }
0xb9: {  	s0 =	sor.u32 s3, s0;
	s1 =	sshll.u32 s1, $0x11  }
0xba: {  	s0 =	sor.u32 s1, s0  }
0xbb: {  	s0 =	sadd.s32 $0x8F2B, s0  }
0xbc: {  	[sflag:s0] =	ssyncadd.remote.s32 $0x1  }
0xbd: {  	_ =	sfence.sel $0xFFFF  }
0xbe: {  	[dreg:$0x0] =	wrdreg $0xFFFFFFFF;
	(pc) =	sbr.abs _section_cstart, $3  }
0xbf: {  	[dreg:$0x1] =	wrdreg $0xFFFFFFFF  }
0xc0: {  	_ =	task.clear_ibuf [dreg:s6], $0x2FFFF;
	_ =	strace $0x9FFFFFFF  }
0xc1: {  	(tm) =	ssettm $0x7FFFFFFF  }
tec
execute0_lowered:
.L_overlay_start_1:
0x0: {  	(tag) =	ssettag $0x1  }
0x1: {  	v0 =	vimm.s32 $0xECA86420;
	vm0 =	vcmask $0xB08;
	vm1 =	vcmask $0x1310  }
0x2: {  	vm2 =	vcmask $0x1B18;
	vm4 =	vcmask $0x300;
	vm5 =	vcmask $0x2320  }
0x3: {  	vm6 =	vcmask $0x2B28;
	vm7 =	vcmask $0x3330;
	vm13 =	vcmask $0x3B38  }
0x4: {  	v6 =	vlaneseq.u32;
	v1 =	vimm.s32 $0x1380;
	vm8 =	vcmask $0x704  }
0x5: {  	v3 =	vimm.s32 $0x1381;
	vm9 =	vcmask $0xF0C;
	vm3 =	vmmov $0xff  }
0x6: {  	v4 =	vimm.s32 $0x0;
	vm11 =	vcmask $0x1714;
	vm12 =	vcmask $0x1F1C  }
0x7: {  	vm14 =	vcmask $0x2F2C;
	vm15 =	vcmask $0x3734;
	v9 =	vimm.s32 $0x1382  }
0x8: {  	v11 =	vimm.s32 $0x1383;
	v12 =	vimm.s32 $0x3380;
	v15 =	vimm.s32 $0x3381  }
0x9: {  	v17 =	vimm.s32 $0x3382;
	v18 =	vimm.s32 $0x3383;
	v22 =	vimm.s32 $0x0  }
0xa: {  	v0 =	vunpack.c.l.s4.s8 v0;
	v2 =	vsel vm4, $0x0, v1;
	v1 =	vmul.u32 $0x2, v6  }
0xb: {  	v3 =	vsel vm4, $0x1, v3;
	v4 =	vsel vm3, $0xFFFFFFFF, v4;
	vm3 =	vcmask $0x2724  }
0xc: {  	v7 =	vshrl.u32 v6, $0x3;
	v10 =	vsel vm4, $0x2, v9;
	v11 =	vsel vm4, $0x3, v11  }
0xd: {  	v12 =	vsel vm4, $0x2000, v12;
	v16 =	vsel vm4, $0x2001, v15;
	v17 =	vsel vm4, $0x2002, v17  }
0xe: {  	v18 =	vsel vm4, $0x2003, v18;
	v2 =	vsel vm8, $0x80, v2;
	v3 =	vsel vm8, $0x81, v3  }
0xf: {  	v10 =	vsel vm8, $0x82, v10;
	v11 =	vsel vm8, $0x83, v11;
	v12 =	vsel vm8, $0x2080, v12  }
0x10: {  	v16 =	vsel vm8, $0x2081, v16;
	v17 =	vsel vm8, $0x2082, v17;
	v18 =	vsel vm8, $0x2083, v18  }
0x11: {  	v0 =	vunpack.c.0.s8.s32 v0;
	v2 =	vsel vm0, $0x100, v2;
	v3 =	vsel vm0, $0x101, v3  }
0x12: {  	v10 =	vsel vm0, $0x102, v10;
	v11 =	vsel vm0, $0x103, v11;
	v12 =	vsel vm0, $0x2100, v12  }
0x13: {  	v16 =	vsel vm0, $0x2101, v16;
	v17 =	vsel vm0, $0x2102, v17;
	v18 =	vsel vm0, $0x2103, v18  }
0x14: {  	vm0 =	vcmask $0x1B18;
	v2 =	vsel vm9, $0x180, v2;
	v3 =	vsel vm9, $0x181, v3  }
0x15: {  	v10 =	vsel vm9, $0x182, v10;
	v11 =	vsel vm9, $0x183, v11;
	v12 =	vsel vm9, $0x2180, v12  }
0x16: {  	v16 =	vsel vm9, $0x2181, v16;
	v17 =	vsel vm9, $0x2182, v17;
	v18 =	vsel vm9, $0x2183, v18  }
0x17: {  	v2 =	vsel vm1, $0x200, v2;
	v3 =	vsel vm1, $0x201, v3;
	v10 =	vsel vm1, $0x202, v10  }
0x18: {  	v11 =	vsel vm1, $0x203, v11;
	v12 =	vsel vm1, $0x2200, v12;
	v16 =	vsel vm1, $0x2201, v16  }
0x19: {  	v17 =	vsel vm1, $0x2202, v17;
	v18 =	vsel vm1, $0x2203, v18;
	vm1 =	vcmask $0xB08  }
0x1a: {  	v2 =	vsel vm11, $0x280, v2;
	v3 =	vsel vm11, $0x281, v3;
	v10 =	vsel vm11, $0x282, v10  }
0x1b: {  	v11 =	vsel vm11, $0x283, v11;
	v12 =	vsel vm11, $0x2280, v12;
	v16 =	vsel vm11, $0x2281, v16  }
0x1c: {  	v17 =	vsel vm11, $0x2282, v17;
	v18 =	vsel vm11, $0x2283, v18;
	v2 =	vsel vm2, $0x300, v2  }
0x1d: {  	v3 =	vsel vm2, $0x301, v3;
	v10 =	vsel vm2, $0x302, v10;
	v11 =	vsel vm2, $0x303, v11  }
0x1e: {  	v12 =	vsel vm2, $0x2300, v12;
	v16 =	vsel vm2, $0x2301, v16;
	v17 =	vsel vm2, $0x2302, v17  }
0x1f: {  	v18 =	vsel vm2, $0x2303, v18;
	vm2 =	vcmask $0x1310;
	v2 =	vsel vm12, $0x380, v2  }
0x20: {  	v3 =	vsel vm12, $0x381, v3;
	v10 =	vsel vm12, $0x382, v10;
	v11 =	vsel vm12, $0x383, v11  }
0x21: {  	v12 =	vsel vm12, $0x2380, v12;
	v16 =	vsel vm12, $0x2381, v16;
	v17 =	vsel vm12, $0x2382, v17  }
0x22: {  	[tilespmem:$0x1FFE0] =	vst v4;
	v18 =	vsel vm12, $0x2383, v18;
	v4 =	vsel vm5, $0x1000, v2;
	v2 =	vimm.s32 $0x0  }
0x23: {  	v5 =	vsel vm5, $0x1001, v3;
	v3 =	vand.u32 $0x7, v6;
	v10 =	vsel vm5, $0x1002, v10  }
0x24: {  	v11 =	vsel vm5, $0x1003, v11;
	v12 =	vsel vm5, $0x3000, v12;
	v16 =	vsel vm5, $0x3001, v16  }
0x25: {  	v17 =	vsel vm5, $0x3002, v17;
	v18 =	vsel vm5, $0x3003, v18;
	v4 =	vsel vm3, $0x1080, v4  }
0x26: {  	v5 =	vsel vm3, $0x1081, v5;
	v10 =	vsel vm3, $0x1082, v10;
	v11 =	vsel vm3, $0x1083, v11  }
0x27: {  	v12 =	vsel vm3, $0x3080, v12;
	v16 =	vsel vm3, $0x3081, v16;
	v17 =	vsel vm3, $0x3082, v17  }
0x28: {  	v18 =	vsel vm3, $0x3083, v18;
	vm3 =	vmmov $0xffff;
	v4 =	vsel vm6, $0x1100, v4  }
0x29: {  	v5 =	vsel vm6, $0x1101, v5;
	v10 =	vsel vm6, $0x1102, v10;
	v11 =	vsel vm6, $0x1103, v11  }
0x2a: {  	s4 =	rddreg [dreg:$0x0];
	s2 =	simm.s32 $0x0;
	v12 =	vsel vm6, $0x3100, v12;
	v16 =	vsel vm6, $0x3101, v16;
	v17 =	vsel vm6, $0x3102, v17  }
0x2b: {  	[smem:$0x7FF] =	sst s2;
	s6 =	sadd.s32 $0x3200, s4;
	v18 =	vsel vm6, $0x3103, v18;
	v22 =	vsel vm3, $0xFFFFFFFF, v22;
	vm6 =	vcmask $0x2B28  }
0x2c: {  	s19 =	simm.s32 $0x980;
	_ =	strace $0x8000004D;
	[dreg:$0x2] =	wrdreg s6;
	vm3 =	vcmask $0x3B38;
	v8 =	vsel vm14, $0x1180, v4;
	v4 =	vmul.u32 $0x8, v7  }
0x2d: {  	s0 =	srdreg.scid;
	s21 =	sadd.s32 $0x13F200, s4;
	[dreg:$0x6] =	wrdreg s19;
	v10 =	vsel vm14, $0x1182, v10;
	v11 =	vsel vm14, $0x1183, v11;
	v12 =	vsel vm14, $0x3180, v12  }
0x2e: {  	s1 =	stileid.u32;
	s20 =	simm.s32 $0x1180;
	[dreg:$0xf] =	wrdreg s21;
	v16 =	vsel vm14, $0x3181, v16;
	v17 =	vsel vm14, $0x3182, v17;
	v18 =	vsel vm14, $0x3183, v18  }
0x2f: {  	s22 =	simm.s32 $0x1980;
	s23 =	simm.s32 $0x2180;
	[dreg:$0x7] =	wrdreg s20;
	v7 =	vsel vm7, $0x1200, v8;
	v8 =	vsel vm14, $0x1181, v5;
	v5 =	vor.u32 $0x8, v6  }
0x30: {  	s25 =	simm.s32 $0x2980;
	s26 =	simm.s32 $0x3180;
	[dreg:$0x8] =	wrdreg s22;
	v6 =	vmul.u32 $0x80, v6;
	v10 =	vsel vm7, $0x1202, v10;
	v13 =	vsel vm7, $0x1203, v11  }
0x31: {  	s29 =	simm.s32 $0x3980;
	s30 =	simm.s32 $0x20;
	[dreg:$0x9] =	wrdreg s23;
	v14 =	vsel vm7, $0x3200, v12;
	v16 =	vsel vm7, $0x3201, v16;
	v19 =	vsel vm7, $0x3202, v17  }
0x32: {  	s0 =	sand.u32 $0x1, s0;
	s28 =	sadd.s32 $0x13F300, s4;
	[dreg:$0xa] =	wrdreg s25;
	v20 =	vsel vm7, $0x3203, v18;
	v7 =	vsel vm15, $0x1280, v7;
	v8 =	vsel vm7, $0x1201, v8  }
0x33: {  	s3 =	sshll.u32 s1, $0x6;
	s5 =	sshll.u32 s0, $0x5;
	[dreg:$0x10] =	wrdreg s28;
	v10 =	vsel vm15, $0x1282, v10;
	v13 =	vsel vm15, $0x1283, v13;
	v14 =	vsel vm15, $0x3280, v14  }
0x34: {  	s31 =	simm.s32 $0x100;
	s3 =	sor.u32 s5, s3;
	[dreg:$0xb] =	wrdreg s26;
	v16 =	vsel vm15, $0x3281, v16;
	v19 =	vsel vm15, $0x3282, v19;
	v20 =	vsel vm15, $0x3283, v20  }
0x35: {  	s0 =	ssub.s32 $0x2, s0;
	[dreg:$0xc] =	wrdreg s29;
	s5 =	sshrl.u32 s3, $0x3;
	vm7 =	vcmask $0x3330;
	v8 =	vsel vm15, $0x1281, v8;
	v7 =	vsel vm13, $0x1300, v7  }
0x36: {  	[dreg:$0xd] =	wrdreg s30;
	s3 =	sshll.u32 s3, $0x4;
	s5 =	sadd.s32 s5, s4;
	v9 =	vor.u32 $0x1, v6;
	v10 =	vsel vm13, $0x1302, v10;
	v11 =	vor.u32 $0x2, v6  }
0x37: {  	[dreg:$0xe] =	wrdreg s31;
	s3 =	sadd.s32 s3, s4;
	s5 =	sadd.s32 $0x2A00, s5;
	v12 =	vsel vm13, $0x1303, v13;
	v13 =	vor.u32 $0x3, v6;
	v14 =	vsel vm13, $0x3300, v14  }
0x38: {  	s24 =	sshrl.u32 s0, $0x1;
	s18 =	sadd.s32 $0x5A00, s3;
	[dreg:$0x3] =	wrdreg s5;
	v15 =	vor.u32 $0x800, v6;
	v16 =	vsel vm13, $0x3301, v16;
	v17 =	vor.u32 $0x801, v6  }
0x39: {  	s0 =	ssub.s32 s0, s24;
	s3 =	sadd.s32 $0x9A00, s3;
	[dreg:$0x4] =	wrdreg s18;
	v18 =	vsel vm13, $0x3302, v19;
	v19 =	vor.u32 $0x802, v6;
	v20 =	vsel vm13, $0x3303, v20  }
0x3a: {  	s1 =	smax.u32 s0, $0x1;
	[dreg:$0x5] =	wrdreg s3;
	[tilespmem:$0x1FFF0] =	vst v22;
	v21 =	vor.u32 $0x803, v6;
	vm15 =	vcmask $0x1F1C;
	v8 =	vsel vm13, $0x1301, v8  }
.LBB2_1:
0x3b: {  	[dreg:$0x11] =	wrdreg s1  }
0x3c: {  	s0 =	rddreg [dreg:$0x3];
	s30 =	simm.s32 $0x0;
	s31 =	simm.s32 $0x2  }
0x3d: {  	[tilespmem:s30], [sflag:$0x2] =	stream.linear.gather [hbm4b:s0+s30], $0x20, $0x38;
	[tilespmem:$0x7180] =	vst v63  }
0x3e: {  	_ =	swait.ge [sflag:s31], $0x20  }
0x3f: {  	[sflag:s31] =	ssyncset.done $0x0  }
0x40: {  	[sflag:s31] =	ssyncadd.s32 $0xFFFFFFE0  }
0x41: {  	v23 =	vld [tilespmem:$0x0];
	_ =	sdelay $0x4  }
0x42: {  	(v2sf) =	vpush v23, $0xD;
	_ =	sdelay $0x1  }
0x43: {  	(v2sf) =	vpush v23, $0xC;
	_ =	sdelay $0x1  }
0x44: {  	(v2sf) =	vpush v23, $0xE;
	_ =	sdelay $0x1  }
0x45: {  	(v2sf) =	vpush v23, $0xF;
	_ =	sdelay $0x1  }
0x46: {  	(v2sf) =	vpush v23, $0x9;
	_ =	sdelay $0x1  }
0x47: {  	(v2sf) =	vpush v23, $0x8;
	_ =	sdelay $0x1  }
0x48: {  	(v2sf) =	vpush v23, $0xA;
	_ =	sdelay $0x1  }
0x49: {  	(v2sf) =	vpush v23, $0xB  }
0x4a: {  	s1 =	spop (v2sf)  }
0x4b: {  	(v2sf) =	vpush v23, $0x0;
	s12 =	smulhi.u32 $0x66666667, s1;
	s0 =	sshra.s32 s1, $0x1F  }
0x4c: {  	s13 =	spop (v2sf);
	s0 =	smul.u32 $0x66666667, s0  }
0x4d: {  	(v2sf) =	vpush v23, $0x1;
	s14 =	smulhi.u32 $0x66666667, s13;
	s13 =	sshra.s32 s13, $0x1F  }
0x4e: {  	s15 =	spop (v2sf);
	s13 =	smul.u32 $0x66666667, s13  }
0x4f: {  	(v2sf) =	vpush v23, $0x2;
	s16 =	smulhi.u32 $0x66666667, s15;
	s15 =	sshra.s32 s15, $0x1F  }
0x50: {  	s17 =	spop (v2sf);
	s15 =	smul.u32 $0x66666667, s15  }
0x51: {  	(v2sf) =	vpush v23, $0x3;
	s18 =	smulhi.u32 $0x66666667, s17;
	s17 =	sshra.s32 s17, $0x1F  }
0x52: {  	s19 =	spop (v2sf);
	s17 =	smul.u32 $0x66666667, s17  }
0x53: {  	(v2sf) =	vpush v23, $0x4;
	s20 =	smulhi.u32 $0x66666667, s19;
	s19 =	sshra.s32 s19, $0x1F  }
0x54: {  	s2 =	spop (v2sf);
	s23 =	smul.u32 $0x66666667, s19  }
0x55: {  	(v2sf) =	vpush v23, $0x5;
	s24 =	smulhi.u32 $0x66666667, s2;
	s19 =	sshra.s32 s2, $0x1F  }
0x56: {  	v22 =	vld [tilespmem:$0x10];
	s3 =	spop (v2sf);
	s25 =	smul.u32 $0x66666667, s19  }
0x57: {  	(v2sf) =	vpush v23, $0x6;
	s26 =	smulhi.u32 $0x66666667, s3;
	s19 =	sshra.s32 s3, $0x1F  }
0x58: {  	s4 =	spop (v2sf);
	s28 =	smul.u32 $0x66666667, s19  }
0x59: {  	(v2sf) =	vpush v23, $0x7;
	s2 =	smulhi.u32 $0x66666667, s4;
	s19 =	sshra.s32 s4, $0x1F  }
0x5a: {  	s30 =	smul.u32 $0x66666667, s19;
	s5 =	spop (v2sf)  }
0x5b: {  	(v2sf) =	vpush v22, $0xD;
	s31 =	smulhi.u32 $0x66666667, s5;
	s19 =	sshra.s32 s5, $0x1F  }
0x5c: {  	s6 =	spop (v2sf);
	s1 =	smul.u32 $0x66666667, s19  }
0x5d: {  	(v2sf) =	vpush v22, $0xC;
	s8 =	smulhi.u32 $0x66666667, s6;
	s19 =	sshra.s32 s6, $0x1F  }
0x5e: {  	s7 =	spop (v2sf);
	s3 =	smul.u32 $0x66666667, s19  }
0x5f: {  	(v2sf) =	vpush v22, $0xE;
	s4 =	smulhi.u32 $0x66666667, s7;
	s19 =	sshra.s32 s7, $0x1F  }
0x60: {  	s9 =	spop (v2sf);
	s6 =	smul.u32 $0x66666667, s19  }
0x61: {  	(v2sf) =	vpush v22, $0xF;
	s7 =	smulhi.u32 $0x66666667, s9;
	s19 =	sshra.s32 s9, $0x1F  }
0x62: {  	s21 =	spop (v2sf);
	s9 =	smul.u32 $0x66666667, s19  }
0x63: {  	(v2sf) =	vpush v22, $0x9;
	s19 =	sadd.s32 s0, s12;
	s12 =	smulhi.u32 $0x66666667, s21;
	s10 =	sshra.s32 s21, $0x1F  }
0x64: {  	s21 =	sadd.s32 s13, s14;
	s11 =	spop (v2sf);
	s13 =	smul.u32 $0x66666667, s10  }
0x65: {  	s22 =	sadd.s32 s15, s16;
	(v2sf) =	vpush v22, $0x8;
	s14 =	smulhi.u32 $0x66666667, s11;
	s0 =	sshra.s32 s11, $0x1F  }
0x66: {  	s29 =	sadd.s32 s17, s18;
	s18 =	spop (v2sf);
	s15 =	smul.u32 $0x66666667, s0  }
0x67: {  	s23 =	sadd.s32 s23, s20;
	s16 =	smulhi.u32 $0x66666667, s18;
	s0 =	sshra.s32 s18, $0x1F  }
0x68: {  	s11 =	sadd.s32 s25, s24;
	s25 =	spop (v2sf);
	s17 =	smul.u32 $0x66666667, s0  }
0x69: {  	s5 =	sadd.s32 s30, s2;
	s18 =	smulhi.u32 $0x66666667, s25;
	s0 =	sshra.s32 s25, $0x1F  }
0x6a: {  	s10 =	sadd.s32 s28, s26;
	s24 =	smul.u32 $0x66666667, s0;
	s26 =	spop (v2sf)  }
0x6b: {  	s1 =	sadd.s32 s1, s31;
	s25 =	smulhi.u32 $0x66666667, s26;
	s0 =	sshra.s32 s26, $0x1F  }
0x6c: {  	s3 =	sadd.s32 s3, s8;
	s28 =	spop (v2sf);
	s8 =	smul.u32 $0x66666667, s0  }
0x6d: {  	s2 =	sadd.s32 s6, s4;
	s4 =	smulhi.u32 $0x66666667, s28;
	s30 =	sshra.s32 s28, $0x1F  }
0x6e: {  	s31 =	sadd.s32 s9, s7;
	s0 =	spop (v2sf);
	s6 =	smul.u32 $0x66666667, s30  }
0x6f: {  	s20 =	sadd.s32 s17, s16;
	s9 =	smulhi.u32 $0x66666667, s0;
	s7 =	sshra.s32 s0, $0x1F  }
0x70: {  	s26 =	sadd.s32 s15, s14;
	s15 =	spop (v2sf);
	s7 =	smul.u32 $0x66666667, s7  }
0x71: {  	s30 =	sadd.s32 s13, s12;
	s16 =	smulhi.u32 $0x66666667, s15;
	s12 =	sshra.s32 s15, $0x1F  }
0x72: {  	s28 =	spop (v2sf);
	s0 =	sadd.s32 s8, s25;
	s12 =	smul.u32 $0x66666667, s12  }
0x73: {  	s18 =	sadd.s32 s24, s18;
	[dreg:$0x16] =	wrdreg s0;
	s8 =	smulhi.u32 $0x66666667, s28  }
0x74: {  	s14 =	sshra.s32 s28, $0x1F;
	s13 =	sadd.s32 s6, s4;
	s17 =	spop (v2sf)  }
0x75: {  	s0 =	sshra.s32 s1, $0x5;
	[dreg:$0x14] =	wrdreg s13;
	s15 =	smul.u32 $0x66666667, s14  }
0x76: {  	s24 =	sadd.s32 s7, s9;
	s25 =	smulhi.u32 $0x66666667, s17;
	s6 =	sshra.s32 s17, $0x1F  }
0x77: {  	(v2sf) =	vpush v22, $0xA;
	s13 =	sshrl.u32 s19, $0x1F;
	s14 =	sshrl.u32 s11, $0x1F;
	s9 =	sshra.s32 s5, $0x5  }
0x78: {  	s17 =	sshrl.u32 s31, $0x1F;
	[dreg:$0x17] =	wrdreg s24;
	s28 =	sadd.s32 s12, s16  }
0x79: {  	(v2sf) =	vpush v22, $0xB;
	s6 =	smul.u32 $0x66666667, s6;
	s16 =	sshrl.u32 s21, $0x1F;
	s12 =	sshrl.u32 s22, $0x1F  }
0x7a: {  	s22 =	sshra.s32 s22, $0x5;
	s24 =	sshra.s32 s23, $0x5;
	[dreg:$0x19] =	wrdreg s9  }
0x7b: {  	(v2sf) =	vpush v22, $0x0;
	s9 =	sshra.s32 s31, $0x5;
	s31 =	sshra.s32 s31, $0x1F;
	v27 =	vmov s14;
	s14 =	sshra.s32 s20, $0x5  }
0x7c: {  	[dreg:$0x15] =	wrdreg s28;
	s4 =	sadd.s32 s15, s8;
	s15 =	sshrl.u32 s29, $0x1F  }
0x7d: {  	(v2sf) =	vpush v22, $0x1;
	s28 =	sshra.s32 s21, $0x5;
	s8 =	sshra.s32 s29, $0x5;
	s29 =	sshra.s32 s11, $0x5  }
0x7e: {  	(v2sf) =	vpush v22, $0x2;
	s11 =	sshrl.u32 s10, $0x1F;
	s21 =	sshrl.u32 s5, $0x1F;
	s5 =	sshrl.u32 s1, $0x1F  }
0x7f: {  	(v2sf) =	vpush v22, $0x3;
	s1 =	sshra.s32 s1, $0x1F;
	v25 =	vmov s16;
	s16 =	sshrl.u32 s30, $0x1F;
	[dreg:$0x13] =	wrdreg s4  }
0x80: {  	(v2sf) =	vpush v22, $0x4;
	s7 =	sadd.s32 s6, s25;
	s25 =	sshra.s32 s19, $0x5;
	[dreg:$0x18] =	wrdreg s8  }
0x81: {  	vm4 =	vcmask $0x300;
	vm12 =	vcmask $0x704;
	(v2sf) =	vpush v22, $0x5;
	s19 =	sshrl.u32 s23, $0x1F;
	s23 =	sshra.s32 s10, $0x5;
	s6 =	sshrl.u32 s3, $0x1F  }
0x82: {  	vm13 =	vcmask $0xF0C;
	(v2sf) =	vpush v22, $0x6;
	s4 =	sshra.s32 s3, $0x5;
	s3 =	sshra.s32 s3, $0x1F;
	v29 =	vmov s29;
	s29 =	rddreg [dreg:$0x14]  }
0x83: {  	vm14 =	vcmask $0x1714;
	s8 =	sshra.s32 s2, $0x5;
	s10 =	sshra.s32 s18, $0x1F;
	(v2sf) =	vpush v22, $0x7;
	v28 =	vmov s28;
	s28 =	rddreg [dreg:$0x17]  }
0x84: {  	v25 =	vsel vm1, s13, v25;
	v26 =	vmov s5;
	s5 =	sshra.s32 s30, $0x1F;
	s13 =	sshrl.u32 s20, $0x1F;
	[dreg:$0x12] =	wrdreg s7;
	v24 =	vmov s10  }
0x85: {  	s7 =	sshrl.u32 s2, $0x1F;
	s2 =	sshra.s32 s2, $0x1F;
	s10 =	sshra.s32 s30, $0x5;
	v26 =	vnsel vm4, $0x0, v26;
	v28 =	vsel vm1, s25, v28;
	v24 =	vsel vm4, s0, v24  }
0x86: {  	s25 =	sshrl.u32 s28, $0x1F;
	v29 =	vsel vm1, s24, v29;
	s0 =	spop (v2sf);
	v28 =	vsel vm2, s22, v28;
	s22 =	rddreg [dreg:$0x18];
	v24 =	vsel vm12, s1, v24  }
0x87: {  	v26 =	vsel vm1, s6, v26;
	s6 =	sshra.s32 s26, $0x1F;
	v29 =	vsel vm2, s23, v29;
	s23 =	rddreg [dreg:$0x13];
	s30 =	smulhi.u32 $0x66666667, s0;
	v24 =	vsel vm1, s4, v24  }
0x88: {  	v25 =	vsel vm2, s12, v25;
	s0 =	sshra.s32 s0, $0x1F;
	s12 =	spop (v2sf);
	v28 =	vsel vm0, s22, v28;
	s22 =	sshrl.u32 s23, $0x1F;
	v24 =	vsel vm13, s3, v24  }
0x89: {  	vm5 =	vcmask $0x2320;
	v26 =	vsel vm2, s7, v26;
	s1 =	smul.u32 $0x66666667, s0;
	s0 =	sshrl.u32 s26, $0x1F;
	s4 =	sshra.s32 s12, $0x1F;
	v24 =	vsel vm2, s8, v24  }
0x8a: {  	v25 =	vsel vm0, s15, v25;
	v26 =	vsel vm0, s17, v26;
	s15 =	spop (v2sf);
	s3 =	sshra.s32 s26, $0x5;
	s26 =	smulhi.u32 $0x66666667, s12;
	v24 =	vsel vm14, s2, v24  }
0x8b: {  	v27 =	vsel vm1, s19, v27;
	s4 =	smul.u32 $0x66666667, s4;
	v26 =	vsel vm5, s16, v26;
	s17 =	sshra.s32 s15, $0x1F;
	s12 =	sshrl.u32 s18, $0x1F;
	v24 =	vsel vm0, s9, v24  }
0x8c: {  	v27 =	vsel vm2, s11, v27;
	s16 =	rddreg [dreg:$0x15];
	v26 =	vsel vm6, s0, v26;
	s0 =	sshra.s32 s18, $0x5;
	s11 =	smul.u32 $0x66666667, s17;
	v24 =	vsel vm15, s31, v24  }
0x8d: {  	vm10 =	vcmask $0x2724;
	s17 =	rddreg [dreg:$0x16];
	s24 =	sshrl.u32 s16, $0x1F;
	s18 =	sadd.s32 s1, s30;
	v24 =	vsel vm5, s10, v24  }
0x8e: {  	v27 =	vsel vm0, s21, v27;
	s2 =	sshra.s32 s20, $0x1F;
	s9 =	smulhi.u32 $0x66666667, s15;
	s19 =	spop (v2sf);
	v24 =	vsel vm10, s5, v24  }
0x8f: {  	vm13 =	vcmask $0x2F2C;
	v26 =	vsel vm7, s13, v26;
	s13 =	sshrl.u32 s17, $0x1F;
	s31 =	rddreg [dreg:$0x19];
	s21 =	spop (v2sf);
	v24 =	vsel vm6, s3, v24  }
0x90: {  	v48 =	vld [tilespmem:$0x1FFE0];
	vm12 =	vcmask $0x3734;
	s7 =	smulhi.u32 $0x66666667, s19;
	s20 =	sshra.s32 s19, $0x1F;
	s10 =	spop (v2sf);
	v24 =	vsel vm13, s6, v24  }
0x91: {  	v25 =	vcombine.low v27, v25;
	v29 =	vsel vm0, s31, v29;
	s19 =	sshra.s32 s21, $0x1F;
	s3 =	smul.u32 $0x66666667, s20;
	s15 =	spop (v2sf);
	v24 =	vsel vm7, s14, v24  }
0x92: {  	v26 =	vsel vm3, s12, v26;
	s8 =	sadd.s32 s11, s9;
	v47 =	vcombine.low v29, v28;
	s20 =	smul.u32 $0x66666667, s19;
	s14 =	spop (v2sf);
	v24 =	vsel vm12, s2, v24  }
0x93: {  	v25 =	vperm.xlane v25, v0;
	v26 =	vperm.xlane v26, v1;
	s11 =	sshra.s32 s10, $0x1F;
	s6 =	smulhi.u32 $0x66666667, s21;
	s2 =	spop (v2sf);
	v24 =	vsel vm3, s0, v24  }
0x94: {  	s19 =	sadd.s32 s4, s26;
	v27 =	vperm.xlane v47, v0;
	s12 =	smul.u32 $0x66666667, s11;
	s26 =	spop (v2sf);
	v24 =	vperm.xlane v24, v1  }
0x95: {  	vm8 =	vnez.u8 v48;
	s31 =	rddreg [dreg:$0x12];
	s30 =	smulhi.u32 $0x66666667, s26;
	s4 =	sshra.s32 s26, $0x1F  }
0x96: {  	s5 =	sshrl.u32 s29, $0x1F;
	v25 =	vsel vm8, v26, v25;
	s21 =	sshrl.u32 s31, $0x1F;
	s4 =	smul.u32 $0x66666667, s4;
	v24 =	vsel vm8, v24, v27  }
0x97: {  	v49 =	vmov s5;
	s9 =	smulhi.u32 $0x66666667, s15;
	s3 =	sadd.s32 s3, s7;
	s7 =	sshrl.u32 s19, $0x1F;
	v24 =	vadd.s32 v25, v24  }
0x98: {  	v26 =	vsel vm1, s13, v49;
	s1 =	sadd.s32 s20, s6;
	s0 =	smulhi.u32 $0x66666667, s10;
	s20 =	sadd.s32 s4, s30;
	v25 =	vmul.u32 $0xFFFFFFB0, v24  }
0x99: {  	v50 =	vsub.s32 $0x0, v23;
	vm9 =	vlt.s32 v23, $0x1;
	v26 =	vsel vm2, s25, v26;
	s5 =	sshrl.u32 s3, $0x1F;
	s10 =	sshrl.u32 s18, $0x1F;
	s26 =	sshra.s32 s20, $0x1F  }
0x9a: {  	v53 =	vmov s21;
	s13 =	sshrl.u32 s1, $0x1F;
	s0 =	sadd.s32 s12, s0;
	s12 =	sshra.s32 s8, $0x5;
	v51 =	vmov s26;
	vm11 =	vne.s32 v25, v50  }
0x9b: {  	s25 =	sshra.s32 s0, $0x5;
	s4 =	sshrl.u32 s8, $0x1F;
	s8 =	sshra.s32 s8, $0x1F;
	v23 =	vsel vm4, s12, v51;
	vm9 =	vmand vm9, vm11;
	vm11 =	vcmask $0x704  }
0x9c: {  	v26 =	vsel vm0, s24, v26;
	v27 =	vsel vm1, s22, v53;
	s30 =	sshra.s32 s15, $0x1F;
	s15 =	sshra.s32 s14, $0x1F;
	s26 =	sshra.s32 s3, $0x5;
	v23 =	vsel vm11, s8, v23  }
0x9d: {  	v27 =	vsel vm2, s10, v27;
	s10 =	sshra.s32 s23, $0x5;
	s11 =	smul.u32 $0x66666667, s30;
	s3 =	sshra.s32 s3, $0x1F;
	vm11 =	vcmask $0xF0C;
	v23 =	vsel vm1, s26, v23  }
0x9e: {  	v52 =	vmov s4;
	v27 =	vsel vm0, s7, v27;
	s7 =	sshra.s32 s31, $0x5;
	s12 =	smul.u32 $0x66666667, s15;
	s15 =	sshra.s32 s1, $0x5;
	v23 =	vsel vm11, s3, v23  }
0x9f: {  	s4 =	smulhi.u32 $0x66666667, s14;
	s30 =	sshrl.u32 s0, $0x1F;
	v26 =	vcombine.low v27, v26;
	v55 =	vmov s7;
	s1 =	sshra.s32 s1, $0x1F;
	v23 =	vsel vm2, s15, v23  }
0xa0: {  	s14 =	smulhi.u32 $0x66666667, s2;
	s2 =	sshra.s32 s2, $0x1F;
	s0 =	sshra.s32 s0, $0x1F;
	v25 =	vnsel vm4, $0x0, v52;
	v28 =	vsel vm1, s10, v55;
	v23 =	vsel vm14, s1, v23  }
0xa1: {  	s2 =	smul.u32 $0x66666667, s2;
	s21 =	sadd.s32 s11, s9;
	v25 =	vsel vm1, s5, v25;
	s5 =	sshra.s32 s29, $0x5;
	v26 =	vperm.xlane v26, v0;
	v23 =	vsel vm0, s25, v23  }
0xa2: {  	s9 =	sshra.s32 s17, $0x5;
	s24 =	sshrl.u32 s21, $0x1F;
	v25 =	vsel vm2, s13, v25;
	v54 =	vmov s5;
	s3 =	sshra.s32 s21, $0x5;
	v23 =	vsel vm15, s0, v23  }
0xa3: {  	s2 =	sadd.s32 s2, s14;
	s4 =	sadd.s32 s12, s4;
	s8 =	sshra.s32 s21, $0x1F;
	v56 =	vsel vm9, $0xFFFFFFFF, v2;
	v25 =	vsel vm0, s30, v25;
	v23 =	vsel vm5, s3, v23  }
0xa4: {  	s13 =	sshra.s32 s18, $0x5;
	s26 =	sshrl.u32 s4, $0x1F;
	s11 =	sshra.s32 s4, $0x5;
	v27 =	vsel vm1, s9, v54;
	v25 =	vsel vm5, s24, v25;
	v23 =	vsel vm10, s8, v23  }
0xa5: {  	s12 =	sshra.s32 s28, $0x5;
	s30 =	sshrl.u32 s2, $0x1F;
	s14 =	sshra.s32 s4, $0x1F;
	v28 =	vsel vm2, s13, v28;
	v25 =	vsel vm6, s26, v25;
	v23 =	vsel vm6, s11, v23  }
0xa6: {  	s17 =	sshra.s32 s2, $0x5;
	v27 =	vsel vm2, s12, v27;
	s15 =	sshra.s32 s16, $0x5;
	s16 =	sshra.s32 s19, $0x5;
	v25 =	vsel vm7, s30, v25;
	v23 =	vsel vm13, s14, v23  }
0xa7: {  	s18 =	sshrl.u32 s20, $0x1F;
	s19 =	sshra.s32 s2, $0x1F;
	v27 =	vsel vm0, s15, v27;
	v28 =	vsel vm0, s16, v28;
	v23 =	vsel vm7, s17, v23  }
0xa8: {  	s21 =	sshra.s32 s20, $0x5;
	v25 =	vsel vm3, s18, v25;
	v27 =	vcombine.low v28, v27;
	v23 =	vsel vm12, s19, v23  }
0xa9: {  	v24 =	vadd.s32 v56, v24;
	v25 =	vperm.xlane v25, v1;
	v23 =	vsel vm3, s21, v23  }
0xaa: {  	[tilespmem:$0x80] =	vst v24;
	v27 =	vperm.xlane v27, v0;
	v23 =	vperm.xlane v23, v1  }
0xab: {  	v57 =	vld [tilespmem:$0x80]  }
0xac: {  	v25 =	vsel vm8, v25, v26;
	v23 =	vsel vm8, v23, v27  }
0xad: {  	v23 =	vadd.s32 v25, v23  }
0xae: {  	v58 =	vshra.s32 v24, $0x1F;
	v59 =	vmul.u32 $0xFFFFFFB0, v23  }
0xaf: {  	v60 =	vsub.s32 $0x0, v22;
	vm9 =	vlt.s32 v22, $0x1;
	v26 =	vshrl.u32 v58, $0x1B  }
0xb0: {  	v61 =	vshll.u32 v57, $0x2;
	v26 =	vadd.s32 v26, v24;
	vm11 =	vne.s32 v59, v60  }
0xb1: {  	v22 =	vshra.s32 v26, $0x5;
	v26 =	vand.u32 $0xFFFFFFE0, v61;
	vm9 =	vmand vm9, vm11  }
0xb2: {  	vm11 =	vlt.s32 v24, $0x1;
	v24 =	vand.u32 $0x1F, v24;
	v62 =	vsel vm9, $0xFFFFFFFF, v2  }
0xb3: {  	v25 =	vand.u32 $0x7, v57;
	vm9 =	vne.s32 v24, $0x0;
	v23 =	vadd.s32 v62, v23  }
0xb4: {  	v63 =	vor.u32 v25, v26;
	vm9 =	vmand vm11, vm9;
	v31 =	vshra.s32 v23, $0x1F  }
0xb5: {  	v26 =	vperm.xlane v63, v3;
	v32 =	vsel vm9, $0xFFFFFFFF, v2;
	v25 =	vshrl.u32 v31, $0x1B  }
0xb6: {  	v33 =	vand.u32 $0x1F, v23;
	vm9 =	vlt.s32 v23, $0x1;
	[tilespmem:$0x90] =	vst v23;
	v25 =	vadd.s32 v25, v23;
	v23 =	vld [tilespmem:$0x1FFF0]  }
0xb7: {  	v26 =	vadd.s32 v4, v26;
	vm11 =	vne.s32 v33, $0x0  }
0xb8: {  	v22 =	vadd.s32 v32, v22;
	vm9 =	vmand vm9, vm11  }
0xb9: {  	v24 =	vperm.xlane v63, v5;
	[tilespmem:$0x100] =	vst v22;
	v22 =	vshra.s32 v25, $0x5;
	v34 =	vsel vm9, $0xFFFFFFFF, v2  }
0xba: {  	s22 =	rddreg [dreg:$0x6];
	v22 =	vadd.s32 v34, v22  }
0xbb: {  	s23 =	rddreg [dreg:$0xf];
	s29 =	simm.s32 $0x180;
	s24 =	simm.s32 $0x0;
	[tilespmem:$0x110] =	vst v22;
	v22 =	vadd.s32 v4, v24;
	vm9 =	vnez.u8 v23  }
0xbc: {  	[tilespmem:s29], [sflag:$0x1] =	stream.indirect_vreg.gather [hbm4b:s23+s24], $0x80, v26, vm9, $0xb8;
	[tilespmem:$0x7180] =	vst v63  }
0xbd: {  	s26 =	rddreg [dreg:$0x10]  }
0xbe: {  	[tilespmem:s22], [sflag:$0x1] =	stream.indirect_vreg.gather [hbm4b:s26+s24], $0x80, v26, vm9, $0xb8;
	[tilespmem:$0x7180] =	vst v63  }
0xbf: {  	s25 =	rddreg [dreg:$0x7]  }
0xc0: {  	[tilespmem:s25], [sflag:$0x1] =	stream.indirect_vreg.gather [hbm4b:s23+s24], $0x80, v22, vm9, $0xb8;
	[tilespmem:$0x7180] =	vst v63  }
0xc1: {  	s28 =	rddreg [dreg:$0x8]  }
0xc2: {  	[tilespmem:s28], [sflag:$0x1] =	stream.indirect_vreg.gather [hbm4b:s26+s24], $0x80, v22, vm9, $0xb8;
	[tilespmem:$0x7180] =	vst v63  }
0xc3: {  	v22 =	vld [tilespmem:$0x90];
	_ =	sdelay $0x4  }
0xc4: {  	v23 =	vshll.u32 v22, $0x2  }
0xc5: {  	v22 =	vand.u32 $0x7, v22;
	v23 =	vand.u32 $0xFFFFFFE0, v23  }
0xc6: {  	v22 =	vor.u32 v22, v23  }
0xc7: {  	v23 =	vperm.xlane v22, v3;
	_ =	sdelay $0x1  }
0xc8: {  	v23 =	vadd.s32 v4, v23;
	_ =	sdelay $0x1  }
0xc9: {  	v22 =	vperm.xlane v22, v5;
	_ =	sdelay $0x1  }
0xca: {  	s30 =	rddreg [dreg:$0x9];
	v22 =	vadd.s32 v4, v22  }
0xcb: {  	[tilespmem:s30], [sflag:$0x1] =	stream.indirect_vreg.gather [hbm4b:s23+s24], $0x80, v23, vm9, $0xb8;
	[tilespmem:$0x7180] =	vst v63  }
0xcc: {  	s31 =	rddreg [dreg:$0xa]  }
0xcd: {  	[tilespmem:s31], [sflag:$0x1] =	stream.indirect_vreg.gather [hbm4b:s26+s24], $0x80, v23, vm9, $0xb8;
	[tilespmem:$0x7180] =	vst v63  }
0xce: {  	s5 =	rddreg [dreg:$0xb]  }
0xcf: {  	[tilespmem:s5], [sflag:$0x1] =	stream.indirect_vreg.gather [hbm4b:s23+s24], $0x80, v22, vm9, $0xb8;
	[tilespmem:$0x7180] =	vst v63  }
0xd0: {  	s6 =	rddreg [dreg:$0xc];
	s7 =	simm.s32 $0x1  }
0xd1: {  	[tilespmem:s6], [sflag:$0x1] =	stream.indirect_vreg.gather [hbm4b:s26+s24], $0x80, v22, vm9, $0xb8;
	[tilespmem:$0x7180] =	vst v63  }
0xd2: {  	_ =	swait.ge [sflag:s7], $0x4000  }
0xd3: {  	s8 =	rddreg [dreg:$0x2]  }
0xd4: {  	s9 =	rddreg [dreg:$0xd];
	[sflag:s7] =	ssyncset.done $0x0  }
0xd5: {  	s30 =	simm.s32 $0x4180;
	s10 =	rddreg [dreg:$0xe];
	[sflag:s7] =	ssyncadd.s32 $0xFFFFC000  }
0xd6: {  	[tilespmem:s30], [sflag:$0x1] =	stream.indirect.gather [hbm4b:s8+s9], $0x80, s10, s9, $0xb8;
	[tilespmem:$0x7180] =	vst v63  }
0xd7: {  	_ =	swait.ge [sflag:s7], $0x1000  }
0xd8: {  	[sflag:s7] =	ssyncset.done $0x0  }
0xd9: {  	[sflag:s7] =	ssyncadd.s32 $0xFFFFF000  }
0xda: {  	v22 =	vld [tilespmem:$0x0];
	_ =	sdelay $0x4  }
0xdb: {  	(v2sf) =	vpush v22, $0xD;
	_ =	sdelay $0x1  }
0xdc: {  	(v2sf) =	vpush v22, $0xC;
	_ =	sdelay $0x1  }
0xdd: {  	(v2sf) =	vpush v22, $0xE;
	_ =	sdelay $0x1  }
0xde: {  	(v2sf) =	vpush v22, $0xF;
	_ =	sdelay $0x1  }
0xdf: {  	(v2sf) =	vpush v22, $0x9;
	_ =	sdelay $0x1  }
0xe0: {  	(v2sf) =	vpush v22, $0x8;
	_ =	sdelay $0x1  }
0xe1: {  	(v2sf) =	vpush v22, $0xA;
	_ =	sdelay $0x1  }
0xe2: {  	(v2sf) =	vpush v22, $0xB  }
0xe3: {  	s11 =	spop (v2sf)  }
0xe4: {  	(v2sf) =	vpush v22, $0x0;
	s12 =	smulhi.u32 $0x66666667, s11;
	s0 =	sshra.s32 s11, $0x1F  }
0xe5: {  	(v2sf) =	vpush v22, $0x1;
	s13 =	spop (v2sf);
	s0 =	smul.u32 $0x66666667, s0  }
0xe6: {  	(v2sf) =	vpush v22, $0x2;
	s14 =	smulhi.u32 $0x66666667, s13;
	s2 =	sshra.s32 s13, $0x1F  }
0xe7: {  	s15 =	spop (v2sf);
	(v2sf) =	vpush v22, $0x3;
	s2 =	smul.u32 $0x66666667, s2  }
0xe8: {  	s16 =	smulhi.u32 $0x66666667, s15;
	s4 =	sshra.s32 s15, $0x1F;
	(v2sf) =	vpush v22, $0x4  }
0xe9: {  	s17 =	spop (v2sf);
	s4 =	smul.u32 $0x66666667, s4;
	(v2sf) =	vpush v22, $0x5  }
0xea: {  	s12 =	sadd.s32 s0, s12;
	s18 =	smulhi.u32 $0x66666667, s17;
	s19 =	sshra.s32 s17, $0x1F;
	(v2sf) =	vpush v22, $0x6  }
0xeb: {  	s20 =	spop (v2sf);
	s21 =	sshrl.u32 s12, $0x1F;
	s1 =	smul.u32 $0x66666667, s19;
	(v2sf) =	vpush v22, $0x7  }
0xec: {  	s15 =	sadd.s32 s2, s14;
	s22 =	smulhi.u32 $0x66666667, s20;
	s25 =	sshra.s32 s20, $0x1F  }
0xed: {  	s26 =	spop (v2sf);
	s6 =	sshrl.u32 s15, $0x1F;
	s3 =	smul.u32 $0x66666667, s25  }
0xee: {  	s13 =	sadd.s32 s4, s16;
	s28 =	smulhi.u32 $0x66666667, s26;
	s8 =	sshra.s32 s26, $0x1F  }
0xef: {  	s9 =	spop (v2sf);
	s23 =	sshrl.u32 s13, $0x1F;
	s5 =	smul.u32 $0x66666667, s8  }
0xf0: {  	s14 =	sadd.s32 s1, s18;
	s0 =	smulhi.u32 $0x66666667, s9;
	s10 =	sshra.s32 s9, $0x1F  }
0xf1: {  	s11 =	spop (v2sf);
	s24 =	sshrl.u32 s14, $0x1F;
	s1 =	smul.u32 $0x66666667, s10  }
0xf2: {  	s16 =	sadd.s32 s3, s22;
	s17 =	smulhi.u32 $0x66666667, s11;
	s20 =	sshra.s32 s11, $0x1F  }
0xf3: {  	s25 =	spop (v2sf);
	s22 =	sshrl.u32 s16, $0x1F;
	s3 =	smul.u32 $0x66666667, s20  }
0xf4: {  	s8 =	smulhi.u32 $0x66666667, s25;
	s7 =	sshra.s32 s25, $0x1F;
	s26 =	spop (v2sf)  }
0xf5: {  	s19 =	sadd.s32 s5, s28;
	s4 =	smul.u32 $0x66666667, s7;
	s28 =	spop (v2sf)  }
0xf6: {  	s7 =	smulhi.u32 $0x66666667, s26;
	s9 =	sshra.s32 s26, $0x1F;
	s10 =	spop (v2sf)  }
0xf7: {  	v35 =	vmov s6;
	s11 =	sshrl.u32 s19, $0x1F;
	s9 =	smul.u32 $0x66666667, s9;
	s25 =	spop (v2sf)  }
0xf8: {  	v24 =	vsel vm1, s21, v35;
	s18 =	smulhi.u32 $0x66666667, s28;
	s5 =	sshra.s32 s28, $0x1F;
	s26 =	spop (v2sf)  }
0xf9: {  	v24 =	vsel vm2, s23, v24;
	s20 =	sadd.s32 s1, s0;
	s0 =	smul.u32 $0x66666667, s5;
	s1 =	spop (v2sf)  }
0xfa: {  	v24 =	vsel vm0, s24, v24;
	s24 =	sshra.s32 s15, $0x5;
	s2 =	smulhi.u32 $0x66666667, s10;
	s5 =	spop (v2sf)  }
0xfb: {  	s17 =	sadd.s32 s3, s17;
	s28 =	smulhi.u32 $0x66666667, s5;
	s3 =	sshra.s32 s5, $0x1F  }
0xfc: {  	s4 =	sadd.s32 s4, s8;
	s10 =	sshra.s32 s10, $0x1F;
	s3 =	smul.u32 $0x66666667, s3  }
0xfd: {  	s7 =	sadd.s32 s9, s7;
	s9 =	sshrl.u32 s20, $0x1F;
	s8 =	smul.u32 $0x66666667, s10  }
0xfe: {  	s10 =	sshrl.u32 s17, $0x1F;
	s0 =	sadd.s32 s0, s18;
	s18 =	sadd.s32 s3, s28  }
0xff: {  	s2 =	sadd.s32 s8, s2;
	s8 =	sshra.s32 s25, $0x1F;
	s28 =	sshra.s32 s18, $0x1F  }
0x100: {  	vm14 =	vcmask $0x704;
	s5 =	smulhi.u32 $0x66666667, s25;
	s25 =	sshrl.u32 s7, $0x1F;
	v23 =	vmov s28;
	s28 =	sshra.s32 s4, $0x5  }
0x101: {  	vm5 =	vmmov vm4;
	vm12 =	vcmask $0xF0C;
	s6 =	smul.u32 $0x66666667, s8;
	s3 =	sshrl.u32 s4, $0x1F;
	s4 =	sshra.s32 s4, $0x1F;
	v23 =	vsel vm4, s28, v23  }
0x102: {  	v37 =	vmov s11;
	v38 =	vmov s24;
	s8 =	sshrl.u32 s0, $0x1F;
	s23 =	sshrl.u32 s2, $0x1F;
	s28 =	sshra.s32 s7, $0x5;
	v23 =	vsel vm14, s4, v23  }
0x103: {  	v26 =	vsel vm1, s22, v37;
	v36 =	vmov s3;
	s3 =	smulhi.u32 $0x66666667, s26;
	s26 =	sshra.s32 s26, $0x1F;
	s7 =	sshra.s32 s7, $0x1F;
	v23 =	vsel vm1, s28, v23  }
0x104: {  	v26 =	vsel vm2, s9, v26;
	s5 =	sadd.s32 s6, s5;
	v25 =	vnsel vm4, $0x0, v36;
	s21 =	smul.u32 $0x66666667, s26;
	s28 =	sshra.s32 s0, $0x5;
	v23 =	vsel vm12, s7, v23  }
0x105: {  	s26 =	smulhi.u32 $0x66666667, s1;
	s1 =	sshra.s32 s1, $0x1F;
	v25 =	vsel vm1, s25, v25;
	vm4 =	vcmask $0x1714;
	s0 =	sshra.s32 s0, $0x1F;
	v23 =	vsel vm2, s28, v23  }
0x106: {  	v26 =	vsel vm0, s10, v26;
	s1 =	smul.u32 $0x66666667, s1;
	s25 =	sshra.s32 s19, $0x5;
	v25 =	vsel vm2, s8, v25;
	s8 =	sshra.s32 s2, $0x5;
	v23 =	vsel vm4, s0, v23  }
0x107: {  	s6 =	sshra.s32 s16, $0x5;
	s3 =	sadd.s32 s21, s3;
	s21 =	sshra.s32 s2, $0x1F;
	v39 =	vmov s25;
	v25 =	vsel vm0, s23, v25;
	v23 =	vsel vm0, s8, v23  }
0x108: {  	s9 =	sshra.s32 s20, $0x5;
	s1 =	sadd.s32 s1, s26;
	s23 =	sshra.s32 s5, $0x5;
	v27 =	vsel vm1, s6, v39;
	vm4 =	vcmask $0x2320;
	v23 =	vsel vm15, s21, v23  }
0x109: {  	v24 =	vcombine.low v26, v24;
	s26 =	sshra.s32 s5, $0x1F;
	s7 =	sshrl.u32 s5, $0x1F;
	v27 =	vsel vm2, s9, v27;
	s28 =	sshra.s32 s12, $0x5;
	v23 =	vsel vm4, s23, v23  }
0x10a: {  	s11 =	sshrl.u32 s3, $0x1F;
	s12 =	sshra.s32 s17, $0x5;
	v26 =	vsel vm1, s28, v38;
	v25 =	vsel vm4, s7, v25;
	s7 =	sshra.s32 s3, $0x5;
	v23 =	vsel vm10, s26, v23  }
0x10b: {  	s10 =	sshra.s32 s3, $0x1F;
	s22 =	sshrl.u32 s1, $0x1F;
	v27 =	vsel vm0, s12, v27;
	s8 =	sshra.s32 s13, $0x5;
	v25 =	vsel vm6, s11, v25;
	v23 =	vsel vm6, s7, v23  }
0x10c: {  	s13 =	sshra.s32 s1, $0x5;
	v26 =	vsel vm2, s8, v26;
	s11 =	sshra.s32 s14, $0x5;
	v25 =	vsel vm7, s22, v25;
	v23 =	vsel vm13, s10, v23  }
0x10d: {  	s15 =	sshra.s32 s1, $0x1F;
	s14 =	sshrl.u32 s18, $0x1F;
	v26 =	vsel vm0, s11, v26;
	vm10 =	vcmask $0x3734;
	v23 =	vsel vm7, s13, v23  }
0x10e: {  	s16 =	sshra.s32 s18, $0x5;
	v25 =	vsel vm3, s14, v25;
	v26 =	vcombine.low v27, v26;
	v23 =	vsel vm10, s15, v23  }
0x10f: {  	v24 =	vperm.xlane v24, v0;
	v25 =	vperm.xlane v25, v1;
	v23 =	vsel vm3, s16, v23  }
0x110: {  	v26 =	vperm.xlane v26, v0;
	v23 =	vperm.xlane v23, v1;
	_ =	sdelay $0x1  }
0x111: {  	v24 =	vsel vm8, v25, v24;
	v23 =	vsel vm8, v23, v26  }
0x112: {  	v23 =	vadd.s32 v24, v23  }
0x113: {  	v24 =	vmul.u32 $0xFFFFFFB0, v23;
	_ =	sdelay $0x1  }
0x114: {  	v24 =	vadd.s32 v22, v24  }
0x115: {  	v40 =	vshll.u32 v24, $0x2  }
0x116: {  	vm9 =	vlt.s32 v24, $0x0;
	v41 =	vadd.s32 $0x140, v40  }
0x117: {  	v25 =	vsel vm9, v41, v40  }
0x118: {  	v26 =	vshll.u32 v25, $0x3  }
0x119: {  	v25 =	vand.u32 $0x7C, v25;
	v26 =	vand.u32 $0xFFFFFC00, v26  }
0x11a: {  	v25 =	vor.u32 v25, v26  }
0x11b: {  	vm11 =	vlt.s32 v22, $0x1;
	vm9 =	vne.s32 v24, $0x0;
	v22 =	vadd.s32 v7, v25  }
0x11c: {  	vm9 =	vmand vm11, vm9  }
0x11d: {  	v42 =	vsel vm9, $0xFFFFFFFF, v2  }
0x11e: {  	v23 =	vadd.s32 v42, v23  }
0x11f: {  	v23 =	vshll.u32 v23, $0x2  }
0x120: {  	v23 =	vand.u32 $0x7C, v23;
	v22 =	vld.idx.msk [tilespmem:v22+s29+$0x0], $0xffff  }
0x121: {  	v43 =	vor.u32 v6, v23;
	_ =	sdelay $0x2  }
0x122: {  	s26 =	simm.s32 $0x5180  }
0x123: {  	[tilespmem:v6+s26+$0x0] =	vst.idx.msk $0xffff, v22  }
0x124: {  	v22 =	vld.idx.msk [tilespmem:v43+s30+$0x0], $0xffff  }
0x125: {  	v44 =	vadd.s32 v8, v25;
	_ =	sdelay $0x2  }
0x126: {  	s28 =	simm.s32 $0x6180  }
0x127: {  	[tilespmem:v6+s28+$0x0] =	vst.idx.msk $0xffff, v22  }
0x128: {  	v22 =	vld.idx.msk [tilespmem:v44+s29+$0x0], $0xffff  }
0x129: {  	v45 =	vor.u32 v9, v23;
	_ =	sdelay $0x3  }
0x12a: {  	[tilespmem:v9+s26+$0x0] =	vst.idx.msk $0xffff, v22  }
0x12b: {  	v22 =	vld.idx.msk [tilespmem:v45+s30+$0x0], $0xffff  }
0x12c: {  	v46 =	vadd.s32 v10, v25;
	_ =	sdelay $0x3  }
0x12d: {  	[tilespmem:v9+s28+$0x0] =	vst.idx.msk $0xffff, v22  }
0x12e: {  	v22 =	vld.idx.msk [tilespmem:v46+s29+$0x0], $0xffff  }
0x12f: {  	v47 =	vor.u32 v11, v23;
	_ =	sdelay $0x3  }
0x130: {  	[tilespmem:v11+s26+$0x0] =	vst.idx.msk $0xffff, v22  }
0x131: {  	v22 =	vld.idx.msk [tilespmem:v47+s30+$0x0], $0xffff  }
0x132: {  	v48 =	vadd.s32 v12, v25;
	_ =	sdelay $0x3  }
0x133: {  	[tilespmem:v11+s28+$0x0] =	vst.idx.msk $0xffff, v22  }
0x134: {  	v22 =	vld.idx.msk [tilespmem:v48+s29+$0x0], $0xffff  }
0x135: {  	v23 =	vor.u32 v13, v23;
	_ =	sdelay $0x3  }
0x136: {  	[tilespmem:v13+s26+$0x0] =	vst.idx.msk $0xffff, v22  }
0x137: {  	v22 =	vld.idx.msk [tilespmem:v23+s30+$0x0], $0xffff;
	_ =	sdelay $0x4  }
0x138: {  	[tilespmem:v13+s28+$0x0] =	vst.idx.msk $0xffff, v22  }
0x139: {  	v22 =	vld [tilespmem:$0x10];
	_ =	sdelay $0x4  }
0x13a: {  	(v2sf) =	vpush v22, $0xD;
	_ =	sdelay $0x1  }
0x13b: {  	(v2sf) =	vpush v22, $0xC;
	_ =	sdelay $0x1  }
0x13c: {  	(v2sf) =	vpush v22, $0xE;
	_ =	sdelay $0x1  }
0x13d: {  	(v2sf) =	vpush v22, $0xF;
	_ =	sdelay $0x1  }
0x13e: {  	(v2sf) =	vpush v22, $0x9;
	_ =	sdelay $0x1  }
0x13f: {  	(v2sf) =	vpush v22, $0x8;
	_ =	sdelay $0x1  }
0x140: {  	(v2sf) =	vpush v22, $0xA;
	_ =	sdelay $0x1  }
0x141: {  	(v2sf) =	vpush v22, $0xB  }
0x142: {  	s17 =	spop (v2sf)  }
0x143: {  	(v2sf) =	vpush v22, $0x0;
	s1 =	smulhi.u32 $0x66666667, s17;
	s0 =	sshra.s32 s17, $0x1F  }
0x144: {  	s18 =	spop (v2sf);
	s0 =	smul.u32 $0x66666667, s0  }
0x145: {  	(v2sf) =	vpush v22, $0x1;
	s3 =	smulhi.u32 $0x66666667, s18;
	s2 =	sshra.s32 s18, $0x1F  }
0x146: {  	s19 =	spop (v2sf);
	s2 =	smul.u32 $0x66666667, s2  }
0x147: {  	s5 =	smulhi.u32 $0x66666667, s19;
	s4 =	sshra.s32 s19, $0x1F  }
0x148: {  	(v2sf) =	vpush v22, $0x2;
	s20 =	spop (v2sf);
	s4 =	smul.u32 $0x66666667, s4  }
0x149: {  	s7 =	smulhi.u32 $0x66666667, s20;
	s6 =	sshra.s32 s20, $0x1F  }
0x14a: {  	(v2sf) =	vpush v22, $0x3;
	s21 =	spop (v2sf);
	s6 =	smul.u32 $0x66666667, s6  }
0x14b: {  	(v2sf) =	vpush v22, $0x4;
	s9 =	smulhi.u32 $0x66666667, s21;
	s8 =	sshra.s32 s21, $0x1F  }
0x14c: {  	(v2sf) =	vpush v22, $0x5;
	s22 =	spop (v2sf);
	s8 =	smul.u32 $0x66666667, s8  }
0x14d: {  	(v2sf) =	vpush v22, $0x6;
	s11 =	smulhi.u32 $0x66666667, s22;
	s10 =	sshra.s32 s22, $0x1F  }
0x14e: {  	(v2sf) =	vpush v22, $0x7;
	s23 =	spop (v2sf);
	s10 =	smul.u32 $0x66666667, s10  }
0x14f: {  	s15 =	smulhi.u32 $0x66666667, s23;
	s12 =	sshra.s32 s23, $0x1F  }
0x150: {  	s24 =	spop (v2sf);
	s16 =	smul.u32 $0x66666667, s12  }
0x151: {  	s18 =	smulhi.u32 $0x66666667, s24;
	s13 =	sshra.s32 s24, $0x1F  }
0x152: {  	s25 =	spop (v2sf);
	s21 =	smul.u32 $0x66666667, s13  }
0x153: {  	s22 =	smulhi.u32 $0x66666667, s25;
	s25 =	sshra.s32 s25, $0x1F  }
0x154: {  	s19 =	spop (v2sf);
	s24 =	smul.u32 $0x66666667, s25  }
0x155: {  	s12 =	sadd.s32 s6, s7;
	s13 =	sadd.s32 s0, s1;
	s0 =	smulhi.u32 $0x66666667, s19  }
0x156: {  	s14 =	sshra.s32 s19, $0x1F;
	s19 =	sadd.s32 s2, s3;
	s7 =	sshrl.u32 s13, $0x1F  }
0x157: {  	s16 =	sadd.s32 s16, s15;
	s1 =	smul.u32 $0x66666667, s14;
	s17 =	spop (v2sf)  }
0x158: {  	s14 =	sadd.s32 s4, s5;
	s2 =	smulhi.u32 $0x66666667, s17;
	s5 =	sshra.s32 s17, $0x1F  }
0x159: {  	s20 =	spop (v2sf);
	s17 =	sadd.s32 s8, s9;
	s3 =	smul.u32 $0x66666667, s5  }
0x15a: {  	s23 =	spop (v2sf);
	s5 =	smulhi.u32 $0x66666667, s20;
	s9 =	sshra.s32 s20, $0x1F  }
0x15b: {  	s20 =	sadd.s32 s10, s11;
	s25 =	spop (v2sf);
	s6 =	smul.u32 $0x66666667, s9  }
0x15c: {  	s8 =	smulhi.u32 $0x66666667, s23;
	s11 =	sshra.s32 s23, $0x1F;
	s4 =	spop (v2sf)  }
0x15d: {  	s15 =	sadd.s32 s21, s18;
	s9 =	smul.u32 $0x66666667, s11;
	s21 =	spop (v2sf)  }
0x15e: {  	s0 =	sadd.s32 s1, s0;
	s23 =	smulhi.u32 $0x66666667, s21;
	s10 =	sshra.s32 s21, $0x1F  }
0x15f: {  	s11 =	sadd.s32 s24, s22;
	s2 =	sadd.s32 s3, s2;
	s24 =	smul.u32 $0x66666667, s10  }
0x160: {  	s3 =	sshrl.u32 s12, $0x1F;
	s1 =	smulhi.u32 $0x66666667, s25;
	s22 =	sshrl.u32 s17, $0x1F  }
0x161: {  	s5 =	sadd.s32 s6, s5;
	s21 =	sshrl.u32 s19, $0x1F;
	s18 =	sadd.s32 s24, s23  }
0x162: {  	s6 =	sadd.s32 s9, s8;
	s9 =	sshra.s32 s25, $0x1F;
	s23 =	sshra.s32 s18, $0x1F  }
0x163: {  	s25 =	sshrl.u32 s11, $0x1F;
	s10 =	sshrl.u32 s14, $0x1F;
	v49 =	vmov s21;
	s24 =	sshra.s32 s11, $0x5;
	v23 =	vmov s23  }
0x164: {  	s8 =	smul.u32 $0x66666667, s9;
	s21 =	sshrl.u32 s20, $0x1F;
	v50 =	vmov s25;
	v24 =	vsel vm1, s7, v49;
	s11 =	sshra.s32 s11, $0x1F;
	v23 =	vsel vm5, s24, v23  }
0x165: {  	s25 =	smulhi.u32 $0x66666667, s4;
	s4 =	sshra.s32 s4, $0x1F;
	v25 =	vnsel vm5, $0x0, v50;
	v51 =	vmov s21;
	s24 =	sshra.s32 s0, $0x5;
	v23 =	vsel vm14, s11, v23  }
0x166: {  	s9 =	sshra.s32 s2, $0x5;
	v24 =	vsel vm2, s10, v24;
	v26 =	vsel vm1, s22, v51;
	s23 =	sshrl.u32 s0, $0x1F;
	s0 =	sshra.s32 s0, $0x1F;
	v23 =	vsel vm1, s24, v23  }
0x167: {  	s7 =	sshrl.u32 s2, $0x1F;
	s4 =	smul.u32 $0x66666667, s4;
	s2 =	sshra.s32 s2, $0x1F;
	v24 =	vsel vm0, s3, v24;
	v25 =	vsel vm1, s23, v25;
	v23 =	vsel vm12, s0, v23  }
0x168: {  	s21 =	sshrl.u32 s6, $0x1F;
	s10 =	sshrl.u32 s16, $0x1F;
	vm5 =	vcmask $0x1714;
	v25 =	vsel vm2, s7, v25;
	s11 =	sshrl.u32 s5, $0x1F;
	v23 =	vsel vm2, s9, v23  }
0x169: {  	s1 =	sadd.s32 s8, s1;
	s22 =	sshra.s32 s5, $0x5;
	v26 =	vsel vm2, s10, v26;
	s23 =	sshrl.u32 s15, $0x1F;
	v25 =	vsel vm0, s11, v25;
	v23 =	vsel vm5, s2, v23  }
0x16a: {  	v26 =	vsel vm0, s23, v26;
	s24 =	sshrl.u32 s1, $0x1F;
	s0 =	sadd.s32 s4, s25;
	v25 =	vsel vm4, s21, v25;
	s25 =	sshra.s32 s5, $0x1F;
	v23 =	vsel vm0, s22, v23  }
0x16b: {  	s8 =	sshra.s32 s13, $0x5;
	s7 =	sshra.s32 s6, $0x5;
	v24 =	vcombine.low v26, v24;
	s5 =	sshra.s32 s19, $0x5;
	v25 =	vsel vm6, s24, v25;
	v23 =	vsel vm15, s25, v23  }
0x16c: {  	s10 =	sshra.s32 s6, $0x1F;
	s3 =	sshrl.u32 s0, $0x1F;
	v52 =	vmov s5;
	s9 =	sshra.s32 s20, $0x5;
	v23 =	vsel vm4, s7, v23;
	vm4 =	vcmask $0x2724  }
0x16d: {  	s13 =	sshra.s32 s17, $0x5;
	s11 =	sshra.s32 s14, $0x5;
	s14 =	sshra.s32 s1, $0x5;
	v25 =	vsel vm7, s3, v25;
	v53 =	vmov s9;
	v23 =	vsel vm4, s10, v23  }
0x16e: {  	s1 =	sshra.s32 s1, $0x1F;
	s19 =	sshra.s32 s16, $0x5;
	v27 =	vsel vm1, s8, v52;
	v28 =	vsel vm1, s13, v53;
	v23 =	vsel vm6, s14, v23  }
0x16f: {  	s17 =	sshra.s32 s12, $0x5;
	s20 =	sshra.s32 s15, $0x5;
	s21 =	sshra.s32 s0, $0x5;
	v27 =	vsel vm2, s11, v27;
	v28 =	vsel vm2, s19, v28;
	v23 =	vsel vm13, s1, v23  }
0x170: {  	s0 =	sshra.s32 s0, $0x1F;
	s22 =	sshrl.u32 s18, $0x1F;
	v27 =	vsel vm0, s17, v27;
	v28 =	vsel vm0, s20, v28;
	v23 =	vsel vm7, s21, v23  }
0x171: {  	s24 =	sshra.s32 s18, $0x5;
	v25 =	vsel vm3, s22, v25;
	v54 =	vcombine.low v28, v27;
	v23 =	vsel vm10, s0, v23  }
0x172: {  	v24 =	vperm.xlane v24, v0;
	v25 =	vperm.xlane v25, v1;
	v23 =	vsel vm3, s24, v23  }
0x173: {  	v26 =	vperm.xlane v54, v0;
	v23 =	vperm.xlane v23, v1;
	_ =	sdelay $0x1  }
0x174: {  	v24 =	vsel vm8, v25, v24;
	v23 =	vsel vm8, v23, v26  }
0x175: {  	v23 =	vadd.s32 v24, v23  }
0x176: {  	v24 =	vmul.u32 $0xFFFFFFB0, v23;
	_ =	sdelay $0x1  }
0x177: {  	v24 =	vadd.s32 v22, v24  }
0x178: {  	v55 =	vshll.u32 v24, $0x2  }
0x179: {  	vm9 =	vlt.s32 v24, $0x0;
	v56 =	vadd.s32 $0x140, v55  }
0x17a: {  	v25 =	vsel vm9, v56, v55  }
0x17b: {  	v26 =	vshll.u32 v25, $0x3  }
0x17c: {  	v25 =	vand.u32 $0x7C, v25;
	v26 =	vand.u32 $0xFFFFFC00, v26  }
0x17d: {  	v25 =	vor.u32 v25, v26  }
0x17e: {  	vm11 =	vlt.s32 v22, $0x1;
	vm9 =	vne.s32 v24, $0x0;
	v22 =	vadd.s32 v14, v25  }
0x17f: {  	vm9 =	vmand vm11, vm9  }
0x180: {  	v57 =	vsel vm9, $0xFFFFFFFF, v2  }
0x181: {  	v23 =	vadd.s32 v57, v23  }
0x182: {  	v23 =	vshll.u32 v23, $0x2  }
0x183: {  	v23 =	vand.u32 $0x7C, v23;
	v22 =	vld.idx.msk [tilespmem:v22+s29+$0x0], $0xffff  }
0x184: {  	v58 =	vor.u32 v15, v23;
	_ =	sdelay $0x3  }
0x185: {  	[tilespmem:v15+s26+$0x0] =	vst.idx.msk $0xffff, v22  }
0x186: {  	v22 =	vld.idx.msk [tilespmem:v58+s30+$0x0], $0xffff  }
0x187: {  	v59 =	vadd.s32 v16, v25;
	_ =	sdelay $0x3  }
0x188: {  	[tilespmem:v15+s28+$0x0] =	vst.idx.msk $0xffff, v22  }
0x189: {  	v22 =	vld.idx.msk [tilespmem:v59+s29+$0x0], $0xffff  }
0x18a: {  	v60 =	vor.u32 v17, v23;
	_ =	sdelay $0x3  }
0x18b: {  	[tilespmem:v17+s26+$0x0] =	vst.idx.msk $0xffff, v22  }
0x18c: {  	v22 =	vld.idx.msk [tilespmem:v60+s30+$0x0], $0xffff  }
0x18d: {  	v61 =	vadd.s32 v18, v25;
	_ =	sdelay $0x3  }
0x18e: {  	[tilespmem:v17+s28+$0x0] =	vst.idx.msk $0xffff, v22  }
0x18f: {  	v22 =	vld.idx.msk [tilespmem:v61+s29+$0x0], $0xffff  }
0x190: {  	v62 =	vor.u32 v19, v23;
	_ =	sdelay $0x3  }
0x191: {  	[tilespmem:v19+s26+$0x0] =	vst.idx.msk $0xffff, v22  }
0x192: {  	v22 =	vld.idx.msk [tilespmem:v62+s30+$0x0], $0xffff  }
0x193: {  	v63 =	vadd.s32 v20, v25;
	_ =	sdelay $0x3  }
0x194: {  	[tilespmem:v19+s28+$0x0] =	vst.idx.msk $0xffff, v22  }
0x195: {  	v22 =	vld.idx.msk [tilespmem:v63+s29+$0x0], $0xffff  }
0x196: {  	v23 =	vor.u32 v21, v23;
	_ =	sdelay $0x3  }
0x197: {  	[tilespmem:v21+s26+$0x0] =	vst.idx.msk $0xffff, v22  }
0x198: {  	v22 =	vld.idx.msk [tilespmem:v23+s30+$0x0], $0xffff;
	_ =	sdelay $0x4  }
0x199: {  	s31 =	simm.s32 $0x0;
	s25 =	rddreg [dreg:$0x4];
	s29 =	simm.s32 $0x2;
	[tilespmem:v21+s28+$0x0] =	vst.idx.msk $0xffff, v22  }
0x19a: {  	[hbm4b:s25+s31] =	stream.linear.scatter [tilespmem:s26], [sflag:$0x2], $0x1000, $0x38;
	[tilespmem:$0x7180] =	vst v63  }
0x19b: {  	s23 =	rddreg [dreg:$0x11];
	_ =	swait.ge [sflag:s29], $0x1000  }
0x19c: {  	p0 =	sne.s32 s23, $0x1;
	[sflag:s29] =	ssyncset.done $0x0  }
.Ltmp0:
0x19d: {  	s30 =	rddreg [dreg:$0x5];
	[sflag:s29] =	ssyncadd.s32 $0xFFFFF000;
	(pc) =	sbr.rel @p0 .LBB2_1-.Ltmp0, $4  }
0x19e: {  	[hbm4b:s30+s31] =	stream.linear.scatter [tilespmem:s28], [sflag:$0x2], $0x1000, $0x38;
	[tilespmem:$0x7180] =	vst v63  }
0x19f: {  	_ =	swait.ge [sflag:s29], $0x1000  }
0x1a0: {  	s31 =	simm.s32 $0x2;
	[sflag:s29] =	ssyncset.done $0x0  }
0x1a1: {  	s1 =	sadd.s32 $0xFFFFFFFF, s23;
	[sflag:s31] =	ssyncadd.s32 $0xFFFFF000  }
0x1a2: {  	_ =	sfence.sel $0x180000  }
0x1a3: {  	[bflag:$0x0] =	sbarrier.arrive $0xFFFF  }
0x1a4: {  	_ =	strace $0x9000004D  }
0x1a5: {  	s0 =	stileid.u32;
	[bflag:$0x2] =	sbarrier.arrive $0xFFFF  }
0x1a6: {  	p0 =	sne.s32 s0, $0x0;
	s0 =	rddreg [dreg:$0x1]  }
0x1a7: {  	s0 =	sadd.s32 @!p0 $0x100000, s0  }
0x1a8: {  	[sflag:s0] =	ssyncadd.tile.s32 @!p0 $0x1;
	_ =	shalt  }
.Lfunc_end2:
_tile_overlayer_lowered:
.L_overlay_start_2:
0x1a9: {  	(tag) =	ssettag $0x2  }
0x1aa: {  	s0 =	rddreg [dreg:$0x0];
	s2 =	stileid.u32  }
0x1ab: {  	s1 =	rddreg [dreg:$0x1];
	p0 =	sne.s32 s2, $0x0  }
0x1ac: {  	s3 =	rddreg [dreg:$0x2];
	[bflag:$0x3] =	sbarrier.arrive $0xFFFF;
	s2 =	simm.s32 @!p0 $0x1C02  }
0x1ad: {  	[timem:s3], [sflag:s2] =	dma.local @!p0 [hbm:s0], s1  }
0x1ae: {  	s0 =	simm.s32 @!p0 $0x2  }
0x1af: {  	_ =	swait.ge @!p0 [sflag:s0], s1  }
0x1b0: {  	s1 =	ssub.s32 @!p0 $0x0, s1;
	[sflag:s0] =	ssyncset.done @!p0 $0x0  }
0x1b1: {  	[sflag:s0] =	ssyncadd.s32 @!p0 s1  }
0x1b2: {  	[bflag:$0x3] =	sbarrier.arrive $0xFFFF  }
0x1b3: {  	_ =	shalt  }

</sc_bundles>
